<compile_context>
chip_gen: v7x
topology: tpu7x:2x2x1
jax: 0.10.2.dev20260603
libtpu: 0.0.44.dev20260713+nightly
codegen_flags: <defaults>
</compile_context>

<pallas_src>
import functools

import jax
import jax.numpy as jnp
from jax import lax
from jax.experimental import pallas as pl
from jax.experimental.pallas import tpu as pltpu
from jax.experimental.pallas import tpu_sc as plsc

N_IN = 10000
N_OUT = 10000
K = 32
E = N_OUT * K
IN_DIM = 128
OUT_DIM = 128
PROJ_HID = 256
KER_HID = 32
NDIM = 3
TW = 128

_PROJ_BLK = 1000


def _proj_body(x_ref, g_ref, w1_ref, b1_ref, w2_ref, b2_ref, k1a_ref, o_ref):
    h = jnp.dot(x_ref[...], w1_ref[...], preferred_element_type=jnp.float32)
    h = jax.nn.gelu(h + b1_ref[...])
    f = jnp.dot(h, w2_ref[...], preferred_element_type=jnp.float32) + b2_ref[...]
    p = jnp.dot(g_ref[...], k1a_ref[...], preferred_element_type=jnp.float32)
    fb = f.astype(jnp.bfloat16).astype(jnp.float32)
    pb = p.astype(jnp.bfloat16).astype(jnp.float32)
    pe = jnp.concatenate(
        [pb, jnp.zeros((_PROJ_BLK, TW - KER_HID), jnp.float32)], axis=1)
    u = (lax.bitcast_convert_type(fb, jnp.uint32)
         | (lax.bitcast_convert_type(pe, jnp.uint32) >> 16))
    o_ref[...] = lax.bitcast_convert_type(u, jnp.float32)


def _proj_pack(x, gridp, w1, b1, w2, b2, k1a):
    grid = (N_IN // _PROJ_BLK,)
    return pl.pallas_call(
        _proj_body,
        grid=grid,
        in_specs=[
            pl.BlockSpec((_PROJ_BLK, IN_DIM), lambda i: (i, 0)),
            pl.BlockSpec((_PROJ_BLK, 4), lambda i: (i, 0)),
            pl.BlockSpec((IN_DIM, PROJ_HID), lambda i: (0, 0)),
            pl.BlockSpec((PROJ_HID,), lambda i: (0,)),
            pl.BlockSpec((PROJ_HID, OUT_DIM), lambda i: (0, 0)),
            pl.BlockSpec((OUT_DIM,), lambda i: (0,)),
            pl.BlockSpec((4, KER_HID), lambda i: (0, 0)),
        ],
        out_specs=pl.BlockSpec((_PROJ_BLK, TW), lambda i: (i, 0)),
        out_shape=jax.ShapeDtypeStruct((N_IN, TW), jnp.float32),
    )(x, gridp, w1, b1, w2, b2, k1a)


_NC = 2
_NS = 16
_NW = _NC * _NS
_NSPLIT = 5
_E_S = E // _NSPLIT
_PTS_S = N_OUT // _NSPLIT
_PER_W = _E_S // _NW
_CHUNK = 80
_NCHUNK = _PER_W // _CHUNK
_NBUF = 4


def _gather_body(idx_hbm, t_hbm, t_out, idx_v, t_v, sg, so):
    wid = lax.axis_index("s") * _NC + lax.axis_index("c")
    base = wid * _PER_W

    pltpu.sync_copy(idx_hbm.at[pl.ds(base, _PER_W)], idx_v)

    def start_gather(t, buf):
        pltpu.async_copy(
            t_hbm.at[idx_v.at[pl.ds(t * _CHUNK, _CHUNK)]], t_v.at[buf], sg)

    def drain_gather(buf):
        pltpu.make_async_copy(
            t_hbm.at[idx_v.at[pl.ds(0, _CHUNK)]], t_v.at[buf], sg).wait()

    def drain_store(buf):
        pltpu.make_async_copy(
            t_v.at[buf], t_out.at[pl.ds(base, _CHUNK)], so).wait()

    start_gather(0, 0)
    start_gather(1, 1)

    def body(t, carry):
        cur = lax.rem(t, _NBUF)

        @pl.when(t + 2 < _NCHUNK)
        def _():
            nxt = lax.rem(t + 2, _NBUF)

            @pl.when(t >= 2)
            def _():
                drain_store(nxt)
            start_gather(t + 2, nxt)

        drain_gather(cur)
        pltpu.async_copy(
            t_v.at[cur], t_out.at[pl.ds(base + t * _CHUNK, _CHUNK)], so)
        return carry

    lax.fori_loop(0, _NCHUNK, body, 0)
    for b in range(_NBUF):
        drain_store(b)


def _gather(idx, table):
    mesh = plsc.VectorSubcoreMesh(core_axis_name="c", subcore_axis_name="s")
    return pl.kernel(
        _gather_body,
        out_type=jax.ShapeDtypeStruct((_E_S, TW), jnp.float32),
        mesh=mesh,
        scratch_types=[
            pltpu.VMEM((_PER_W,), jnp.int32),
            pltpu.VMEM((_NBUF, _CHUNK, TW), jnp.float32),
            pltpu.SemaphoreType.DMA,
            pltpu.SemaphoreType.DMA,
        ],
    )(idx, table)


_BPTS = 400
_BE = _BPTS * K


def _edge_body(t_ref, og_ref, k1b_ref, kb1_ref, k2_ref, kb2_ref, o_ref):
    u = lax.bitcast_convert_type(t_ref[...], jnp.uint32)
    g = lax.bitcast_convert_type(u & jnp.uint32(0xFFFF0000), jnp.float32)
    a1 = lax.bitcast_convert_type(u << 16, jnp.float32)[:, :KER_HID]
    q = (
        jnp.dot(og_ref[...], k1b_ref[...], preferred_element_type=jnp.float32)
        + kb1_ref[...]
    )
    h1 = jax.nn.gelu(a1.reshape(_BPTS, K, KER_HID) + q[:, None, :])
    kern = (
        jnp.dot(h1.reshape(_BE, KER_HID), k2_ref[...],
                preferred_element_type=jnp.float32)
        + kb2_ref[...]
    )
    vals = kern * g
    o_ref[...] = vals.reshape(_BPTS, K, OUT_DIM).sum(axis=1) * (1.0 / K)


def _edge(tgb, ogp, k1b, kb1, k2, kb2):
    grid = (_PTS_S // _BPTS,)
    return pl.pallas_call(
        _edge_body,
        grid=grid,
        in_specs=[
            pl.BlockSpec((_BE, TW), lambda i: (i, 0)),
            pl.BlockSpec((_BPTS, 4), lambda i: (i, 0)),
            pl.BlockSpec((4, KER_HID), lambda i: (0, 0)),
            pl.BlockSpec((KER_HID,), lambda i: (0,)),
            pl.BlockSpec((KER_HID, OUT_DIM), lambda i: (0, 0)),
            pl.BlockSpec((OUT_DIM,), lambda i: (0,)),
        ],
        out_specs=pl.BlockSpec((_BPTS, OUT_DIM), lambda i: (i, 0)),
        out_shape=jax.ShapeDtypeStruct((_PTS_S, OUT_DIM), jnp.float32),
    )(tgb, ogp, k1b, kb1, k2, kb2)


def kernel(inp, input_grid, output_grid, neighbors_index,
           W1, b1, W2, b2, K1, kb1, K2, kb2):
    x = inp[0]
    gridp = jnp.pad(input_grid, ((0, 0), (0, 1)))
    k1a = jnp.zeros((4, KER_HID), jnp.float32).at[:NDIM, :].set(K1[:NDIM])
    k1b = jnp.zeros((4, KER_HID), jnp.float32).at[:NDIM, :].set(K1[NDIM:])

    table = _proj_pack(x, gridp, W1, b1, W2, b2, k1a)
    ogp = jnp.pad(output_grid, ((0, 0), (0, 1)))

    outs = []
    for i in range(_NSPLIT):
        idx_i = lax.slice_in_dim(neighbors_index, i * _E_S, (i + 1) * _E_S)
        og_i = lax.slice_in_dim(ogp, i * _PTS_S, (i + 1) * _PTS_S)
        tg = _gather(idx_i, table)
        outs.append(_edge(tg, og_i, k1b, kb1, K2, kb2))
    out = jnp.concatenate(outs, axis=0)
    return out[None]

# --- scband reference (transcript-rebuilt; emitter-appended) ---
"""Pipeline reference for scband-gno-26568667693798 (READ-ONLY COPY).

The authoritative reference and input builder live on the scoring server;
editing this copy changes nothing except your own understanding.
"""

import jax, jax.numpy as jnp
import numpy as np

N_IN = 10000
N_OUT = 10000
K = 32
IN_DIM = 128
OUT_DIM = 128
PROJ_HID = 256
KER_HID = 32
NDIM = 3


def setup_inputs(seed: int = 0) -> dict:
    key = jax.random.key(seed)
    ks = jax.random.split(key, 12)
    inp = jax.random.normal(ks[0], (1, N_IN, IN_DIM), dtype=jnp.float32)
    input_grid = jax.random.uniform(ks[1], (N_IN, NDIM), dtype=jnp.float32)
    output_grid = jax.random.uniform(ks[2], (N_OUT, NDIM), dtype=jnp.float32)
    # FixedNeighborSearch: n_neigbor=K neighbors per output point, CSR layout
    neighbors_index = jax.random.randint(ks[3], (N_OUT * K,), 0, N_IN, dtype=jnp.int32)
    # projection MLPLinear([IN_DIM, PROJ_HID, OUT_DIM])
    W1 = jax.random.normal(ks[4], (IN_DIM, PROJ_HID), dtype=jnp.float32) / np.sqrt(IN_DIM)
    b1 = jnp.zeros((PROJ_HID,), dtype=jnp.float32)
    W2 = jax.random.normal(ks[5], (PROJ_HID, OUT_DIM), dtype=jnp.float32) / np.sqrt(PROJ_HID)
    b2 = jnp.zeros((OUT_DIM,), dtype=jnp.float32)
    # kernel MLP for IntegralTransform: layers [2*NDIM, KER_HID, OUT_DIM]
    K1 = jax.random.normal(ks[6], (2 * NDIM, KER_HID), dtype=jnp.float32) / np.sqrt(2 * NDIM)
    kb1 = jnp.zeros((KER_HID,), dtype=jnp.float32)
    K2 = jax.random.normal(ks[7], (KER_HID, OUT_DIM), dtype=jnp.float32) / np.sqrt(KER_HID)
    kb2 = jnp.zeros((OUT_DIM,), dtype=jnp.float32)
    return {"inp": inp, "input_grid": input_grid, "output_grid": output_grid,
            "neighbors_index": neighbors_index,
            "W1": W1, "b1": b1, "W2": W2, "b2": b2,
            "K1": K1, "kb1": kb1, "K2": K2, "kb2": kb2}


def reference(inp, input_grid, output_grid, neighbors_index, W1, b1, W2, b2, K1, kb1, K2, kb2):
    # pointwise projection MLP (linear -> gelu -> linear)
    h = jax.nn.gelu(inp @ W1 + b1)
    x = h @ W2 + b2
    f = x[0]  # (N_IN, OUT_DIM)
    # IntegralTransform, transform_type='linear':
    # gather neighbor coordinates (y_j) and repeat self coordinates (x_i)
    rep_features = jnp.take(input_grid, neighbors_index, axis=0)           # (E, NDIM)
    self_features = jnp.repeat(output_grid, K, axis=0)                      # (E, NDIM)
    agg = jnp.concatenate([rep_features, self_features], axis=-1)          # (E, 2*NDIM)
    # kernel MLP (linear -> gelu -> linear)
    kern = jax.nn.gelu(agg @ K1 + kb1) @ K2 + kb2                           # (E, OUT_DIM)
    # linear transform: k(x, y) * f(y), elementwise
    vals = kern * jnp.take(f, neighbors_index, axis=0)                      # (E, OUT_DIM)
    # segment mean over fixed-size neighborhoods (segment_csr with reduce='mean')
    seg_ids = jnp.repeat(jnp.arange(N_OUT, dtype=jnp.int32), K)
    out = jax.ops.segment_sum(vals, seg_ids, num_segments=N_OUT) / K        # (N_OUT, OUT_DIM)
    return out[None, ...]

if __name__ == "__main__":
    import jax
    _d = setup_inputs()
    print(jax.jit(kernel)(*tuple(_d.values())))

</pallas_src>

<mosaic_0001>
#map = affine_map<(d0, d1) -> (0)>
#map1 = affine_map<(d0, d1) -> (0, 0)>
module attributes {stable_mosaic.version = 14 : i64} {
  func.func @_gather_body(%arg0: i32, %arg1: i32, %arg2: memref<64000xi32, #tpu.memory_space<hbm>>, %arg3: memref<10000x128xf32, #tpu.memory_space<hbm>>, %arg4: memref<64000x128xf32, #tpu.memory_space<hbm>>, %arg5: memref<2000xi32, #tpu.memory_space<vmem>>, %arg6: memref<4x80x128xf32, #tpu.memory_space<vmem>>, %arg7: memref<!tpu.dma_semaphore, #tpu.memory_space<semaphore_mem>>, %arg8: memref<!tpu.dma_semaphore, #tpu.memory_space<semaphore_mem>>) attributes {dimension_semantics = [#tpu.dimension_semantics<core_parallel>, #tpu.dimension_semantics<subcore_parallel>], iteration_bounds = array<i64: 2, 16>, scalar_prefetch = 0 : i64, scratch_operands = 4 : i64, tpu.core_type = #tpu.core_type<sc_vector_subcore>, window_params = [{transform_indices = #map}, {transform_indices = #map1}, {transform_indices = #map1}]} {
    %mul3A = arith.constant 2 : i32
    %mul3A_0 = arith.muli %arg1, %mul3A : i32
    %add3A = arith.addi %mul3A_0, %arg0 : i32
    %mul3A_1 = arith.constant 2000 : i32
    %mul3A_2 = arith.muli %add3A, %mul3A_1 : i32
    "tpu.region"() ({
      %run_scoped3A = tpu.sem_alloc : memref<!tpu.dma_semaphore, #tpu.memory_space<semaphore_mem>>
      %dma_start3A_78 = tpu.memref_slice %arg2[%mul3A_2] : memref<64000xi32, #tpu.memory_space<hbm>> -> memref<2000xi32, #tpu.memory_space<hbm>>
      %dma_start3A_79 = tpu.memref_slice %arg2[%mul3A_2] : memref<64000xi32, #tpu.memory_space<hbm>> -> memref<2000xi32, #tpu.memory_space<hbm>>
      tpu.enqueue_dma source(%dma_start3A_79 : memref<2000xi32, #tpu.memory_space<hbm>>) target(%arg5 : memref<2000xi32, #tpu.memory_space<vmem>>) target_semaphore(%run_scoped3A : memref<!tpu.dma_semaphore, #tpu.memory_space<semaphore_mem>>)
      %dma_wait3A_80 = tpu.memref_slice %arg2[%mul3A_2] : memref<64000xi32, #tpu.memory_space<hbm>> -> memref<2000xi32, #tpu.memory_space<hbm>>
      %dma_wait3A_81 = tpu.memref_slice %arg2[%mul3A_2] : memref<64000xi32, #tpu.memory_space<hbm>> -> memref<2000xi32, #tpu.memory_space<hbm>>
      tpu.wait_dma2 semaphore(%run_scoped3A : memref<!tpu.dma_semaphore, #tpu.memory_space<semaphore_mem>>) src(%dma_wait3A_81 : memref<2000xi32, #tpu.memory_space<hbm>>) dst(%arg5 : memref<2000xi32, #tpu.memory_space<vmem>>)
      tpu.yield
    }) : () -> ()
    %dma_start3A = arith.constant 0 : i32
    %dma_start3A_3 = arith.constant 0 : i32
    %dma_start3A_4 = arith.constant 0 : i32
    %dma_start3A_5 = tpu.memref_slice %arg6[%dma_start3A, %dma_start3A_3, %dma_start3A_4] : memref<4x80x128xf32, #tpu.memory_space<vmem>> -> memref<1x80x128xf32, #tpu.memory_space<vmem>>
    %dma_start3A_6 = tpu.memref_squeeze %dma_start3A_5 : memref<1x80x128xf32, #tpu.memory_space<vmem>> -> memref<80x128xf32, #tpu.memory_space<vmem>>
    %dma_start3A_7 = arith.constant 0 : i32
    %dma_start3A_8 = tpu.memref_slice %arg5[%dma_start3A_7] : memref<2000xi32, #tpu.memory_space<vmem>> -> memref<80xi32, #tpu.memory_space<vmem>>
    %dma_start3A_9 = arith.constant 0 : i32
    %dma_start3A_10 = arith.constant 0 : i32
    %dma_start3A_11 = tpu.memref_slice %arg3[%dma_start3A_9, %dma_start3A_10] : memref<10000x128xf32, #tpu.memory_space<hbm>> -> memref<10000x128xf32, #tpu.memory_space<hbm>>
    tpu.enqueue_indirect_dma source(%dma_start3A_11 : memref<10000x128xf32, #tpu.memory_space<hbm>>) target(%dma_start3A_6 : memref<80x128xf32, #tpu.memory_space<vmem>>) offsets(%dma_start3A_8 : memref<80xi32, #tpu.memory_space<vmem>>) semaphore(%arg7 : memref<!tpu.dma_semaphore, #tpu.memory_space<semaphore_mem>>)
    %dma_start3A_12 = arith.constant 1 : i32
    %dma_start3A_13 = arith.constant 0 : i32
    %dma_start3A_14 = arith.constant 0 : i32
    %dma_start3A_15 = tpu.memref_slice %arg6[%dma_start3A_12, %dma_start3A_13, %dma_start3A_14] : memref<4x80x128xf32, #tpu.memory_space<vmem>> -> memref<1x80x128xf32, #tpu.memory_space<vmem>>
    %dma_start3A_16 = tpu.memref_squeeze %dma_start3A_15 : memref<1x80x128xf32, #tpu.memory_space<vmem>> -> memref<80x128xf32, #tpu.memory_space<vmem>>
    %dma_start3A_17 = arith.constant 80 : i32
    %dma_start3A_18 = tpu.memref_slice %arg5[%dma_start3A_17] : memref<2000xi32, #tpu.memory_space<vmem>> -> memref<80xi32, #tpu.memory_space<vmem>>
    %dma_start3A_19 = arith.constant 0 : i32
    %dma_start3A_20 = arith.constant 0 : i32
    %dma_start3A_21 = tpu.memref_slice %arg3[%dma_start3A_19, %dma_start3A_20] : memref<10000x128xf32, #tpu.memory_space<hbm>> -> memref<10000x128xf32, #tpu.memory_space<hbm>>
    tpu.enqueue_indirect_dma source(%dma_start3A_21 : memref<10000x128xf32, #tpu.memory_space<hbm>>) target(%dma_start3A_16 : memref<80x128xf32, #tpu.memory_space<vmem>>) offsets(%dma_start3A_18 : memref<80xi32, #tpu.memory_space<vmem>>) semaphore(%arg7 : memref<!tpu.dma_semaphore, #tpu.memory_space<semaphore_mem>>)
    %scan3A = arith.constant 0 : i32
    %scan3A_22 = arith.constant 0 : i32
    %scan3A_23 = arith.constant 25 : i32
    %scan3A_24 = arith.addi %scan3A_22, %scan3A_23 : i32
    %scan3A_25 = arith.constant 1 : i32
    scf.for %scan3A_78 = %scan3A_22 to %scan3A_24 step %scan3A_25  : i32 {
      %rem3A = arith.constant 4 : i32
      %rem3A_79 = arith.remsi %scan3A_78, %rem3A : i32
      %add3A_80 = arith.constant 2 : i32
      %add3A_81 = arith.addi %scan3A_78, %add3A_80 : i32
      %lt3A = arith.constant 25 : i32
      %lt3A_82 = arith.cmpi slt, %add3A_81, %lt3A : i32
      %convert_element_type3A = arith.extui %lt3A_82 : i1 to i32
      %cond3A = arith.constant 0 : i32
      %cond3A_83 = arith.cmpi ne, %convert_element_type3A, %cond3A : i32
      scf.if %cond3A_83 {
        %add3A_108 = arith.constant 2 : i32
        %add3A_109 = arith.addi %scan3A_78, %add3A_108 : i32
        %rem3A_110 = arith.constant 4 : i32
        %rem3A_111 = arith.remsi %add3A_109, %rem3A_110 : i32
        %ge3A = arith.constant 2 : i32
        %ge3A_112 = arith.cmpi sge, %scan3A_78, %ge3A : i32
        %convert_element_type3A_113 = arith.extui %ge3A_112 : i1 to i32
        %cond3A_114 = arith.constant 0 : i32
        %cond3A_115 = arith.cmpi ne, %convert_element_type3A_113, %cond3A_114 : i32
        scf.if %cond3A_115 {
          %dma_wait3A_128 = arith.constant 0 : i32
          %dma_wait3A_129 = arith.constant 0 : i32
          %dma_wait3A_130 = tpu.memref_slice %arg6[%rem3A_111, %dma_wait3A_128, %dma_wait3A_129] : memref<4x80x128xf32, #tpu.memory_space<vmem>> -> memref<1x80x128xf32, #tpu.memory_space<vmem>>
          %dma_wait3A_131 = tpu.memref_squeeze %dma_wait3A_130 : memref<1x80x128xf32, #tpu.memory_space<vmem>> -> memref<80x128xf32, #tpu.memory_space<vmem>>
          %dma_wait3A_132 = arith.constant 0 : i32
          %dma_wait3A_133 = tpu.memref_slice %arg4[%mul3A_2, %dma_wait3A_132] : memref<64000x128xf32, #tpu.memory_space<hbm>> -> memref<80x128xf32, #tpu.memory_space<hbm>>
          %dma_wait3A_134 = arith.constant 0 : i32
          %dma_wait3A_135 = tpu.memref_slice %arg4[%mul3A_2, %dma_wait3A_134] : memref<64000x128xf32, #tpu.memory_space<hbm>> -> memref<80x128xf32, #tpu.memory_space<hbm>>
          %dma_wait3A_136 = arith.constant 0 : i32
          %dma_wait3A_137 = arith.constant 0 : i32
          %dma_wait3A_138 = tpu.memref_slice %arg6[%rem3A_111, %dma_wait3A_136, %dma_wait3A_137] : memref<4x80x128xf32, #tpu.memory_space<vmem>> -> memref<1x80x128xf32, #tpu.memory_space<vmem>>
          %dma_wait3A_139 = tpu.memref_squeeze %dma_wait3A_138 : memref<1x80x128xf32, #tpu.memory_space<vmem>> -> memref<80x128xf32, #tpu.memory_space<vmem>>
          tpu.wait_dma2 semaphore(%arg8 : memref<!tpu.dma_semaphore, #tpu.memory_space<semaphore_mem>>) src(%dma_wait3A_139 : memref<80x128xf32, #tpu.memory_space<vmem>>) dst(%dma_wait3A_135 : memref<80x128xf32, #tpu.memory_space<hbm>>)
        } else {
        }
        %add3A_116 = arith.constant 2 : i32
        %add3A_117 = arith.addi %scan3A_78, %add3A_116 : i32
        %mul3A_118 = arith.constant 80 : i32
        %mul3A_119 = arith.muli %add3A_117, %mul3A_118 : i32
        %dma_start3A_120 = arith.constant 0 : i32
        %dma_start3A_121 = arith.constant 0 : i32
        %dma_start3A_122 = tpu.memref_slice %arg6[%rem3A_111, %dma_start3A_120, %dma_start3A_121] : memref<4x80x128xf32, #tpu.memory_space<vmem>> -> memref<1x80x128xf32, #tpu.memory_space<vmem>>
        %dma_start3A_123 = tpu.memref_squeeze %dma_start3A_122 : memref<1x80x128xf32, #tpu.memory_space<vmem>> -> memref<80x128xf32, #tpu.memory_space<vmem>>
        %dma_start3A_124 = tpu.memref_slice %arg5[%mul3A_119] : memref<2000xi32, #tpu.memory_space<vmem>> -> memref<80xi32, #tpu.memory_space<vmem>>
        %dma_start3A_125 = arith.constant 0 : i32
        %dma_start3A_126 = arith.constant 0 : i32
        %dma_start3A_127 = tpu.memref_slice %arg3[%dma_start3A_125, %dma_start3A_126] : memref<10000x128xf32, #tpu.memory_space<hbm>> -> memref<10000x128xf32, #tpu.memory_space<hbm>>
        tpu.enqueue_indirect_dma source(%dma_start3A_127 : memref<10000x128xf32, #tpu.memory_space<hbm>>) target(%dma_start3A_123 : memref<80x128xf32, #tpu.memory_space<vmem>>) offsets(%dma_start3A_124 : memref<80xi32, #tpu.memory_space<vmem>>) semaphore(%arg7 : memref<!tpu.dma_semaphore, #tpu.memory_space<semaphore_mem>>)
      } else {
      }
      %dma_wait3A_84 = arith.constant 0 : i32
      %dma_wait3A_85 = arith.constant 0 : i32
      %dma_wait3A_86 = tpu.memref_slice %arg6[%rem3A_79, %dma_wait3A_84, %dma_wait3A_85] : memref<4x80x128xf32, #tpu.memory_space<vmem>> -> memref<1x80x128xf32, #tpu.memory_space<vmem>>
      %dma_wait3A_87 = tpu.memref_squeeze %dma_wait3A_86 : memref<1x80x128xf32, #tpu.memory_space<vmem>> -> memref<80x128xf32, #tpu.memory_space<vmem>>
      %dma_wait3A_88 = arith.constant 0 : i32
      %dma_wait3A_89 = tpu.memref_slice %arg5[%dma_wait3A_88] : memref<2000xi32, #tpu.memory_space<vmem>> -> memref<80xi32, #tpu.memory_space<vmem>>
      %dma_wait3A_90 = arith.constant 0 : i32
      %dma_wait3A_91 = arith.constant 0 : i32
      %dma_wait3A_92 = tpu.memref_slice %arg3[%dma_wait3A_90, %dma_wait3A_91] : memref<10000x128xf32, #tpu.memory_space<hbm>> -> memref<10000x128xf32, #tpu.memory_space<hbm>>
      tpu.wait_indirect_dma semaphore(%arg7 : memref<!tpu.dma_semaphore, #tpu.memory_space<semaphore_mem>>) src(%dma_wait3A_92 : memref<10000x128xf32, #tpu.memory_space<hbm>>) dst(%dma_wait3A_87 : memref<80x128xf32, #tpu.memory_space<vmem>>)
      %mul3A_93 = arith.constant 80 : i32
      %mul3A_94 = arith.muli %scan3A_78, %mul3A_93 : i32
      %add3A_95 = arith.addi %mul3A_2, %mul3A_94 : i32
      %dma_start3A_96 = arith.constant 0 : i32
      %dma_start3A_97 = arith.constant 0 : i32
      %dma_start3A_98 = tpu.memref_slice %arg6[%rem3A_79, %dma_start3A_96, %dma_start3A_97] : memref<4x80x128xf32, #tpu.memory_space<vmem>> -> memref<1x80x128xf32, #tpu.memory_space<vmem>>
      %dma_start3A_99 = tpu.memref_squeeze %dma_start3A_98 : memref<1x80x128xf32, #tpu.memory_space<vmem>> -> memref<80x128xf32, #tpu.memory_space<vmem>>
      %dma_start3A_100 = arith.constant 0 : i32
      %dma_start3A_101 = tpu.memref_slice %arg4[%add3A_95, %dma_start3A_100] : memref<64000x128xf32, #tpu.memory_space<hbm>> -> memref<80x128xf32, #tpu.memory_space<hbm>>
      %dma_start3A_102 = arith.constant 0 : i32
      %dma_start3A_103 = tpu.memref_slice %arg4[%add3A_95, %dma_start3A_102] : memref<64000x128xf32, #tpu.memory_space<hbm>> -> memref<80x128xf32, #tpu.memory_space<hbm>>
      %dma_start3A_104 = arith.constant 0 : i32
      %dma_start3A_105 = arith.constant 0 : i32
      %dma_start3A_106 = tpu.memref_slice %arg6[%rem3A_79, %dma_start3A_104, %dma_start3A_105] : memref<4x80x128xf32, #tpu.memory_space<vmem>> -> memref<1x80x128xf32, #tpu.memory_space<vmem>>
      %dma_start3A_107 = tpu.memref_squeeze %dma_start3A_106 : memref<1x80x128xf32, #tpu.memory_space<vmem>> -> memref<80x128xf32, #tpu.memory_space<vmem>>
      tpu.enqueue_dma source(%dma_start3A_107 : memref<80x128xf32, #tpu.memory_space<vmem>>) target(%dma_start3A_103 : memref<80x128xf32, #tpu.memory_space<hbm>>) target_semaphore(%arg8 : memref<!tpu.dma_semaphore, #tpu.memory_space<semaphore_mem>>)
    }
    %scan3A_26 = arith.constant 25 : i32
    %dma_wait3A = arith.constant 0 : i32
    %dma_wait3A_27 = arith.constant 0 : i32
    %dma_wait3A_28 = arith.constant 0 : i32
    %dma_wait3A_29 = tpu.memref_slice %arg6[%dma_wait3A, %dma_wait3A_27, %dma_wait3A_28] : memref<4x80x128xf32, #tpu.memory_space<vmem>> -> memref<1x80x128xf32, #tpu.memory_space<vmem>>
    %dma_wait3A_30 = tpu.memref_squeeze %dma_wait3A_29 : memref<1x80x128xf32, #tpu.memory_space<vmem>> -> memref<80x128xf32, #tpu.memory_space<vmem>>
    %dma_wait3A_31 = arith.constant 0 : i32
    %dma_wait3A_32 = tpu.memref_slice %arg4[%mul3A_2, %dma_wait3A_31] : memref<64000x128xf32, #tpu.memory_space<hbm>> -> memref<80x128xf32, #tpu.memory_space<hbm>>
    %dma_wait3A_33 = arith.constant 0 : i32
    %dma_wait3A_34 = tpu.memref_slice %arg4[%mul3A_2, %dma_wait3A_33] : memref<64000x128xf32, #tpu.memory_space<hbm>> -> memref<80x128xf32, #tpu.memory_space<hbm>>
    %dma_wait3A_35 = arith.constant 0 : i32
    %dma_wait3A_36 = arith.constant 0 : i32
    %dma_wait3A_37 = tpu.memref_slice %arg6[%dma_wait3A, %dma_wait3A_35, %dma_wait3A_36] : memref<4x80x128xf32, #tpu.memory_space<vmem>> -> memref<1x80x128xf32, #tpu.memory_space<vmem>>
    %dma_wait3A_38 = tpu.memref_squeeze %dma_wait3A_37 : memref<1x80x128xf32, #tpu.memory_space<vmem>> -> memref<80x128xf32, #tpu.memory_space<vmem>>
    tpu.wait_dma2 semaphore(%arg8 : memref<!tpu.dma_semaphore, #tpu.memory_space<semaphore_mem>>) src(%dma_wait3A_38 : memref<80x128xf32, #tpu.memory_space<vmem>>) dst(%dma_wait3A_34 : memref<80x128xf32, #tpu.memory_space<hbm>>)
    %dma_wait3A_39 = arith.constant 1 : i32
    %dma_wait3A_40 = arith.constant 0 : i32
    %dma_wait3A_41 = arith.constant 0 : i32
    %dma_wait3A_42 = tpu.memref_slice %arg6[%dma_wait3A_39, %dma_wait3A_40, %dma_wait3A_41] : memref<4x80x128xf32, #tpu.memory_space<vmem>> -> memref<1x80x128xf32, #tpu.memory_space<vmem>>
    %dma_wait3A_43 = tpu.memref_squeeze %dma_wait3A_42 : memref<1x80x128xf32, #tpu.memory_space<vmem>> -> memref<80x128xf32, #tpu.memory_space<vmem>>
    %dma_wait3A_44 = arith.constant 0 : i32
    %dma_wait3A_45 = tpu.memref_slice %arg4[%mul3A_2, %dma_wait3A_44] : memref<64000x128xf32, #tpu.memory_space<hbm>> -> memref<80x128xf32, #tpu.memory_space<hbm>>
    %dma_wait3A_46 = arith.constant 0 : i32
    %dma_wait3A_47 = tpu.memref_slice %arg4[%mul3A_2, %dma_wait3A_46] : memref<64000x128xf32, #tpu.memory_space<hbm>> -> memref<80x128xf32, #tpu.memory_space<hbm>>
    %dma_wait3A_48 = arith.constant 0 : i32
    %dma_wait3A_49 = arith.constant 0 : i32
    %dma_wait3A_50 = tpu.memref_slice %arg6[%dma_wait3A_39, %dma_wait3A_48, %dma_wait3A_49] : memref<4x80x128xf32, #tpu.memory_space<vmem>> -> memref<1x80x128xf32, #tpu.memory_space<vmem>>
    %dma_wait3A_51 = tpu.memref_squeeze %dma_wait3A_50 : memref<1x80x128xf32, #tpu.memory_space<vmem>> -> memref<80x128xf32, #tpu.memory_space<vmem>>
    tpu.wait_dma2 semaphore(%arg8 : memref<!tpu.dma_semaphore, #tpu.memory_space<semaphore_mem>>) src(%dma_wait3A_51 : memref<80x128xf32, #tpu.memory_space<vmem>>) dst(%dma_wait3A_47 : memref<80x128xf32, #tpu.memory_space<hbm>>)
    %dma_wait3A_52 = arith.constant 2 : i32
    %dma_wait3A_53 = arith.constant 0 : i32
    %dma_wait3A_54 = arith.constant 0 : i32
    %dma_wait3A_55 = tpu.memref_slice %arg6[%dma_wait3A_52, %dma_wait3A_53, %dma_wait3A_54] : memref<4x80x128xf32, #tpu.memory_space<vmem>> -> memref<1x80x128xf32, #tpu.memory_space<vmem>>
    %dma_wait3A_56 = tpu.memref_squeeze %dma_wait3A_55 : memref<1x80x128xf32, #tpu.memory_space<vmem>> -> memref<80x128xf32, #tpu.memory_space<vmem>>
    %dma_wait3A_57 = arith.constant 0 : i32
    %dma_wait3A_58 = tpu.memref_slice %arg4[%mul3A_2, %dma_wait3A_57] : memref<64000x128xf32, #tpu.memory_space<hbm>> -> memref<80x128xf32, #tpu.memory_space<hbm>>
    %dma_wait3A_59 = arith.constant 0 : i32
    %dma_wait3A_60 = tpu.memref_slice %arg4[%mul3A_2, %dma_wait3A_59] : memref<64000x128xf32, #tpu.memory_space<hbm>> -> memref<80x128xf32, #tpu.memory_space<hbm>>
    %dma_wait3A_61 = arith.constant 0 : i32
    %dma_wait3A_62 = arith.constant 0 : i32
    %dma_wait3A_63 = tpu.memref_slice %arg6[%dma_wait3A_52, %dma_wait3A_61, %dma_wait3A_62] : memref<4x80x128xf32, #tpu.memory_space<vmem>> -> memref<1x80x128xf32, #tpu.memory_space<vmem>>
    %dma_wait3A_64 = tpu.memref_squeeze %dma_wait3A_63 : memref<1x80x128xf32, #tpu.memory_space<vmem>> -> memref<80x128xf32, #tpu.memory_space<vmem>>
    tpu.wait_dma2 semaphore(%arg8 : memref<!tpu.dma_semaphore, #tpu.memory_space<semaphore_mem>>) src(%dma_wait3A_64 : memref<80x128xf32, #tpu.memory_space<vmem>>) dst(%dma_wait3A_60 : memref<80x128xf32, #tpu.memory_space<hbm>>)
    %dma_wait3A_65 = arith.constant 3 : i32
    %dma_wait3A_66 = arith.constant 0 : i32
    %dma_wait3A_67 = arith.constant 0 : i32
    %dma_wait3A_68 = tpu.memref_slice %arg6[%dma_wait3A_65, %dma_wait3A_66, %dma_wait3A_67] : memref<4x80x128xf32, #tpu.memory_space<vmem>> -> memref<1x80x128xf32, #tpu.memory_space<vmem>>
    %dma_wait3A_69 = tpu.memref_squeeze %dma_wait3A_68 : memref<1x80x128xf32, #tpu.memory_space<vmem>> -> memref<80x128xf32, #tpu.memory_space<vmem>>
    %dma_wait3A_70 = arith.constant 0 : i32
    %dma_wait3A_71 = tpu.memref_slice %arg4[%mul3A_2, %dma_wait3A_70] : memref<64000x128xf32, #tpu.memory_space<hbm>> -> memref<80x128xf32, #tpu.memory_space<hbm>>
    %dma_wait3A_72 = arith.constant 0 : i32
    %dma_wait3A_73 = tpu.memref_slice %arg4[%mul3A_2, %dma_wait3A_72] : memref<64000x128xf32, #tpu.memory_space<hbm>> -> memref<80x128xf32, #tpu.memory_space<hbm>>
    %dma_wait3A_74 = arith.constant 0 : i32
    %dma_wait3A_75 = arith.constant 0 : i32
    %dma_wait3A_76 = tpu.memref_slice %arg6[%dma_wait3A_65, %dma_wait3A_74, %dma_wait3A_75] : memref<4x80x128xf32, #tpu.memory_space<vmem>> -> memref<1x80x128xf32, #tpu.memory_space<vmem>>
    %dma_wait3A_77 = tpu.memref_squeeze %dma_wait3A_76 : memref<1x80x128xf32, #tpu.memory_space<vmem>> -> memref<80x128xf32, #tpu.memory_space<vmem>>
    tpu.wait_dma2 semaphore(%arg8 : memref<!tpu.dma_semaphore, #tpu.memory_space<semaphore_mem>>) src(%dma_wait3A_77 : memref<80x128xf32, #tpu.memory_space<vmem>>) dst(%dma_wait3A_73 : memref<80x128xf32, #tpu.memory_space<hbm>>)
    return
  }
}

#map = affine_map<(d0, d1) -> (0)>
#map1 = affine_map<(d0, d1) -> (0, 0)>
module attributes {stable_mosaic.version = 14 : i64} {
  func.func @_gather_body(%arg0: i32, %arg1: i32, %arg2: memref<64000xi32, #tpu.memory_space<hbm>>, %arg3: memref<10000x128xf32, #tpu.memory_space<hbm>>, %arg4: memref<64000x128xf32, #tpu.memory_space<hbm>>, %arg5: memref<2000xi32, #tpu.memory_space<vmem>>, %arg6: memref<4x80x128xf32, #tpu.memory_space<vmem>>, %arg7: memref<!tpu.dma_semaphore, #tpu.memory_space<semaphore_mem>>, %arg8: memref<!tpu.dma_semaphore, #tpu.memory_space<semaphore_mem>>) attributes {dimension_semantics = [#tpu.dimension_semantics<core_parallel>, #tpu.dimension_semantics<subcore_parallel>], iteration_bounds = array<i64: 2, 16>, scalar_prefetch = 0 : i64, scratch_operands = 4 : i64, tpu.core_type = #tpu.core_type<sc_vector_subcore>, window_params = [{transform_indices = #map}, {transform_indices = #map1}, {transform_indices = #map1}]} {
    %mul3A = arith.constant 2 : i32
    %mul3A_0 = arith.muli %arg1, %mul3A : i32
    %add3A = arith.addi %mul3A_0, %arg0 : i32
    %mul3A_1 = arith.constant 2000 : i32
    %mul3A_2 = arith.muli %add3A, %mul3A_1 : i32
    "tpu.region"() ({
      %run_scoped3A = tpu.sem_alloc : memref<!tpu.dma_semaphore, #tpu.memory_space<semaphore_mem>>
      %dma_start3A_78 = tpu.memref_slice %arg2[%mul3A_2] : memref<64000xi32, #tpu.memory_space<hbm>> -> memref<2000xi32, #tpu.memory_space<hbm>>
      %dma_start3A_79 = tpu.memref_slice %arg2[%mul3A_2] : memref<64000xi32, #tpu.memory_space<hbm>> -> memref<2000xi32, #tpu.memory_space<hbm>>
      tpu.enqueue_dma source(%dma_start3A_79 : memref<2000xi32, #tpu.memory_space<hbm>>) target(%arg5 : memref<2000xi32, #tpu.memory_space<vmem>>) target_semaphore(%run_scoped3A : memref<!tpu.dma_semaphore, #tpu.memory_space<semaphore_mem>>)
      %dma_wait3A_80 = tpu.memref_slice %arg2[%mul3A_2] : memref<64000xi32, #tpu.memory_space<hbm>> -> memref<2000xi32, #tpu.memory_space<hbm>>
      %dma_wait3A_81 = tpu.memref_slice %arg2[%mul3A_2] : memref<64000xi32, #tpu.memory_space<hbm>> -> memref<2000xi32, #tpu.memory_space<hbm>>
      tpu.wait_dma2 semaphore(%run_scoped3A : memref<!tpu.dma_semaphore, #tpu.memory_space<semaphore_mem>>) src(%dma_wait3A_81 : memref<2000xi32, #tpu.memory_space<hbm>>) dst(%arg5 : memref<2000xi32, #tpu.memory_space<vmem>>)
      tpu.yield
    }) : () -> ()
    %dma_start3A = arith.constant 0 : i32
    %dma_start3A_3 = arith.constant 0 : i32
    %dma_start3A_4 = arith.constant 0 : i32
    %dma_start3A_5 = tpu.memref_slice %arg6[%dma_start3A, %dma_start3A_3, %dma_start3A_4] : memref<4x80x128xf32, #tpu.memory_space<vmem>> -> memref<1x80x128xf32, #tpu.memory_space<vmem>>
    %dma_start3A_6 = tpu.memref_squeeze %dma_start3A_5 : memref<1x80x128xf32, #tpu.memory_space<vmem>> -> memref<80x128xf32, #tpu.memory_space<vmem>>
    %dma_start3A_7 = arith.constant 0 : i32
    %dma_start3A_8 = tpu.memref_slice %arg5[%dma_start3A_7] : memref<2000xi32, #tpu.memory_space<vmem>> -> memref<80xi32, #tpu.memory_space<vmem>>
    %dma_start3A_9 = arith.constant 0 : i32
    %dma_start3A_10 = arith.constant 0 : i32
    %dma_start3A_11 = tpu.memref_slice %arg3[%dma_start3A_9, %dma_start3A_10] : memref<10000x128xf32, #tpu.memory_space<hbm>> -> memref<10000x128xf32, #tpu.memory_space<hbm>>
    tpu.enqueue_indirect_dma source(%dma_start3A_11 : memref<10000x128xf32, #tpu.memory_space<hbm>>) target(%dma_start3A_6 : memref<80x128xf32, #tpu.memory_space<vmem>>) offsets(%dma_start3A_8 : memref<80xi32, #tpu.memory_space<vmem>>) semaphore(%arg7 : memref<!tpu.dma_semaphore, #tpu.memory_space<semaphore_mem>>)
    %dma_start3A_12 = arith.constant 1 : i32
    %dma_start3A_13 = arith.constant 0 : i32
    %dma_start3A_14 = arith.constant 0 : i32
    %dma_start3A_15 = tpu.memref_slice %arg6[%dma_start3A_12, %dma_start3A_13, %dma_start3A_14] : memref<4x80x128xf32, #tpu.memory_space<vmem>> -> memref<1x80x128xf32, #tpu.memory_space<vmem>>
    %dma_start3A_16 = tpu.memref_squeeze %dma_start3A_15 : memref<1x80x128xf32, #tpu.memory_space<vmem>> -> memref<80x128xf32, #tpu.memory_space<vmem>>
    %dma_start3A_17 = arith.constant 80 : i32
    %dma_start3A_18 = tpu.memref_slice %arg5[%dma_start3A_17] : memref<2000xi32, #tpu.memory_space<vmem>> -> memref<80xi32, #tpu.memory_space<vmem>>
    %dma_start3A_19 = arith.constant 0 : i32
    %dma_start3A_20 = arith.constant 0 : i32
    %dma_start3A_21 = tpu.memref_slice %arg3[%dma_start3A_19, %dma_start3A_20] : memref<10000x128xf32, #tpu.memory_space<hbm>> -> memref<10000x128xf32, #tpu.memory_space<hbm>>
    tpu.enqueue_indirect_dma source(%dma_start3A_21 : memref<10000x128xf32, #tpu.memory_space<hbm>>) target(%dma_start3A_16 : memref<80x128xf32, #tpu.memory_space<vmem>>) offsets(%dma_start3A_18 : memref<80xi32, #tpu.memory_space<vmem>>) semaphore(%arg7 : memref<!tpu.dma_semaphore, #tpu.memory_space<semaphore_mem>>)
    %scan3A = arith.constant 0 : i32
    %scan3A_22 = arith.constant 0 : i32
    %scan3A_23 = arith.constant 25 : i32
    %scan3A_24 = arith.addi %scan3A_22, %scan3A_23 : i32
    %scan3A_25 = arith.constant 1 : i32
    scf.for %scan3A_78 = %scan3A_22 to %scan3A_24 step %scan3A_25  : i32 {
      %rem3A = arith.constant 4 : i32
      %rem3A_79 = arith.remsi %scan3A_78, %rem3A : i32
      %add3A_80 = arith.constant 2 : i32
      %add3A_81 = arith.addi %scan3A_78, %add3A_80 : i32
      %lt3A = arith.constant 25 : i32
      %lt3A_82 = arith.cmpi slt, %add3A_81, %lt3A : i32
      %convert_element_type3A = arith.extui %lt3A_82 : i1 to i32
      %cond3A = arith.constant 0 : i32
      %cond3A_83 = arith.cmpi ne, %convert_element_type3A, %cond3A : i32
      scf.if %cond3A_83 {
        %add3A_108 = arith.constant 2 : i32
        %add3A_109 = arith.addi %scan3A_78, %add3A_108 : i32
        %rem3A_110 = arith.constant 4 : i32
        %rem3A_111 = arith.remsi %add3A_109, %rem3A_110 : i32
        %ge3A = arith.constant 2 : i32
        %ge3A_112 = arith.cmpi sge, %scan3A_78, %ge3A : i32
        %convert_element_type3A_113 = arith.extui %ge3A_112 : i1 to i32
        %cond3A_114 = arith.constant 0 : i32
        %cond3A_115 = arith.cmpi ne, %convert_element_type3A_113, %cond3A_114 : i32
        scf.if %cond3A_115 {
          %dma_wait3A_128 = arith.constant 0 : i32
          %dma_wait3A_129 = arith.constant 0 : i32
          %dma_wait3A_130 = tpu.memref_slice %arg6[%rem3A_111, %dma_wait3A_128, %dma_wait3A_129] : memref<4x80x128xf32, #tpu.memory_space<vmem>> -> memref<1x80x128xf32, #tpu.memory_space<vmem>>
          %dma_wait3A_131 = tpu.memref_squeeze %dma_wait3A_130 : memref<1x80x128xf32, #tpu.memory_space<vmem>> -> memref<80x128xf32, #tpu.memory_space<vmem>>
          %dma_wait3A_132 = arith.constant 0 : i32
          %dma_wait3A_133 = tpu.memref_slice %arg4[%mul3A_2, %dma_wait3A_132] : memref<64000x128xf32, #tpu.memory_space<hbm>> -> memref<80x128xf32, #tpu.memory_space<hbm>>
          %dma_wait3A_134 = arith.constant 0 : i32
          %dma_wait3A_135 = tpu.memref_slice %arg4[%mul3A_2, %dma_wait3A_134] : memref<64000x128xf32, #tpu.memory_space<hbm>> -> memref<80x128xf32, #tpu.memory_space<hbm>>
          %dma_wait3A_136 = arith.constant 0 : i32
          %dma_wait3A_137 = arith.constant 0 : i32
          %dma_wait3A_138 = tpu.memref_slice %arg6[%rem3A_111, %dma_wait3A_136, %dma_wait3A_137] : memref<4x80x128xf32, #tpu.memory_space<vmem>> -> memref<1x80x128xf32, #tpu.memory_space<vmem>>
          %dma_wait3A_139 = tpu.memref_squeeze %dma_wait3A_138 : memref<1x80x128xf32, #tpu.memory_space<vmem>> -> memref<80x128xf32, #tpu.memory_space<vmem>>
          tpu.wait_dma2 semaphore(%arg8 : memref<!tpu.dma_semaphore, #tpu.memory_space<semaphore_mem>>) src(%dma_wait3A_139 : memref<80x128xf32, #tpu.memory_space<vmem>>) dst(%dma_wait3A_135 : memref<80x128xf32, #tpu.memory_space<hbm>>)
        } else {
        }
        %add3A_116 = arith.constant 2 : i32
        %add3A_117 = arith.addi %scan3A_78, %add3A_116 : i32
        %mul3A_118 = arith.constant 80 : i32
        %mul3A_119 = arith.muli %add3A_117, %mul3A_118 : i32
        %dma_start3A_120 = arith.constant 0 : i32
        %dma_start3A_121 = arith.constant 0 : i32
        %dma_start3A_122 = tpu.memref_slice %arg6[%rem3A_111, %dma_start3A_120, %dma_start3A_121] : memref<4x80x128xf32, #tpu.memory_space<vmem>> -> memref<1x80x128xf32, #tpu.memory_space<vmem>>
        %dma_start3A_123 = tpu.memref_squeeze %dma_start3A_122 : memref<1x80x128xf32, #tpu.memory_space<vmem>> -> memref<80x128xf32, #tpu.memory_space<vmem>>
        %dma_start3A_124 = tpu.memref_slice %arg5[%mul3A_119] : memref<2000xi32, #tpu.memory_space<vmem>> -> memref<80xi32, #tpu.memory_space<vmem>>
        %dma_start3A_125 = arith.constant 0 : i32
        %dma_start3A_126 = arith.constant 0 : i32
        %dma_start3A_127 = tpu.memref_slice %arg3[%dma_start3A_125, %dma_start3A_126] : memref<10000x128xf32, #tpu.memory_space<hbm>> -> memref<10000x128xf32, #tpu.memory_space<hbm>>
        tpu.enqueue_indirect_dma source(%dma_start3A_127 : memref<10000x128xf32, #tpu.memory_space<hbm>>) target(%dma_start3A_123 : memref<80x128xf32, #tpu.memory_space<vmem>>) offsets(%dma_start3A_124 : memref<80xi32, #tpu.memory_space<vmem>>) semaphore(%arg7 : memref<!tpu.dma_semaphore, #tpu.memory_space<semaphore_mem>>)
      } else {
      }
      %dma_wait3A_84 = arith.constant 0 : i32
      %dma_wait3A_85 = arith.constant 0 : i32
      %dma_wait3A_86 = tpu.memref_slice %arg6[%rem3A_79, %dma_wait3A_84, %dma_wait3A_85] : memref<4x80x128xf32, #tpu.memory_space<vmem>> -> memref<1x80x128xf32, #tpu.memory_space<vmem>>
      %dma_wait3A_87 = tpu.memref_squeeze %dma_wait3A_86 : memref<1x80x128xf32, #tpu.memory_space<vmem>> -> memref<80x128xf32, #tpu.memory_space<vmem>>
      %dma_wait3A_88 = arith.constant 0 : i32
      %dma_wait3A_89 = tpu.memref_slice %arg5[%dma_wait3A_88] : memref<2000xi32, #tpu.memory_space<vmem>> -> memref<80xi32, #tpu.memory_space<vmem>>
      %dma_wait3A_90 = arith.constant 0 : i32
      %dma_wait3A_91 = arith.constant 0 : i32
      %dma_wait3A_92 = tpu.memref_slice %arg3[%dma_wait3A_90, %dma_wait3A_91] : memref<10000x128xf32, #tpu.memory_space<hbm>> -> memref<10000x128xf32, #tpu.memory_space<hbm>>
      tpu.wait_indirect_dma semaphore(%arg7 : memref<!tpu.dma_semaphore, #tpu.memory_space<semaphore_mem>>) src(%dma_wait3A_92 : memref<10000x128xf32, #tpu.memory_space<hbm>>) dst(%dma_wait3A_87 : memref<80x128xf32, #tpu.memory_space<vmem>>)
      %mul3A_93 = arith.constant 80 : i32
      %mul3A_94 = arith.muli %scan3A_78, %mul3A_93 : i32
      %add3A_95 = arith.addi %mul3A_2, %mul3A_94 : i32
      %dma_start3A_96 = arith.constant 0 : i32
      %dma_start3A_97 = arith.constant 0 : i32
      %dma_start3A_98 = tpu.memref_slice %arg6[%rem3A_79, %dma_start3A_96, %dma_start3A_97] : memref<4x80x128xf32, #tpu.memory_space<vmem>> -> memref<1x80x128xf32, #tpu.memory_space<vmem>>
      %dma_start3A_99 = tpu.memref_squeeze %dma_start3A_98 : memref<1x80x128xf32, #tpu.memory_space<vmem>> -> memref<80x128xf32, #tpu.memory_space<vmem>>
      %dma_start3A_100 = arith.constant 0 : i32
      %dma_start3A_101 = tpu.memref_slice %arg4[%add3A_95, %dma_start3A_100] : memref<64000x128xf32, #tpu.memory_space<hbm>> -> memref<80x128xf32, #tpu.memory_space<hbm>>
      %dma_start3A_102 = arith.constant 0 : i32
      %dma_start3A_103 = tpu.memref_slice %arg4[%add3A_95, %dma_start3A_102] : memref<64000x128xf32, #tpu.memory_space<hbm>> -> memref<80x128xf32, #tpu.memory_space<hbm>>
      %dma_start3A_104 = arith.constant 0 : i32
      %dma_start3A_105 = arith.constant 0 : i32
      %dma_start3A_106 = tpu.memref_slice %arg6[%rem3A_79, %dma_start3A_104, %dma_start3A_105] : memref<4x80x128xf32, #tpu.memory_space<vmem>> -> memref<1x80x128xf32, #tpu.memory_space<vmem>>
      %dma_start3A_107 = tpu.memref_squeeze %dma_start3A_106 : memref<1x80x128xf32, #tpu.memory_space<vmem>> -> memref<80x128xf32, #tpu.memory_space<vmem>>
      tpu.enqueue_dma source(%dma_start3A_107 : memref<80x128xf32, #tpu.memory_space<vmem>>) target(%dma_start3A_103 : memref<80x128xf32, #tpu.memory_space<hbm>>) target_semaphore(%arg8 : memref<!tpu.dma_semaphore, #tpu.memory_space<semaphore_mem>>)
    }
    %scan3A_26 = arith.constant 25 : i32
    %dma_wait3A = arith.constant 0 : i32
    %dma_wait3A_27 = arith.constant 0 : i32
    %dma_wait3A_28 = arith.constant 0 : i32
    %dma_wait3A_29 = tpu.memref_slice %arg6[%dma_wait3A, %dma_wait3A_27, %dma_wait3A_28] : memref<4x80x128xf32, #tpu.memory_space<vmem>> -> memref<1x80x128xf32, #tpu.memory_space<vmem>>
    %dma_wait3A_30 = tpu.memref_squeeze %dma_wait3A_29 : memref<1x80x128xf32, #tpu.memory_space<vmem>> -> memref<80x128xf32, #tpu.memory_space<vmem>>
    %dma_wait3A_31 = arith.constant 0 : i32
    %dma_wait3A_32 = tpu.memref_slice %arg4[%mul3A_2, %dma_wait3A_31] : memref<64000x128xf32, #tpu.memory_space<hbm>> -> memref<80x128xf32, #tpu.memory_space<hbm>>
    %dma_wait3A_33 = arith.constant 0 : i32
    %dma_wait3A_34 = tpu.memref_slice %arg4[%mul3A_2, %dma_wait3A_33] : memref<64000x128xf32, #tpu.memory_space<hbm>> -> memref<80x128xf32, #tpu.memory_space<hbm>>
    %dma_wait3A_35 = arith.constant 0 : i32
    %dma_wait3A_36 = arith.constant 0 : i32
    %dma_wait3A_37 = tpu.memref_slice %arg6[%dma_wait3A, %dma_wait3A_35, %dma_wait3A_36] : memref<4x80x128xf32, #tpu.memory_space<vmem>> -> memref<1x80x128xf32, #tpu.memory_space<vmem>>
    %dma_wait3A_38 = tpu.memref_squeeze %dma_wait3A_37 : memref<1x80x128xf32, #tpu.memory_space<vmem>> -> memref<80x128xf32, #tpu.memory_space<vmem>>
    tpu.wait_dma2 semaphore(%arg8 : memref<!tpu.dma_semaphore, #tpu.memory_space<semaphore_mem>>) src(%dma_wait3A_38 : memref<80x128xf32, #tpu.memory_space<vmem>>) dst(%dma_wait3A_34 : memref<80x128xf32, #tpu.memory_space<hbm>>)
    %dma_wait3A_39 = arith.constant 1 : i32
    %dma_wait3A_40 = arith.constant 0 : i32
    %dma_wait3A_41 = arith.constant 0 : i32
    %dma_wait3A_42 = tpu.memref_slice %arg6[%dma_wait3A_39, %dma_wait3A_40, %dma_wait3A_41] : memref<4x80x128xf32, #tpu.memory_space<vmem>> -> memref<1x80x128xf32, #tpu.memory_space<vmem>>
    %dma_wait3A_43 = tpu.memref_squeeze %dma_wait3A_42 : memref<1x80x128xf32, #tpu.memory_space<vmem>> -> memref<80x128xf32, #tpu.memory_space<vmem>>
    %dma_wait3A_44 = arith.constant 0 : i32
    %dma_wait3A_45 = tpu.memref_slice %arg4[%mul3A_2, %dma_wait3A_44] : memref<64000x128xf32, #tpu.memory_space<hbm>> -> memref<80x128xf32, #tpu.memory_space<hbm>>
    %dma_wait3A_46 = arith.constant 0 : i32
    %dma_wait3A_47 = tpu.memref_slice %arg4[%mul3A_2, %dma_wait3A_46] : memref<64000x128xf32, #tpu.memory_space<hbm>> -> memref<80x128xf32, #tpu.memory_space<hbm>>
    %dma_wait3A_48 = arith.constant 0 : i32
    %dma_wait3A_49 = arith.constant 0 : i32
    %dma_wait3A_50 = tpu.memref_slice %arg6[%dma_wait3A_39, %dma_wait3A_48, %dma_wait3A_49] : memref<4x80x128xf32, #tpu.memory_space<vmem>> -> memref<1x80x128xf32, #tpu.memory_space<vmem>>
    %dma_wait3A_51 = tpu.memref_squeeze %dma_wait3A_50 : memref<1x80x128xf32, #tpu.memory_space<vmem>> -> memref<80x128xf32, #tpu.memory_space<vmem>>
    tpu.wait_dma2 semaphore(%arg8 : memref<!tpu.dma_semaphore, #tpu.memory_space<semaphore_mem>>) src(%dma_wait3A_51 : memref<80x128xf32, #tpu.memory_space<vmem>>) dst(%dma_wait3A_47 : memref<80x128xf32, #tpu.memory_space<hbm>>)
    %dma_wait3A_52 = arith.constant 2 : i32
    %dma_wait3A_53 = arith.constant 0 : i32
    %dma_wait3A_54 = arith.constant 0 : i32
    %dma_wait3A_55 = tpu.memref_slice %arg6[%dma_wait3A_52, %dma_wait3A_53, %dma_wait3A_54] : memref<4x80x128xf32, #tpu.memory_space<vmem>> -> memref<1x80x128xf32, #tpu.memory_space<vmem>>
    %dma_wait3A_56 = tpu.memref_squeeze %dma_wait3A_55 : memref<1x80x128xf32, #tpu.memory_space<vmem>> -> memref<80x128xf32, #tpu.memory_space<vmem>>
    %dma_wait3A_57 = arith.constant 0 : i32
    %dma_wait3A_58 = tpu.memref_slice %arg4[%mul3A_2, %dma_wait3A_57] : memref<64000x128xf32, #tpu.memory_space<hbm>> -> memref<80x128xf32, #tpu.memory_space<hbm>>
    %dma_wait3A_59 = arith.constant 0 : i32
    %dma_wait3A_60 = tpu.memref_slice %arg4[%mul3A_2, %dma_wait3A_59] : memref<64000x128xf32, #tpu.memory_space<hbm>> -> memref<80x128xf32, #tpu.memory_space<hbm>>
    %dma_wait3A_61 = arith.constant 0 : i32
    %dma_wait3A_62 = arith.constant 0 : i32
    %dma_wait3A_63 = tpu.memref_slice %arg6[%dma_wait3A_52, %dma_wait3A_61, %dma_wait3A_62] : memref<4x80x128xf32, #tpu.memory_space<vmem>> -> memref<1x80x128xf32, #tpu.memory_space<vmem>>
    %dma_wait3A_64 = tpu.memref_squeeze %dma_wait3A_63 : memref<1x80x128xf32, #tpu.memory_space<vmem>> -> memref<80x128xf32, #tpu.memory_space<vmem>>
    tpu.wait_dma2 semaphore(%arg8 : memref<!tpu.dma_semaphore, #tpu.memory_space<semaphore_mem>>) src(%dma_wait3A_64 : memref<80x128xf32, #tpu.memory_space<vmem>>) dst(%dma_wait3A_60 : memref<80x128xf32, #tpu.memory_space<hbm>>)
    %dma_wait3A_65 = arith.constant 3 : i32
    %dma_wait3A_66 = arith.constant 0 : i32
    %dma_wait3A_67 = arith.constant 0 : i32
    %dma_wait3A_68 = tpu.memref_slice %arg6[%dma_wait3A_65, %dma_wait3A_66, %dma_wait3A_67] : memref<4x80x128xf32, #tpu.memory_space<vmem>> -> memref<1x80x128xf32, #tpu.memory_space<vmem>>
    %dma_wait3A_69 = tpu.memref_squeeze %dma_wait3A_68 : memref<1x80x128xf32, #tpu.memory_space<vmem>> -> memref<80x128xf32, #tpu.memory_space<vmem>>
    %dma_wait3A_70 = arith.constant 0 : i32
    %dma_wait3A_71 = tpu.memref_slice %arg4[%mul3A_2, %dma_wait3A_70] : memref<64000x128xf32, #tpu.memory_space<hbm>> -> memref<80x128xf32, #tpu.memory_space<hbm>>
    %dma_wait3A_72 = arith.constant 0 : i32
    %dma_wait3A_73 = tpu.memref_slice %arg4[%mul3A_2, %dma_wait3A_72] : memref<64000x128xf32, #tpu.memory_space<hbm>> -> memref<80x128xf32, #tpu.memory_space<hbm>>
    %dma_wait3A_74 = arith.constant 0 : i32
    %dma_wait3A_75 = arith.constant 0 : i32
    %dma_wait3A_76 = tpu.memref_slice %arg6[%dma_wait3A_65, %dma_wait3A_74, %dma_wait3A_75] : memref<4x80x128xf32, #tpu.memory_space<vmem>> -> memref<1x80x128xf32, #tpu.memory_space<vmem>>
    %dma_wait3A_77 = tpu.memref_squeeze %dma_wait3A_76 : memref<1x80x128xf32, #tpu.memory_space<vmem>> -> memref<80x128xf32, #tpu.memory_space<vmem>>
    tpu.wait_dma2 semaphore(%arg8 : memref<!tpu.dma_semaphore, #tpu.memory_space<semaphore_mem>>) src(%dma_wait3A_77 : memref<80x128xf32, #tpu.memory_space<vmem>>) dst(%dma_wait3A_73 : memref<80x128xf32, #tpu.memory_space<hbm>>)
    return
  }
}

#map = affine_map<(d0, d1) -> (0)>
#map1 = affine_map<(d0, d1) -> (0, 0)>
module attributes {stable_mosaic.version = 14 : i64} {
  func.func @_gather_body(%arg0: i32, %arg1: i32, %arg2: memref<64000xi32, #tpu.memory_space<hbm>>, %arg3: memref<10000x128xf32, #tpu.memory_space<hbm>>, %arg4: memref<64000x128xf32, #tpu.memory_space<hbm>>, %arg5: memref<2000xi32, #tpu.memory_space<vmem>>, %arg6: memref<4x80x128xf32, #tpu.memory_space<vmem>>, %arg7: memref<!tpu.dma_semaphore, #tpu.memory_space<semaphore_mem>>, %arg8: memref<!tpu.dma_semaphore, #tpu.memory_space<semaphore_mem>>) attributes {dimension_semantics = [#tpu.dimension_semantics<core_parallel>, #tpu.dimension_semantics<subcore_parallel>], iteration_bounds = array<i64: 2, 16>, scalar_prefetch = 0 : i64, scratch_operands = 4 : i64, tpu.core_type = #tpu.core_type<sc_vector_subcore>, window_params = [{transform_indices = #map}, {transform_indices = #map1}, {transform_indices = #map1}]} {
    %mul3A = arith.constant 2 : i32
    %mul3A_0 = arith.muli %arg1, %mul3A : i32
    %add3A = arith.addi %mul3A_0, %arg0 : i32
    %mul3A_1 = arith.constant 2000 : i32
    %mul3A_2 = arith.muli %add3A, %mul3A_1 : i32
    "tpu.region"() ({
      %run_scoped3A = tpu.sem_alloc : memref<!tpu.dma_semaphore, #tpu.memory_space<semaphore_mem>>
      %dma_start3A_78 = tpu.memref_slice %arg2[%mul3A_2] : memref<64000xi32, #tpu.memory_space<hbm>> -> memref<2000xi32, #tpu.memory_space<hbm>>
      %dma_start3A_79 = tpu.memref_slice %arg2[%mul3A_2] : memref<64000xi32, #tpu.memory_space<hbm>> -> memref<2000xi32, #tpu.memory_space<hbm>>
      tpu.enqueue_dma source(%dma_start3A_79 : memref<2000xi32, #tpu.memory_space<hbm>>) target(%arg5 : memref<2000xi32, #tpu.memory_space<vmem>>) target_semaphore(%run_scoped3A : memref<!tpu.dma_semaphore, #tpu.memory_space<semaphore_mem>>)
      %dma_wait3A_80 = tpu.memref_slice %arg2[%mul3A_2] : memref<64000xi32, #tpu.memory_space<hbm>> -> memref<2000xi32, #tpu.memory_space<hbm>>
      %dma_wait3A_81 = tpu.memref_slice %arg2[%mul3A_2] : memref<64000xi32, #tpu.memory_space<hbm>> -> memref<2000xi32, #tpu.memory_space<hbm>>
      tpu.wait_dma2 semaphore(%run_scoped3A : memref<!tpu.dma_semaphore, #tpu.memory_space<semaphore_mem>>) src(%dma_wait3A_81 : memref<2000xi32, #tpu.memory_space<hbm>>) dst(%arg5 : memref<2000xi32, #tpu.memory_space<vmem>>)
      tpu.yield
    }) : () -> ()
    %dma_start3A = arith.constant 0 : i32
    %dma_start3A_3 = arith.constant 0 : i32
    %dma_start3A_4 = arith.constant 0 : i32
    %dma_start3A_5 = tpu.memref_slice %arg6[%dma_start3A, %dma_start3A_3, %dma_start3A_4] : memref<4x80x128xf32, #tpu.memory_space<vmem>> -> memref<1x80x128xf32, #tpu.memory_space<vmem>>
    %dma_start3A_6 = tpu.memref_squeeze %dma_start3A_5 : memref<1x80x128xf32, #tpu.memory_space<vmem>> -> memref<80x128xf32, #tpu.memory_space<vmem>>
    %dma_start3A_7 = arith.constant 0 : i32
    %dma_start3A_8 = tpu.memref_slice %arg5[%dma_start3A_7] : memref<2000xi32, #tpu.memory_space<vmem>> -> memref<80xi32, #tpu.memory_space<vmem>>
    %dma_start3A_9 = arith.constant 0 : i32
    %dma_start3A_10 = arith.constant 0 : i32
    %dma_start3A_11 = tpu.memref_slice %arg3[%dma_start3A_9, %dma_start3A_10] : memref<10000x128xf32, #tpu.memory_space<hbm>> -> memref<10000x128xf32, #tpu.memory_space<hbm>>
    tpu.enqueue_indirect_dma source(%dma_start3A_11 : memref<10000x128xf32, #tpu.memory_space<hbm>>) target(%dma_start3A_6 : memref<80x128xf32, #tpu.memory_space<vmem>>) offsets(%dma_start3A_8 : memref<80xi32, #tpu.memory_space<vmem>>) semaphore(%arg7 : memref<!tpu.dma_semaphore, #tpu.memory_space<semaphore_mem>>)
    %dma_start3A_12 = arith.constant 1 : i32
    %dma_start3A_13 = arith.constant 0 : i32
    %dma_start3A_14 = arith.constant 0 : i32
    %dma_start3A_15 = tpu.memref_slice %arg6[%dma_start3A_12, %dma_start3A_13, %dma_start3A_14] : memref<4x80x128xf32, #tpu.memory_space<vmem>> -> memref<1x80x128xf32, #tpu.memory_space<vmem>>
    %dma_start3A_16 = tpu.memref_squeeze %dma_start3A_15 : memref<1x80x128xf32, #tpu.memory_space<vmem>> -> memref<80x128xf32, #tpu.memory_space<vmem>>
    %dma_start3A_17 = arith.constant 80 : i32
    %dma_start3A_18 = tpu.memref_slice %arg5[%dma_start3A_17] : memref<2000xi32, #tpu.memory_space<vmem>> -> memref<80xi32, #tpu.memory_space<vmem>>
    %dma_start3A_19 = arith.constant 0 : i32
    %dma_start3A_20 = arith.constant 0 : i32
    %dma_start3A_21 = tpu.memref_slice %arg3[%dma_start3A_19, %dma_start3A_20] : memref<10000x128xf32, #tpu.memory_space<hbm>> -> memref<10000x128xf32, #tpu.memory_space<hbm>>
    tpu.enqueue_indirect_dma source(%dma_start3A_21 : memref<10000x128xf32, #tpu.memory_space<hbm>>) target(%dma_start3A_16 : memref<80x128xf32, #tpu.memory_space<vmem>>) offsets(%dma_start3A_18 : memref<80xi32, #tpu.memory_space<vmem>>) semaphore(%arg7 : memref<!tpu.dma_semaphore, #tpu.memory_space<semaphore_mem>>)
    %scan3A = arith.constant 0 : i32
    %scan3A_22 = arith.constant 0 : i32
    %scan3A_23 = arith.constant 25 : i32
    %scan3A_24 = arith.addi %scan3A_22, %scan3A_23 : i32
    %scan3A_25 = arith.constant 1 : i32
    scf.for %scan3A_78 = %scan3A_22 to %scan3A_24 step %scan3A_25  : i32 {
      %rem3A = arith.constant 4 : i32
      %rem3A_79 = arith.remsi %scan3A_78, %rem3A : i32
      %add3A_80 = arith.constant 2 : i32
      %add3A_81 = arith.addi %scan3A_78, %add3A_80 : i32
      %lt3A = arith.constant 25 : i32
      %lt3A_82 = arith.cmpi slt, %add3A_81, %lt3A : i32
      %convert_element_type3A = arith.extui %lt3A_82 : i1 to i32
      %cond3A = arith.constant 0 : i32
      %cond3A_83 = arith.cmpi ne, %convert_element_type3A, %cond3A : i32
      scf.if %cond3A_83 {
        %add3A_108 = arith.constant 2 : i32
        %add3A_109 = arith.addi %scan3A_78, %add3A_108 : i32
        %rem3A_110 = arith.constant 4 : i32
        %rem3A_111 = arith.remsi %add3A_109, %rem3A_110 : i32
        %ge3A = arith.constant 2 : i32
        %ge3A_112 = arith.cmpi sge, %scan3A_78, %ge3A : i32
        %convert_element_type3A_113 = arith.extui %ge3A_112 : i1 to i32
        %cond3A_114 = arith.constant 0 : i32
        %cond3A_115 = arith.cmpi ne, %convert_element_type3A_113, %cond3A_114 : i32
        scf.if %cond3A_115 {
          %dma_wait3A_128 = arith.constant 0 : i32
          %dma_wait3A_129 = arith.constant 0 : i32
          %dma_wait3A_130 = tpu.memref_slice %arg6[%rem3A_111, %dma_wait3A_128, %dma_wait3A_129] : memref<4x80x128xf32, #tpu.memory_space<vmem>> -> memref<1x80x128xf32, #tpu.memory_space<vmem>>
          %dma_wait3A_131 = tpu.memref_squeeze %dma_wait3A_130 : memref<1x80x128xf32, #tpu.memory_space<vmem>> -> memref<80x128xf32, #tpu.memory_space<vmem>>
          %dma_wait3A_132 = arith.constant 0 : i32
          %dma_wait3A_133 = tpu.memref_slice %arg4[%mul3A_2, %dma_wait3A_132] : memref<64000x128xf32, #tpu.memory_space<hbm>> -> memref<80x128xf32, #tpu.memory_space<hbm>>
          %dma_wait3A_134 = arith.constant 0 : i32
          %dma_wait3A_135 = tpu.memref_slice %arg4[%mul3A_2, %dma_wait3A_134] : memref<64000x128xf32, #tpu.memory_space<hbm>> -> memref<80x128xf32, #tpu.memory_space<hbm>>
          %dma_wait3A_136 = arith.constant 0 : i32
          %dma_wait3A_137 = arith.constant 0 : i32
          %dma_wait3A_138 = tpu.memref_slice %arg6[%rem3A_111, %dma_wait3A_136, %dma_wait3A_137] : memref<4x80x128xf32, #tpu.memory_space<vmem>> -> memref<1x80x128xf32, #tpu.memory_space<vmem>>
          %dma_wait3A_139 = tpu.memref_squeeze %dma_wait3A_138 : memref<1x80x128xf32, #tpu.memory_space<vmem>> -> memref<80x128xf32, #tpu.memory_space<vmem>>
          tpu.wait_dma2 semaphore(%arg8 : memref<!tpu.dma_semaphore, #tpu.memory_space<semaphore_mem>>) src(%dma_wait3A_139 : memref<80x128xf32, #tpu.memory_space<vmem>>) dst(%dma_wait3A_135 : memref<80x128xf32, #tpu.memory_space<hbm>>)
        } else {
        }
        %add3A_116 = arith.constant 2 : i32
        %add3A_117 = arith.addi %scan3A_78, %add3A_116 : i32
        %mul3A_118 = arith.constant 80 : i32
        %mul3A_119 = arith.muli %add3A_117, %mul3A_118 : i32
        %dma_start3A_120 = arith.constant 0 : i32
        %dma_start3A_121 = arith.constant 0 : i32
        %dma_start3A_122 = tpu.memref_slice %arg6[%rem3A_111, %dma_start3A_120, %dma_start3A_121] : memref<4x80x128xf32, #tpu.memory_space<vmem>> -> memref<1x80x128xf32, #tpu.memory_space<vmem>>
        %dma_start3A_123 = tpu.memref_squeeze %dma_start3A_122 : memref<1x80x128xf32, #tpu.memory_space<vmem>> -> memref<80x128xf32, #tpu.memory_space<vmem>>
        %dma_start3A_124 = tpu.memref_slice %arg5[%mul3A_119] : memref<2000xi32, #tpu.memory_space<vmem>> -> memref<80xi32, #tpu.memory_space<vmem>>
        %dma_start3A_125 = arith.constant 0 : i32
        %dma_start3A_126 = arith.constant 0 : i32
        %dma_start3A_127 = tpu.memref_slice %arg3[%dma_start3A_125, %dma_start3A_126] : memref<10000x128xf32, #tpu.memory_space<hbm>> -> memref<10000x128xf32, #tpu.memory_space<hbm>>
        tpu.enqueue_indirect_dma source(%dma_start3A_127 : memref<10000x128xf32, #tpu.memory_space<hbm>>) target(%dma_start3A_123 : memref<80x128xf32, #tpu.memory_space<vmem>>) offsets(%dma_start3A_124 : memref<80xi32, #tpu.memory_space<vmem>>) semaphore(%arg7 : memref<!tpu.dma_semaphore, #tpu.memory_space<semaphore_mem>>)
      } else {
      }
      %dma_wait3A_84 = arith.constant 0 : i32
      %dma_wait3A_85 = arith.constant 0 : i32
      %dma_wait3A_86 = tpu.memref_slice %arg6[%rem3A_79, %dma_wait3A_84, %dma_wait3A_85] : memref<4x80x128xf32, #tpu.memory_space<vmem>> -> memref<1x80x128xf32, #tpu.memory_space<vmem>>
      %dma_wait3A_87 = tpu.memref_squeeze %dma_wait3A_86 : memref<1x80x128xf32, #tpu.memory_space<vmem>> -> memref<80x128xf32, #tpu.memory_space<vmem>>
      %dma_wait3A_88 = arith.constant 0 : i32
      %dma_wait3A_89 = tpu.memref_slice %arg5[%dma_wait3A_88] : memref<2000xi32, #tpu.memory_space<vmem>> -> memref<80xi32, #tpu.memory_space<vmem>>
      %dma_wait3A_90 = arith.constant 0 : i32
      %dma_wait3A_91 = arith.constant 0 : i32
      %dma_wait3A_92 = tpu.memref_slice %arg3[%dma_wait3A_90, %dma_wait3A_91] : memref<10000x128xf32, #tpu.memory_space<hbm>> -> memref<10000x128xf32, #tpu.memory_space<hbm>>
      tpu.wait_indirect_dma semaphore(%arg7 : memref<!tpu.dma_semaphore, #tpu.memory_space<semaphore_mem>>) src(%dma_wait3A_92 : memref<10000x128xf32, #tpu.memory_space<hbm>>) dst(%dma_wait3A_87 : memref<80x128xf32, #tpu.memory_space<vmem>>)
      %mul3A_93 = arith.constant 80 : i32
      %mul3A_94 = arith.muli %scan3A_78, %mul3A_93 : i32
      %add3A_95 = arith.addi %mul3A_2, %mul3A_94 : i32
      %dma_start3A_96 = arith.constant 0 : i32
      %dma_start3A_97 = arith.constant 0 : i32
      %dma_start3A_98 = tpu.memref_slice %arg6[%rem3A_79, %dma_start3A_96, %dma_start3A_97] : memref<4x80x128xf32, #tpu.memory_space<vmem>> -> memref<1x80x128xf32, #tpu.memory_space<vmem>>
      %dma_start3A_99 = tpu.memref_squeeze %dma_start3A_98 : memref<1x80x128xf32, #tpu.memory_space<vmem>> -> memref<80x128xf32, #tpu.memory_space<vmem>>
      %dma_start3A_100 = arith.constant 0 : i32
      %dma_start3A_101 = tpu.memref_slice %arg4[%add3A_95, %dma_start3A_100] : memref<64000x128xf32, #tpu.memory_space<hbm>> -> memref<80x128xf32, #tpu.memory_space<hbm>>
      %dma_start3A_102 = arith.constant 0 : i32
      %dma_start3A_103 = tpu.memref_slice %arg4[%add3A_95, %dma_start3A_102] : memref<64000x128xf32, #tpu.memory_space<hbm>> -> memref<80x128xf32, #tpu.memory_space<hbm>>
      %dma_start3A_104 = arith.constant 0 : i32
      %dma_start3A_105 = arith.constant 0 : i32
      %dma_start3A_106 = tpu.memref_slice %arg6[%rem3A_79, %dma_start3A_104, %dma_start3A_105] : memref<4x80x128xf32, #tpu.memory_space<vmem>> -> memref<1x80x128xf32, #tpu.memory_space<vmem>>
      %dma_start3A_107 = tpu.memref_squeeze %dma_start3A_106 : memref<1x80x128xf32, #tpu.memory_space<vmem>> -> memref<80x128xf32, #tpu.memory_space<vmem>>
      tpu.enqueue_dma source(%dma_start3A_107 : memref<80x128xf32, #tpu.memory_space<vmem>>) target(%dma_start3A_103 : memref<80x128xf32, #tpu.memory_space<hbm>>) target_semaphore(%arg8 : memref<!tpu.dma_semaphore, #tpu.memory_space<semaphore_mem>>)
    }
    %scan3A_26 = arith.constant 25 : i32
    %dma_wait3A = arith.constant 0 : i32
    %dma_wait3A_27 = arith.constant 0 : i32
    %dma_wait3A_28 = arith.constant 0 : i32
    %dma_wait3A_29 = tpu.memref_slice %arg6[%dma_wait3A, %dma_wait3A_27, %dma_wait3A_28] : memref<4x80x128xf32, #tpu.memory_space<vmem>> -> memref<1x80x128xf32, #tpu.memory_space<vmem>>
    %dma_wait3A_30 = tpu.memref_squeeze %dma_wait3A_29 : memref<1x80x128xf32, #tpu.memory_space<vmem>> -> memref<80x128xf32, #tpu.memory_space<vmem>>
    %dma_wait3A_31 = arith.constant 0 : i32
    %dma_wait3A_32 = tpu.memref_slice %arg4[%mul3A_2, %dma_wait3A_31] : memref<64000x128xf32, #tpu.memory_space<hbm>> -> memref<80x128xf32, #tpu.memory_space<hbm>>
    %dma_wait3A_33 = arith.constant 0 : i32
    %dma_wait3A_34 = tpu.memref_slice %arg4[%mul3A_2, %dma_wait3A_33] : memref<64000x128xf32, #tpu.memory_space<hbm>> -> memref<80x128xf32, #tpu.memory_space<hbm>>
    %dma_wait3A_35 = arith.constant 0 : i32
    %dma_wait3A_36 = arith.constant 0 : i32
    %dma_wait3A_37 = tpu.memref_slice %arg6[%dma_wait3A, %dma_wait3A_35, %dma_wait3A_36] : memref<4x80x128xf32, #tpu.memory_space<vmem>> -> memref<1x80x128xf32, #tpu.memory_space<vmem>>
    %dma_wait3A_38 = tpu.memref_squeeze %dma_wait3A_37 : memref<1x80x128xf32, #tpu.memory_space<vmem>> -> memref<80x128xf32, #tpu.memory_space<vmem>>
    tpu.wait_dma2 semaphore(%arg8 : memref<!tpu.dma_semaphore, #tpu.memory_space<semaphore_mem>>) src(%dma_wait3A_38 : memref<80x128xf32, #tpu.memory_space<vmem>>) dst(%dma_wait3A_34 : memref<80x128xf32, #tpu.memory_space<hbm>>)
    %dma_wait3A_39 = arith.constant 1 : i32
    %dma_wait3A_40 = arith.constant 0 : i32
    %dma_wait3A_41 = arith.constant 0 : i32
    %dma_wait3A_42 = tpu.memref_slice %arg6[%dma_wait3A_39, %dma_wait3A_40, %dma_wait3A_41] : memref<4x80x128xf32, #tpu.memory_space<vmem>> -> memref<1x80x128xf32, #tpu.memory_space<vmem>>
    %dma_wait3A_43 = tpu.memref_squeeze %dma_wait3A_42 : memref<1x80x128xf32, #tpu.memory_space<vmem>> -> memref<80x128xf32, #tpu.memory_space<vmem>>
    %dma_wait3A_44 = arith.constant 0 : i32
    %dma_wait3A_45 = tpu.memref_slice %arg4[%mul3A_2, %dma_wait3A_44] : memref<64000x128xf32, #tpu.memory_space<hbm>> -> memref<80x128xf32, #tpu.memory_space<hbm>>
    %dma_wait3A_46 = arith.constant 0 : i32
    %dma_wait3A_47 = tpu.memref_slice %arg4[%mul3A_2, %dma_wait3A_46] : memref<64000x128xf32, #tpu.memory_space<hbm>> -> memref<80x128xf32, #tpu.memory_space<hbm>>
    %dma_wait3A_48 = arith.constant 0 : i32
    %dma_wait3A_49 = arith.constant 0 : i32
    %dma_wait3A_50 = tpu.memref_slice %arg6[%dma_wait3A_39, %dma_wait3A_48, %dma_wait3A_49] : memref<4x80x128xf32, #tpu.memory_space<vmem>> -> memref<1x80x128xf32, #tpu.memory_space<vmem>>
    %dma_wait3A_51 = tpu.memref_squeeze %dma_wait3A_50 : memref<1x80x128xf32, #tpu.memory_space<vmem>> -> memref<80x128xf32, #tpu.memory_space<vmem>>
    tpu.wait_dma2 semaphore(%arg8 : memref<!tpu.dma_semaphore, #tpu.memory_space<semaphore_mem>>) src(%dma_wait3A_51 : memref<80x128xf32, #tpu.memory_space<vmem>>) dst(%dma_wait3A_47 : memref<80x128xf32, #tpu.memory_space<hbm>>)
    %dma_wait3A_52 = arith.constant 2 : i32
    %dma_wait3A_53 = arith.constant 0 : i32
    %dma_wait3A_54 = arith.constant 0 : i32
    %dma_wait3A_55 = tpu.memref_slice %arg6[%dma_wait3A_52, %dma_wait3A_53, %dma_wait3A_54] : memref<4x80x128xf32, #tpu.memory_space<vmem>> -> memref<1x80x128xf32, #tpu.memory_space<vmem>>
    %dma_wait3A_56 = tpu.memref_squeeze %dma_wait3A_55 : memref<1x80x128xf32, #tpu.memory_space<vmem>> -> memref<80x128xf32, #tpu.memory_space<vmem>>
    %dma_wait3A_57 = arith.constant 0 : i32
    %dma_wait3A_58 = tpu.memref_slice %arg4[%mul3A_2, %dma_wait3A_57] : memref<64000x128xf32, #tpu.memory_space<hbm>> -> memref<80x128xf32, #tpu.memory_space<hbm>>
    %dma_wait3A_59 = arith.constant 0 : i32
    %dma_wait3A_60 = tpu.memref_slice %arg4[%mul3A_2, %dma_wait3A_59] : memref<64000x128xf32, #tpu.memory_space<hbm>> -> memref<80x128xf32, #tpu.memory_space<hbm>>
    %dma_wait3A_61 = arith.constant 0 : i32
    %dma_wait3A_62 = arith.constant 0 : i32
    %dma_wait3A_63 = tpu.memref_slice %arg6[%dma_wait3A_52, %dma_wait3A_61, %dma_wait3A_62] : memref<4x80x128xf32, #tpu.memory_space<vmem>> -> memref<1x80x128xf32, #tpu.memory_space<vmem>>
    %dma_wait3A_64 = tpu.memref_squeeze %dma_wait3A_63 : memref<1x80x128xf32, #tpu.memory_space<vmem>> -> memref<80x128xf32, #tpu.memory_space<vmem>>
    tpu.wait_dma2 semaphore(%arg8 : memref<!tpu.dma_semaphore, #tpu.memory_space<semaphore_mem>>) src(%dma_wait3A_64 : memref<80x128xf32, #tpu.memory_space<vmem>>) dst(%dma_wait3A_60 : memref<80x128xf32, #tpu.memory_space<hbm>>)
    %dma_wait3A_65 = arith.constant 3 : i32
    %dma_wait3A_66 = arith.constant 0 : i32
    %dma_wait3A_67 = arith.constant 0 : i32
    %dma_wait3A_68 = tpu.memref_slice %arg6[%dma_wait3A_65, %dma_wait3A_66, %dma_wait3A_67] : memref<4x80x128xf32, #tpu.memory_space<vmem>> -> memref<1x80x128xf32, #tpu.memory_space<vmem>>
    %dma_wait3A_69 = tpu.memref_squeeze %dma_wait3A_68 : memref<1x80x128xf32, #tpu.memory_space<vmem>> -> memref<80x128xf32, #tpu.memory_space<vmem>>
    %dma_wait3A_70 = arith.constant 0 : i32
    %dma_wait3A_71 = tpu.memref_slice %arg4[%mul3A_2, %dma_wait3A_70] : memref<64000x128xf32, #tpu.memory_space<hbm>> -> memref<80x128xf32, #tpu.memory_space<hbm>>
    %dma_wait3A_72 = arith.constant 0 : i32
    %dma_wait3A_73 = tpu.memref_slice %arg4[%mul3A_2, %dma_wait3A_72] : memref<64000x128xf32, #tpu.memory_space<hbm>> -> memref<80x128xf32, #tpu.memory_space<hbm>>
    %dma_wait3A_74 = arith.constant 0 : i32
    %dma_wait3A_75 = arith.constant 0 : i32
    %dma_wait3A_76 = tpu.memref_slice %arg6[%dma_wait3A_65, %dma_wait3A_74, %dma_wait3A_75] : memref<4x80x128xf32, #tpu.memory_space<vmem>> -> memref<1x80x128xf32, #tpu.memory_space<vmem>>
    %dma_wait3A_77 = tpu.memref_squeeze %dma_wait3A_76 : memref<1x80x128xf32, #tpu.memory_space<vmem>> -> memref<80x128xf32, #tpu.memory_space<vmem>>
    tpu.wait_dma2 semaphore(%arg8 : memref<!tpu.dma_semaphore, #tpu.memory_space<semaphore_mem>>) src(%dma_wait3A_77 : memref<80x128xf32, #tpu.memory_space<vmem>>) dst(%dma_wait3A_73 : memref<80x128xf32, #tpu.memory_space<hbm>>)
    return
  }
}

#map = affine_map<(d0, d1) -> (0)>
#map1 = affine_map<(d0, d1) -> (0, 0)>
module attributes {stable_mosaic.version = 14 : i64} {
  func.func @_gather_body(%arg0: i32, %arg1: i32, %arg2: memref<64000xi32, #tpu.memory_space<hbm>>, %arg3: memref<10000x128xf32, #tpu.memory_space<hbm>>, %arg4: memref<64000x128xf32, #tpu.memory_space<hbm>>, %arg5: memref<2000xi32, #tpu.memory_space<vmem>>, %arg6: memref<4x80x128xf32, #tpu.memory_space<vmem>>, %arg7: memref<!tpu.dma_semaphore, #tpu.memory_space<semaphore_mem>>, %arg8: memref<!tpu.dma_semaphore, #tpu.memory_space<semaphore_mem>>) attributes {dimension_semantics = [#tpu.dimension_semantics<core_parallel>, #tpu.dimension_semantics<subcore_parallel>], iteration_bounds = array<i64: 2, 16>, scalar_prefetch = 0 : i64, scratch_operands = 4 : i64, tpu.core_type = #tpu.core_type<sc_vector_subcore>, window_params = [{transform_indices = #map}, {transform_indices = #map1}, {transform_indices = #map1}]} {
    %mul3A = arith.constant 2 : i32
    %mul3A_0 = arith.muli %arg1, %mul3A : i32
    %add3A = arith.addi %mul3A_0, %arg0 : i32
    %mul3A_1 = arith.constant 2000 : i32
    %mul3A_2 = arith.muli %add3A, %mul3A_1 : i32
    "tpu.region"() ({
      %run_scoped3A = tpu.sem_alloc : memref<!tpu.dma_semaphore, #tpu.memory_space<semaphore_mem>>
      %dma_start3A_78 = tpu.memref_slice %arg2[%mul3A_2] : memref<64000xi32, #tpu.memory_space<hbm>> -> memref<2000xi32, #tpu.memory_space<hbm>>
      %dma_start3A_79 = tpu.memref_slice %arg2[%mul3A_2] : memref<64000xi32, #tpu.memory_space<hbm>> -> memref<2000xi32, #tpu.memory_space<hbm>>
      tpu.enqueue_dma source(%dma_start3A_79 : memref<2000xi32, #tpu.memory_space<hbm>>) target(%arg5 : memref<2000xi32, #tpu.memory_space<vmem>>) target_semaphore(%run_scoped3A : memref<!tpu.dma_semaphore, #tpu.memory_space<semaphore_mem>>)
      %dma_wait3A_80 = tpu.memref_slice %arg2[%mul3A_2] : memref<64000xi32, #tpu.memory_space<hbm>> -> memref<2000xi32, #tpu.memory_space<hbm>>
      %dma_wait3A_81 = tpu.memref_slice %arg2[%mul3A_2] : memref<64000xi32, #tpu.memory_space<hbm>> -> memref<2000xi32, #tpu.memory_space<hbm>>
      tpu.wait_dma2 semaphore(%run_scoped3A : memref<!tpu.dma_semaphore, #tpu.memory_space<semaphore_mem>>) src(%dma_wait3A_81 : memref<2000xi32, #tpu.memory_space<hbm>>) dst(%arg5 : memref<2000xi32, #tpu.memory_space<vmem>>)
      tpu.yield
    }) : () -> ()
    %dma_start3A = arith.constant 0 : i32
    %dma_start3A_3 = arith.constant 0 : i32
    %dma_start3A_4 = arith.constant 0 : i32
    %dma_start3A_5 = tpu.memref_slice %arg6[%dma_start3A, %dma_start3A_3, %dma_start3A_4] : memref<4x80x128xf32, #tpu.memory_space<vmem>> -> memref<1x80x128xf32, #tpu.memory_space<vmem>>
    %dma_start3A_6 = tpu.memref_squeeze %dma_start3A_5 : memref<1x80x128xf32, #tpu.memory_space<vmem>> -> memref<80x128xf32, #tpu.memory_space<vmem>>
    %dma_start3A_7 = arith.constant 0 : i32
    %dma_start3A_8 = tpu.memref_slice %arg5[%dma_start3A_7] : memref<2000xi32, #tpu.memory_space<vmem>> -> memref<80xi32, #tpu.memory_space<vmem>>
    %dma_start3A_9 = arith.constant 0 : i32
    %dma_start3A_10 = arith.constant 0 : i32
    %dma_start3A_11 = tpu.memref_slice %arg3[%dma_start3A_9, %dma_start3A_10] : memref<10000x128xf32, #tpu.memory_space<hbm>> -> memref<10000x128xf32, #tpu.memory_space<hbm>>
    tpu.enqueue_indirect_dma source(%dma_start3A_11 : memref<10000x128xf32, #tpu.memory_space<hbm>>) target(%dma_start3A_6 : memref<80x128xf32, #tpu.memory_space<vmem>>) offsets(%dma_start3A_8 : memref<80xi32, #tpu.memory_space<vmem>>) semaphore(%arg7 : memref<!tpu.dma_semaphore, #tpu.memory_space<semaphore_mem>>)
    %dma_start3A_12 = arith.constant 1 : i32
    %dma_start3A_13 = arith.constant 0 : i32
    %dma_start3A_14 = arith.constant 0 : i32
    %dma_start3A_15 = tpu.memref_slice %arg6[%dma_start3A_12, %dma_start3A_13, %dma_start3A_14] : memref<4x80x128xf32, #tpu.memory_space<vmem>> -> memref<1x80x128xf32, #tpu.memory_space<vmem>>
    %dma_start3A_16 = tpu.memref_squeeze %dma_start3A_15 : memref<1x80x128xf32, #tpu.memory_space<vmem>> -> memref<80x128xf32, #tpu.memory_space<vmem>>
    %dma_start3A_17 = arith.constant 80 : i32
    %dma_start3A_18 = tpu.memref_slice %arg5[%dma_start3A_17] : memref<2000xi32, #tpu.memory_space<vmem>> -> memref<80xi32, #tpu.memory_space<vmem>>
    %dma_start3A_19 = arith.constant 0 : i32
    %dma_start3A_20 = arith.constant 0 : i32
    %dma_start3A_21 = tpu.memref_slice %arg3[%dma_start3A_19, %dma_start3A_20] : memref<10000x128xf32, #tpu.memory_space<hbm>> -> memref<10000x128xf32, #tpu.memory_space<hbm>>
    tpu.enqueue_indirect_dma source(%dma_start3A_21 : memref<10000x128xf32, #tpu.memory_space<hbm>>) target(%dma_start3A_16 : memref<80x128xf32, #tpu.memory_space<vmem>>) offsets(%dma_start3A_18 : memref<80xi32, #tpu.memory_space<vmem>>) semaphore(%arg7 : memref<!tpu.dma_semaphore, #tpu.memory_space<semaphore_mem>>)
    %scan3A = arith.constant 0 : i32
    %scan3A_22 = arith.constant 0 : i32
    %scan3A_23 = arith.constant 25 : i32
    %scan3A_24 = arith.addi %scan3A_22, %scan3A_23 : i32
    %scan3A_25 = arith.constant 1 : i32
    scf.for %scan3A_78 = %scan3A_22 to %scan3A_24 step %scan3A_25  : i32 {
      %rem3A = arith.constant 4 : i32
      %rem3A_79 = arith.remsi %scan3A_78, %rem3A : i32
      %add3A_80 = arith.constant 2 : i32
      %add3A_81 = arith.addi %scan3A_78, %add3A_80 : i32
      %lt3A = arith.constant 25 : i32
      %lt3A_82 = arith.cmpi slt, %add3A_81, %lt3A : i32
      %convert_element_type3A = arith.extui %lt3A_82 : i1 to i32
      %cond3A = arith.constant 0 : i32
      %cond3A_83 = arith.cmpi ne, %convert_element_type3A, %cond3A : i32
      scf.if %cond3A_83 {
        %add3A_108 = arith.constant 2 : i32
        %add3A_109 = arith.addi %scan3A_78, %add3A_108 : i32
        %rem3A_110 = arith.constant 4 : i32
        %rem3A_111 = arith.remsi %add3A_109, %rem3A_110 : i32
        %ge3A = arith.constant 2 : i32
        %ge3A_112 = arith.cmpi sge, %scan3A_78, %ge3A : i32
        %convert_element_type3A_113 = arith.extui %ge3A_112 : i1 to i32
        %cond3A_114 = arith.constant 0 : i32
        %cond3A_115 = arith.cmpi ne, %convert_element_type3A_113, %cond3A_114 : i32
        scf.if %cond3A_115 {
          %dma_wait3A_128 = arith.constant 0 : i32
          %dma_wait3A_129 = arith.constant 0 : i32
          %dma_wait3A_130 = tpu.memref_slice %arg6[%rem3A_111, %dma_wait3A_128, %dma_wait3A_129] : memref<4x80x128xf32, #tpu.memory_space<vmem>> -> memref<1x80x128xf32, #tpu.memory_space<vmem>>
          %dma_wait3A_131 = tpu.memref_squeeze %dma_wait3A_130 : memref<1x80x128xf32, #tpu.memory_space<vmem>> -> memref<80x128xf32, #tpu.memory_space<vmem>>
          %dma_wait3A_132 = arith.constant 0 : i32
          %dma_wait3A_133 = tpu.memref_slice %arg4[%mul3A_2, %dma_wait3A_132] : memref<64000x128xf32, #tpu.memory_space<hbm>> -> memref<80x128xf32, #tpu.memory_space<hbm>>
          %dma_wait3A_134 = arith.constant 0 : i32
          %dma_wait3A_135 = tpu.memref_slice %arg4[%mul3A_2, %dma_wait3A_134] : memref<64000x128xf32, #tpu.memory_space<hbm>> -> memref<80x128xf32, #tpu.memory_space<hbm>>
          %dma_wait3A_136 = arith.constant 0 : i32
          %dma_wait3A_137 = arith.constant 0 : i32
          %dma_wait3A_138 = tpu.memref_slice %arg6[%rem3A_111, %dma_wait3A_136, %dma_wait3A_137] : memref<4x80x128xf32, #tpu.memory_space<vmem>> -> memref<1x80x128xf32, #tpu.memory_space<vmem>>
          %dma_wait3A_139 = tpu.memref_squeeze %dma_wait3A_138 : memref<1x80x128xf32, #tpu.memory_space<vmem>> -> memref<80x128xf32, #tpu.memory_space<vmem>>
          tpu.wait_dma2 semaphore(%arg8 : memref<!tpu.dma_semaphore, #tpu.memory_space<semaphore_mem>>) src(%dma_wait3A_139 : memref<80x128xf32, #tpu.memory_space<vmem>>) dst(%dma_wait3A_135 : memref<80x128xf32, #tpu.memory_space<hbm>>)
        } else {
        }
        %add3A_116 = arith.constant 2 : i32
        %add3A_117 = arith.addi %scan3A_78, %add3A_116 : i32
        %mul3A_118 = arith.constant 80 : i32
        %mul3A_119 = arith.muli %add3A_117, %mul3A_118 : i32
        %dma_start3A_120 = arith.constant 0 : i32
        %dma_start3A_121 = arith.constant 0 : i32
        %dma_start3A_122 = tpu.memref_slice %arg6[%rem3A_111, %dma_start3A_120, %dma_start3A_121] : memref<4x80x128xf32, #tpu.memory_space<vmem>> -> memref<1x80x128xf32, #tpu.memory_space<vmem>>
        %dma_start3A_123 = tpu.memref_squeeze %dma_start3A_122 : memref<1x80x128xf32, #tpu.memory_space<vmem>> -> memref<80x128xf32, #tpu.memory_space<vmem>>
        %dma_start3A_124 = tpu.memref_slice %arg5[%mul3A_119] : memref<2000xi32, #tpu.memory_space<vmem>> -> memref<80xi32, #tpu.memory_space<vmem>>
        %dma_start3A_125 = arith.constant 0 : i32
        %dma_start3A_126 = arith.constant 0 : i32
        %dma_start3A_127 = tpu.memref_slice %arg3[%dma_start3A_125, %dma_start3A_126] : memref<10000x128xf32, #tpu.memory_space<hbm>> -> memref<10000x128xf32, #tpu.memory_space<hbm>>
        tpu.enqueue_indirect_dma source(%dma_start3A_127 : memref<10000x128xf32, #tpu.memory_space<hbm>>) target(%dma_start3A_123 : memref<80x128xf32, #tpu.memory_space<vmem>>) offsets(%dma_start3A_124 : memref<80xi32, #tpu.memory_space<vmem>>) semaphore(%arg7 : memref<!tpu.dma_semaphore, #tpu.memory_space<semaphore_mem>>)
      } else {
      }
      %dma_wait3A_84 = arith.constant 0 : i32
      %dma_wait3A_85 = arith.constant 0 : i32
      %dma_wait3A_86 = tpu.memref_slice %arg6[%rem3A_79, %dma_wait3A_84, %dma_wait3A_85] : memref<4x80x128xf32, #tpu.memory_space<vmem>> -> memref<1x80x128xf32, #tpu.memory_space<vmem>>
      %dma_wait3A_87 = tpu.memref_squeeze %dma_wait3A_86 : memref<1x80x128xf32, #tpu.memory_space<vmem>> -> memref<80x128xf32, #tpu.memory_space<vmem>>
      %dma_wait3A_88 = arith.constant 0 : i32
      %dma_wait3A_89 = tpu.memref_slice %arg5[%dma_wait3A_88] : memref<2000xi32, #tpu.memory_space<vmem>> -> memref<80xi32, #tpu.memory_space<vmem>>
      %dma_wait3A_90 = arith.constant 0 : i32
      %dma_wait3A_91 = arith.constant 0 : i32
      %dma_wait3A_92 = tpu.memref_slice %arg3[%dma_wait3A_90, %dma_wait3A_91] : memref<10000x128xf32, #tpu.memory_space<hbm>> -> memref<10000x128xf32, #tpu.memory_space<hbm>>
      tpu.wait_indirect_dma semaphore(%arg7 : memref<!tpu.dma_semaphore, #tpu.memory_space<semaphore_mem>>) src(%dma_wait3A_92 : memref<10000x128xf32, #tpu.memory_space<hbm>>) dst(%dma_wait3A_87 : memref<80x128xf32, #tpu.memory_space<vmem>>)
      %mul3A_93 = arith.constant 80 : i32
      %mul3A_94 = arith.muli %scan3A_78, %mul3A_93 : i32
      %add3A_95 = arith.addi %mul3A_2, %mul3A_94 : i32
      %dma_start3A_96 = arith.constant 0 : i32
      %dma_start3A_97 = arith.constant 0 : i32
      %dma_start3A_98 = tpu.memref_slice %arg6[%rem3A_79, %dma_start3A_96, %dma_start3A_97] : memref<4x80x128xf32, #tpu.memory_space<vmem>> -> memref<1x80x128xf32, #tpu.memory_space<vmem>>
      %dma_start3A_99 = tpu.memref_squeeze %dma_start3A_98 : memref<1x80x128xf32, #tpu.memory_space<vmem>> -> memref<80x128xf32, #tpu.memory_space<vmem>>
      %dma_start3A_100 = arith.constant 0 : i32
      %dma_start3A_101 = tpu.memref_slice %arg4[%add3A_95, %dma_start3A_100] : memref<64000x128xf32, #tpu.memory_space<hbm>> -> memref<80x128xf32, #tpu.memory_space<hbm>>
      %dma_start3A_102 = arith.constant 0 : i32
      %dma_start3A_103 = tpu.memref_slice %arg4[%add3A_95, %dma_start3A_102] : memref<64000x128xf32, #tpu.memory_space<hbm>> -> memref<80x128xf32, #tpu.memory_space<hbm>>
      %dma_start3A_104 = arith.constant 0 : i32
      %dma_start3A_105 = arith.constant 0 : i32
      %dma_start3A_106 = tpu.memref_slice %arg6[%rem3A_79, %dma_start3A_104, %dma_start3A_105] : memref<4x80x128xf32, #tpu.memory_space<vmem>> -> memref<1x80x128xf32, #tpu.memory_space<vmem>>
      %dma_start3A_107 = tpu.memref_squeeze %dma_start3A_106 : memref<1x80x128xf32, #tpu.memory_space<vmem>> -> memref<80x128xf32, #tpu.memory_space<vmem>>
      tpu.enqueue_dma source(%dma_start3A_107 : memref<80x128xf32, #tpu.memory_space<vmem>>) target(%dma_start3A_103 : memref<80x128xf32, #tpu.memory_space<hbm>>) target_semaphore(%arg8 : memref<!tpu.dma_semaphore, #tpu.memory_space<semaphore_mem>>)
    }
    %scan3A_26 = arith.constant 25 : i32
    %dma_wait3A = arith.constant 0 : i32
    %dma_wait3A_27 = arith.constant 0 : i32
    %dma_wait3A_28 = arith.constant 0 : i32
    %dma_wait3A_29 = tpu.memref_slice %arg6[%dma_wait3A, %dma_wait3A_27, %dma_wait3A_28] : memref<4x80x128xf32, #tpu.memory_space<vmem>> -> memref<1x80x128xf32, #tpu.memory_space<vmem>>
    %dma_wait3A_30 = tpu.memref_squeeze %dma_wait3A_29 : memref<1x80x128xf32, #tpu.memory_space<vmem>> -> memref<80x128xf32, #tpu.memory_space<vmem>>
    %dma_wait3A_31 = arith.constant 0 : i32
    %dma_wait3A_32 = tpu.memref_slice %arg4[%mul3A_2, %dma_wait3A_31] : memref<64000x128xf32, #tpu.memory_space<hbm>> -> memref<80x128xf32, #tpu.memory_space<hbm>>
    %dma_wait3A_33 = arith.constant 0 : i32
    %dma_wait3A_34 = tpu.memref_slice %arg4[%mul3A_2, %dma_wait3A_33] : memref<64000x128xf32, #tpu.memory_space<hbm>> -> memref<80x128xf32, #tpu.memory_space<hbm>>
    %dma_wait3A_35 = arith.constant 0 : i32
    %dma_wait3A_36 = arith.constant 0 : i32
    %dma_wait3A_37 = tpu.memref_slice %arg6[%dma_wait3A, %dma_wait3A_35, %dma_wait3A_36] : memref<4x80x128xf32, #tpu.memory_space<vmem>> -> memref<1x80x128xf32, #tpu.memory_space<vmem>>
    %dma_wait3A_38 = tpu.memref_squeeze %dma_wait3A_37 : memref<1x80x128xf32, #tpu.memory_space<vmem>> -> memref<80x128xf32, #tpu.memory_space<vmem>>
    tpu.wait_dma2 semaphore(%arg8 : memref<!tpu.dma_semaphore, #tpu.memory_space<semaphore_mem>>) src(%dma_wait3A_38 : memref<80x128xf32, #tpu.memory_space<vmem>>) dst(%dma_wait3A_34 : memref<80x128xf32, #tpu.memory_space<hbm>>)
    %dma_wait3A_39 = arith.constant 1 : i32
    %dma_wait3A_40 = arith.constant 0 : i32
    %dma_wait3A_41 = arith.constant 0 : i32
    %dma_wait3A_42 = tpu.memref_slice %arg6[%dma_wait3A_39, %dma_wait3A_40, %dma_wait3A_41] : memref<4x80x128xf32, #tpu.memory_space<vmem>> -> memref<1x80x128xf32, #tpu.memory_space<vmem>>
    %dma_wait3A_43 = tpu.memref_squeeze %dma_wait3A_42 : memref<1x80x128xf32, #tpu.memory_space<vmem>> -> memref<80x128xf32, #tpu.memory_space<vmem>>
    %dma_wait3A_44 = arith.constant 0 : i32
    %dma_wait3A_45 = tpu.memref_slice %arg4[%mul3A_2, %dma_wait3A_44] : memref<64000x128xf32, #tpu.memory_space<hbm>> -> memref<80x128xf32, #tpu.memory_space<hbm>>
    %dma_wait3A_46 = arith.constant 0 : i32
    %dma_wait3A_47 = tpu.memref_slice %arg4[%mul3A_2, %dma_wait3A_46] : memref<64000x128xf32, #tpu.memory_space<hbm>> -> memref<80x128xf32, #tpu.memory_space<hbm>>
    %dma_wait3A_48 = arith.constant 0 : i32
    %dma_wait3A_49 = arith.constant 0 : i32
    %dma_wait3A_50 = tpu.memref_slice %arg6[%dma_wait3A_39, %dma_wait3A_48, %dma_wait3A_49] : memref<4x80x128xf32, #tpu.memory_space<vmem>> -> memref<1x80x128xf32, #tpu.memory_space<vmem>>
    %dma_wait3A_51 = tpu.memref_squeeze %dma_wait3A_50 : memref<1x80x128xf32, #tpu.memory_space<vmem>> -> memref<80x128xf32, #tpu.memory_space<vmem>>
    tpu.wait_dma2 semaphore(%arg8 : memref<!tpu.dma_semaphore, #tpu.memory_space<semaphore_mem>>) src(%dma_wait3A_51 : memref<80x128xf32, #tpu.memory_space<vmem>>) dst(%dma_wait3A_47 : memref<80x128xf32, #tpu.memory_space<hbm>>)
    %dma_wait3A_52 = arith.constant 2 : i32
    %dma_wait3A_53 = arith.constant 0 : i32
    %dma_wait3A_54 = arith.constant 0 : i32
    %dma_wait3A_55 = tpu.memref_slice %arg6[%dma_wait3A_52, %dma_wait3A_53, %dma_wait3A_54] : memref<4x80x128xf32, #tpu.memory_space<vmem>> -> memref<1x80x128xf32, #tpu.memory_space<vmem>>
    %dma_wait3A_56 = tpu.memref_squeeze %dma_wait3A_55 : memref<1x80x128xf32, #tpu.memory_space<vmem>> -> memref<80x128xf32, #tpu.memory_space<vmem>>
    %dma_wait3A_57 = arith.constant 0 : i32
    %dma_wait3A_58 = tpu.memref_slice %arg4[%mul3A_2, %dma_wait3A_57] : memref<64000x128xf32, #tpu.memory_space<hbm>> -> memref<80x128xf32, #tpu.memory_space<hbm>>
    %dma_wait3A_59 = arith.constant 0 : i32
    %dma_wait3A_60 = tpu.memref_slice %arg4[%mul3A_2, %dma_wait3A_59] : memref<64000x128xf32, #tpu.memory_space<hbm>> -> memref<80x128xf32, #tpu.memory_space<hbm>>
    %dma_wait3A_61 = arith.constant 0 : i32
    %dma_wait3A_62 = arith.constant 0 : i32
    %dma_wait3A_63 = tpu.memref_slice %arg6[%dma_wait3A_52, %dma_wait3A_61, %dma_wait3A_62] : memref<4x80x128xf32, #tpu.memory_space<vmem>> -> memref<1x80x128xf32, #tpu.memory_space<vmem>>
    %dma_wait3A_64 = tpu.memref_squeeze %dma_wait3A_63 : memref<1x80x128xf32, #tpu.memory_space<vmem>> -> memref<80x128xf32, #tpu.memory_space<vmem>>
    tpu.wait_dma2 semaphore(%arg8 : memref<!tpu.dma_semaphore, #tpu.memory_space<semaphore_mem>>) src(%dma_wait3A_64 : memref<80x128xf32, #tpu.memory_space<vmem>>) dst(%dma_wait3A_60 : memref<80x128xf32, #tpu.memory_space<hbm>>)
    %dma_wait3A_65 = arith.constant 3 : i32
    %dma_wait3A_66 = arith.constant 0 : i32
    %dma_wait3A_67 = arith.constant 0 : i32
    %dma_wait3A_68 = tpu.memref_slice %arg6[%dma_wait3A_65, %dma_wait3A_66, %dma_wait3A_67] : memref<4x80x128xf32, #tpu.memory_space<vmem>> -> memref<1x80x128xf32, #tpu.memory_space<vmem>>
    %dma_wait3A_69 = tpu.memref_squeeze %dma_wait3A_68 : memref<1x80x128xf32, #tpu.memory_space<vmem>> -> memref<80x128xf32, #tpu.memory_space<vmem>>
    %dma_wait3A_70 = arith.constant 0 : i32
    %dma_wait3A_71 = tpu.memref_slice %arg4[%mul3A_2, %dma_wait3A_70] : memref<64000x128xf32, #tpu.memory_space<hbm>> -> memref<80x128xf32, #tpu.memory_space<hbm>>
    %dma_wait3A_72 = arith.constant 0 : i32
    %dma_wait3A_73 = tpu.memref_slice %arg4[%mul3A_2, %dma_wait3A_72] : memref<64000x128xf32, #tpu.memory_space<hbm>> -> memref<80x128xf32, #tpu.memory_space<hbm>>
    %dma_wait3A_74 = arith.constant 0 : i32
    %dma_wait3A_75 = arith.constant 0 : i32
    %dma_wait3A_76 = tpu.memref_slice %arg6[%dma_wait3A_65, %dma_wait3A_74, %dma_wait3A_75] : memref<4x80x128xf32, #tpu.memory_space<vmem>> -> memref<1x80x128xf32, #tpu.memory_space<vmem>>
    %dma_wait3A_77 = tpu.memref_squeeze %dma_wait3A_76 : memref<1x80x128xf32, #tpu.memory_space<vmem>> -> memref<80x128xf32, #tpu.memory_space<vmem>>
    tpu.wait_dma2 semaphore(%arg8 : memref<!tpu.dma_semaphore, #tpu.memory_space<semaphore_mem>>) src(%dma_wait3A_77 : memref<80x128xf32, #tpu.memory_space<vmem>>) dst(%dma_wait3A_73 : memref<80x128xf32, #tpu.memory_space<hbm>>)
    return
  }
}

#map = affine_map<(d0, d1) -> (0)>
#map1 = affine_map<(d0, d1) -> (0, 0)>
module attributes {stable_mosaic.version = 14 : i64} {
  func.func @_gather_body(%arg0: i32, %arg1: i32, %arg2: memref<64000xi32, #tpu.memory_space<hbm>>, %arg3: memref<10000x128xf32, #tpu.memory_space<hbm>>, %arg4: memref<64000x128xf32, #tpu.memory_space<hbm>>, %arg5: memref<2000xi32, #tpu.memory_space<vmem>>, %arg6: memref<4x80x128xf32, #tpu.memory_space<vmem>>, %arg7: memref<!tpu.dma_semaphore, #tpu.memory_space<semaphore_mem>>, %arg8: memref<!tpu.dma_semaphore, #tpu.memory_space<semaphore_mem>>) attributes {dimension_semantics = [#tpu.dimension_semantics<core_parallel>, #tpu.dimension_semantics<subcore_parallel>], iteration_bounds = array<i64: 2, 16>, scalar_prefetch = 0 : i64, scratch_operands = 4 : i64, tpu.core_type = #tpu.core_type<sc_vector_subcore>, window_params = [{transform_indices = #map}, {transform_indices = #map1}, {transform_indices = #map1}]} {
    %mul3A = arith.constant 2 : i32
    %mul3A_0 = arith.muli %arg1, %mul3A : i32
    %add3A = arith.addi %mul3A_0, %arg0 : i32
    %mul3A_1 = arith.constant 2000 : i32
    %mul3A_2 = arith.muli %add3A, %mul3A_1 : i32
    "tpu.region"() ({
      %run_scoped3A = tpu.sem_alloc : memref<!tpu.dma_semaphore, #tpu.memory_space<semaphore_mem>>
      %dma_start3A_78 = tpu.memref_slice %arg2[%mul3A_2] : memref<64000xi32, #tpu.memory_space<hbm>> -> memref<2000xi32, #tpu.memory_space<hbm>>
      %dma_start3A_79 = tpu.memref_slice %arg2[%mul3A_2] : memref<64000xi32, #tpu.memory_space<hbm>> -> memref<2000xi32, #tpu.memory_space<hbm>>
      tpu.enqueue_dma source(%dma_start3A_79 : memref<2000xi32, #tpu.memory_space<hbm>>) target(%arg5 : memref<2000xi32, #tpu.memory_space<vmem>>) target_semaphore(%run_scoped3A : memref<!tpu.dma_semaphore, #tpu.memory_space<semaphore_mem>>)
      %dma_wait3A_80 = tpu.memref_slice %arg2[%mul3A_2] : memref<64000xi32, #tpu.memory_space<hbm>> -> memref<2000xi32, #tpu.memory_space<hbm>>
      %dma_wait3A_81 = tpu.memref_slice %arg2[%mul3A_2] : memref<64000xi32, #tpu.memory_space<hbm>> -> memref<2000xi32, #tpu.memory_space<hbm>>
      tpu.wait_dma2 semaphore(%run_scoped3A : memref<!tpu.dma_semaphore, #tpu.memory_space<semaphore_mem>>) src(%dma_wait3A_81 : memref<2000xi32, #tpu.memory_space<hbm>>) dst(%arg5 : memref<2000xi32, #tpu.memory_space<vmem>>)
      tpu.yield
    }) : () -> ()
    %dma_start3A = arith.constant 0 : i32
    %dma_start3A_3 = arith.constant 0 : i32
    %dma_start3A_4 = arith.constant 0 : i32
    %dma_start3A_5 = tpu.memref_slice %arg6[%dma_start3A, %dma_start3A_3, %dma_start3A_4] : memref<4x80x128xf32, #tpu.memory_space<vmem>> -> memref<1x80x128xf32, #tpu.memory_space<vmem>>
    %dma_start3A_6 = tpu.memref_squeeze %dma_start3A_5 : memref<1x80x128xf32, #tpu.memory_space<vmem>> -> memref<80x128xf32, #tpu.memory_space<vmem>>
    %dma_start3A_7 = arith.constant 0 : i32
    %dma_start3A_8 = tpu.memref_slice %arg5[%dma_start3A_7] : memref<2000xi32, #tpu.memory_space<vmem>> -> memref<80xi32, #tpu.memory_space<vmem>>
    %dma_start3A_9 = arith.constant 0 : i32
    %dma_start3A_10 = arith.constant 0 : i32
    %dma_start3A_11 = tpu.memref_slice %arg3[%dma_start3A_9, %dma_start3A_10] : memref<10000x128xf32, #tpu.memory_space<hbm>> -> memref<10000x128xf32, #tpu.memory_space<hbm>>
    tpu.enqueue_indirect_dma source(%dma_start3A_11 : memref<10000x128xf32, #tpu.memory_space<hbm>>) target(%dma_start3A_6 : memref<80x128xf32, #tpu.memory_space<vmem>>) offsets(%dma_start3A_8 : memref<80xi32, #tpu.memory_space<vmem>>) semaphore(%arg7 : memref<!tpu.dma_semaphore, #tpu.memory_space<semaphore_mem>>)
    %dma_start3A_12 = arith.constant 1 : i32
    %dma_start3A_13 = arith.constant 0 : i32
    %dma_start3A_14 = arith.constant 0 : i32
    %dma_start3A_15 = tpu.memref_slice %arg6[%dma_start3A_12, %dma_start3A_13, %dma_start3A_14] : memref<4x80x128xf32, #tpu.memory_space<vmem>> -> memref<1x80x128xf32, #tpu.memory_space<vmem>>
    %dma_start3A_16 = tpu.memref_squeeze %dma_start3A_15 : memref<1x80x128xf32, #tpu.memory_space<vmem>> -> memref<80x128xf32, #tpu.memory_space<vmem>>
    %dma_start3A_17 = arith.constant 80 : i32
    %dma_start3A_18 = tpu.memref_slice %arg5[%dma_start3A_17] : memref<2000xi32, #tpu.memory_space<vmem>> -> memref<80xi32, #tpu.memory_space<vmem>>
    %dma_start3A_19 = arith.constant 0 : i32
    %dma_start3A_20 = arith.constant 0 : i32
    %dma_start3A_21 = tpu.memref_slice %arg3[%dma_start3A_19, %dma_start3A_20] : memref<10000x128xf32, #tpu.memory_space<hbm>> -> memref<10000x128xf32, #tpu.memory_space<hbm>>
    tpu.enqueue_indirect_dma source(%dma_start3A_21 : memref<10000x128xf32, #tpu.memory_space<hbm>>) target(%dma_start3A_16 : memref<80x128xf32, #tpu.memory_space<vmem>>) offsets(%dma_start3A_18 : memref<80xi32, #tpu.memory_space<vmem>>) semaphore(%arg7 : memref<!tpu.dma_semaphore, #tpu.memory_space<semaphore_mem>>)
    %scan3A = arith.constant 0 : i32
    %scan3A_22 = arith.constant 0 : i32
    %scan3A_23 = arith.constant 25 : i32
    %scan3A_24 = arith.addi %scan3A_22, %scan3A_23 : i32
    %scan3A_25 = arith.constant 1 : i32
    scf.for %scan3A_78 = %scan3A_22 to %scan3A_24 step %scan3A_25  : i32 {
      %rem3A = arith.constant 4 : i32
      %rem3A_79 = arith.remsi %scan3A_78, %rem3A : i32
      %add3A_80 = arith.constant 2 : i32
      %add3A_81 = arith.addi %scan3A_78, %add3A_80 : i32
      %lt3A = arith.constant 25 : i32
      %lt3A_82 = arith.cmpi slt, %add3A_81, %lt3A : i32
      %convert_element_type3A = arith.extui %lt3A_82 : i1 to i32
      %cond3A = arith.constant 0 : i32
      %cond3A_83 = arith.cmpi ne, %convert_element_type3A, %cond3A : i32
      scf.if %cond3A_83 {
        %add3A_108 = arith.constant 2 : i32
        %add3A_109 = arith.addi %scan3A_78, %add3A_108 : i32
        %rem3A_110 = arith.constant 4 : i32
        %rem3A_111 = arith.remsi %add3A_109, %rem3A_110 : i32
        %ge3A = arith.constant 2 : i32
        %ge3A_112 = arith.cmpi sge, %scan3A_78, %ge3A : i32
        %convert_element_type3A_113 = arith.extui %ge3A_112 : i1 to i32
        %cond3A_114 = arith.constant 0 : i32
        %cond3A_115 = arith.cmpi ne, %convert_element_type3A_113, %cond3A_114 : i32
        scf.if %cond3A_115 {
          %dma_wait3A_128 = arith.constant 0 : i32
          %dma_wait3A_129 = arith.constant 0 : i32
          %dma_wait3A_130 = tpu.memref_slice %arg6[%rem3A_111, %dma_wait3A_128, %dma_wait3A_129] : memref<4x80x128xf32, #tpu.memory_space<vmem>> -> memref<1x80x128xf32, #tpu.memory_space<vmem>>
          %dma_wait3A_131 = tpu.memref_squeeze %dma_wait3A_130 : memref<1x80x128xf32, #tpu.memory_space<vmem>> -> memref<80x128xf32, #tpu.memory_space<vmem>>
          %dma_wait3A_132 = arith.constant 0 : i32
          %dma_wait3A_133 = tpu.memref_slice %arg4[%mul3A_2, %dma_wait3A_132] : memref<64000x128xf32, #tpu.memory_space<hbm>> -> memref<80x128xf32, #tpu.memory_space<hbm>>
          %dma_wait3A_134 = arith.constant 0 : i32
          %dma_wait3A_135 = tpu.memref_slice %arg4[%mul3A_2, %dma_wait3A_134] : memref<64000x128xf32, #tpu.memory_space<hbm>> -> memref<80x128xf32, #tpu.memory_space<hbm>>
          %dma_wait3A_136 = arith.constant 0 : i32
          %dma_wait3A_137 = arith.constant 0 : i32
          %dma_wait3A_138 = tpu.memref_slice %arg6[%rem3A_111, %dma_wait3A_136, %dma_wait3A_137] : memref<4x80x128xf32, #tpu.memory_space<vmem>> -> memref<1x80x128xf32, #tpu.memory_space<vmem>>
          %dma_wait3A_139 = tpu.memref_squeeze %dma_wait3A_138 : memref<1x80x128xf32, #tpu.memory_space<vmem>> -> memref<80x128xf32, #tpu.memory_space<vmem>>
          tpu.wait_dma2 semaphore(%arg8 : memref<!tpu.dma_semaphore, #tpu.memory_space<semaphore_mem>>) src(%dma_wait3A_139 : memref<80x128xf32, #tpu.memory_space<vmem>>) dst(%dma_wait3A_135 : memref<80x128xf32, #tpu.memory_space<hbm>>)
        } else {
        }
        %add3A_116 = arith.constant 2 : i32
        %add3A_117 = arith.addi %scan3A_78, %add3A_116 : i32
        %mul3A_118 = arith.constant 80 : i32
        %mul3A_119 = arith.muli %add3A_117, %mul3A_118 : i32
        %dma_start3A_120 = arith.constant 0 : i32
        %dma_start3A_121 = arith.constant 0 : i32
        %dma_start3A_122 = tpu.memref_slice %arg6[%rem3A_111, %dma_start3A_120, %dma_start3A_121] : memref<4x80x128xf32, #tpu.memory_space<vmem>> -> memref<1x80x128xf32, #tpu.memory_space<vmem>>
        %dma_start3A_123 = tpu.memref_squeeze %dma_start3A_122 : memref<1x80x128xf32, #tpu.memory_space<vmem>> -> memref<80x128xf32, #tpu.memory_space<vmem>>
        %dma_start3A_124 = tpu.memref_slice %arg5[%mul3A_119] : memref<2000xi32, #tpu.memory_space<vmem>> -> memref<80xi32, #tpu.memory_space<vmem>>
        %dma_start3A_125 = arith.constant 0 : i32
        %dma_start3A_126 = arith.constant 0 : i32
        %dma_start3A_127 = tpu.memref_slice %arg3[%dma_start3A_125, %dma_start3A_126] : memref<10000x128xf32, #tpu.memory_space<hbm>> -> memref<10000x128xf32, #tpu.memory_space<hbm>>
        tpu.enqueue_indirect_dma source(%dma_start3A_127 : memref<10000x128xf32, #tpu.memory_space<hbm>>) target(%dma_start3A_123 : memref<80x128xf32, #tpu.memory_space<vmem>>) offsets(%dma_start3A_124 : memref<80xi32, #tpu.memory_space<vmem>>) semaphore(%arg7 : memref<!tpu.dma_semaphore, #tpu.memory_space<semaphore_mem>>)
      } else {
      }
      %dma_wait3A_84 = arith.constant 0 : i32
      %dma_wait3A_85 = arith.constant 0 : i32
      %dma_wait3A_86 = tpu.memref_slice %arg6[%rem3A_79, %dma_wait3A_84, %dma_wait3A_85] : memref<4x80x128xf32, #tpu.memory_space<vmem>> -> memref<1x80x128xf32, #tpu.memory_space<vmem>>
      %dma_wait3A_87 = tpu.memref_squeeze %dma_wait3A_86 : memref<1x80x128xf32, #tpu.memory_space<vmem>> -> memref<80x128xf32, #tpu.memory_space<vmem>>
      %dma_wait3A_88 = arith.constant 0 : i32
      %dma_wait3A_89 = tpu.memref_slice %arg5[%dma_wait3A_88] : memref<2000xi32, #tpu.memory_space<vmem>> -> memref<80xi32, #tpu.memory_space<vmem>>
      %dma_wait3A_90 = arith.constant 0 : i32
      %dma_wait3A_91 = arith.constant 0 : i32
      %dma_wait3A_92 = tpu.memref_slice %arg3[%dma_wait3A_90, %dma_wait3A_91] : memref<10000x128xf32, #tpu.memory_space<hbm>> -> memref<10000x128xf32, #tpu.memory_space<hbm>>
      tpu.wait_indirect_dma semaphore(%arg7 : memref<!tpu.dma_semaphore, #tpu.memory_space<semaphore_mem>>) src(%dma_wait3A_92 : memref<10000x128xf32, #tpu.memory_space<hbm>>) dst(%dma_wait3A_87 : memref<80x128xf32, #tpu.memory_space<vmem>>)
      %mul3A_93 = arith.constant 80 : i32
      %mul3A_94 = arith.muli %scan3A_78, %mul3A_93 : i32
      %add3A_95 = arith.addi %mul3A_2, %mul3A_94 : i32
      %dma_start3A_96 = arith.constant 0 : i32
      %dma_start3A_97 = arith.constant 0 : i32
      %dma_start3A_98 = tpu.memref_slice %arg6[%rem3A_79, %dma_start3A_96, %dma_start3A_97] : memref<4x80x128xf32, #tpu.memory_space<vmem>> -> memref<1x80x128xf32, #tpu.memory_space<vmem>>
      %dma_start3A_99 = tpu.memref_squeeze %dma_start3A_98 : memref<1x80x128xf32, #tpu.memory_space<vmem>> -> memref<80x128xf32, #tpu.memory_space<vmem>>
      %dma_start3A_100 = arith.constant 0 : i32
      %dma_start3A_101 = tpu.memref_slice %arg4[%add3A_95, %dma_start3A_100] : memref<64000x128xf32, #tpu.memory_space<hbm>> -> memref<80x128xf32, #tpu.memory_space<hbm>>
      %dma_start3A_102 = arith.constant 0 : i32
      %dma_start3A_103 = tpu.memref_slice %arg4[%add3A_95, %dma_start3A_102] : memref<64000x128xf32, #tpu.memory_space<hbm>> -> memref<80x128xf32, #tpu.memory_space<hbm>>
      %dma_start3A_104 = arith.constant 0 : i32
      %dma_start3A_105 = arith.constant 0 : i32
      %dma_start3A_106 = tpu.memref_slice %arg6[%rem3A_79, %dma_start3A_104, %dma_start3A_105] : memref<4x80x128xf32, #tpu.memory_space<vmem>> -> memref<1x80x128xf32, #tpu.memory_space<vmem>>
      %dma_start3A_107 = tpu.memref_squeeze %dma_start3A_106 : memref<1x80x128xf32, #tpu.memory_space<vmem>> -> memref<80x128xf32, #tpu.memory_space<vmem>>
      tpu.enqueue_dma source(%dma_start3A_107 : memref<80x128xf32, #tpu.memory_space<vmem>>) target(%dma_start3A_103 : memref<80x128xf32, #tpu.memory_space<hbm>>) target_semaphore(%arg8 : memref<!tpu.dma_semaphore, #tpu.memory_space<semaphore_mem>>)
    }
    %scan3A_26 = arith.constant 25 : i32
    %dma_wait3A = arith.constant 0 : i32
    %dma_wait3A_27 = arith.constant 0 : i32
    %dma_wait3A_28 = arith.constant 0 : i32
    %dma_wait3A_29 = tpu.memref_slice %arg6[%dma_wait3A, %dma_wait3A_27, %dma_wait3A_28] : memref<4x80x128xf32, #tpu.memory_space<vmem>> -> memref<1x80x128xf32, #tpu.memory_space<vmem>>
    %dma_wait3A_30 = tpu.memref_squeeze %dma_wait3A_29 : memref<1x80x128xf32, #tpu.memory_space<vmem>> -> memref<80x128xf32, #tpu.memory_space<vmem>>
    %dma_wait3A_31 = arith.constant 0 : i32
    %dma_wait3A_32 = tpu.memref_slice %arg4[%mul3A_2, %dma_wait3A_31] : memref<64000x128xf32, #tpu.memory_space<hbm>> -> memref<80x128xf32, #tpu.memory_space<hbm>>
    %dma_wait3A_33 = arith.constant 0 : i32
    %dma_wait3A_34 = tpu.memref_slice %arg4[%mul3A_2, %dma_wait3A_33] : memref<64000x128xf32, #tpu.memory_space<hbm>> -> memref<80x128xf32, #tpu.memory_space<hbm>>
    %dma_wait3A_35 = arith.constant 0 : i32
    %dma_wait3A_36 = arith.constant 0 : i32
    %dma_wait3A_37 = tpu.memref_slice %arg6[%dma_wait3A, %dma_wait3A_35, %dma_wait3A_36] : memref<4x80x128xf32, #tpu.memory_space<vmem>> -> memref<1x80x128xf32, #tpu.memory_space<vmem>>
    %dma_wait3A_38 = tpu.memref_squeeze %dma_wait3A_37 : memref<1x80x128xf32, #tpu.memory_space<vmem>> -> memref<80x128xf32, #tpu.memory_space<vmem>>
    tpu.wait_dma2 semaphore(%arg8 : memref<!tpu.dma_semaphore, #tpu.memory_space<semaphore_mem>>) src(%dma_wait3A_38 : memref<80x128xf32, #tpu.memory_space<vmem>>) dst(%dma_wait3A_34 : memref<80x128xf32, #tpu.memory_space<hbm>>)
    %dma_wait3A_39 = arith.constant 1 : i32
    %dma_wait3A_40 = arith.constant 0 : i32
    %dma_wait3A_41 = arith.constant 0 : i32
    %dma_wait3A_42 = tpu.memref_slice %arg6[%dma_wait3A_39, %dma_wait3A_40, %dma_wait3A_41] : memref<4x80x128xf32, #tpu.memory_space<vmem>> -> memref<1x80x128xf32, #tpu.memory_space<vmem>>
    %dma_wait3A_43 = tpu.memref_squeeze %dma_wait3A_42 : memref<1x80x128xf32, #tpu.memory_space<vmem>> -> memref<80x128xf32, #tpu.memory_space<vmem>>
    %dma_wait3A_44 = arith.constant 0 : i32
    %dma_wait3A_45 = tpu.memref_slice %arg4[%mul3A_2, %dma_wait3A_44] : memref<64000x128xf32, #tpu.memory_space<hbm>> -> memref<80x128xf32, #tpu.memory_space<hbm>>
    %dma_wait3A_46 = arith.constant 0 : i32
    %dma_wait3A_47 = tpu.memref_slice %arg4[%mul3A_2, %dma_wait3A_46] : memref<64000x128xf32, #tpu.memory_space<hbm>> -> memref<80x128xf32, #tpu.memory_space<hbm>>
    %dma_wait3A_48 = arith.constant 0 : i32
    %dma_wait3A_49 = arith.constant 0 : i32
    %dma_wait3A_50 = tpu.memref_slice %arg6[%dma_wait3A_39, %dma_wait3A_48, %dma_wait3A_49] : memref<4x80x128xf32, #tpu.memory_space<vmem>> -> memref<1x80x128xf32, #tpu.memory_space<vmem>>
    %dma_wait3A_51 = tpu.memref_squeeze %dma_wait3A_50 : memref<1x80x128xf32, #tpu.memory_space<vmem>> -> memref<80x128xf32, #tpu.memory_space<vmem>>
    tpu.wait_dma2 semaphore(%arg8 : memref<!tpu.dma_semaphore, #tpu.memory_space<semaphore_mem>>) src(%dma_wait3A_51 : memref<80x128xf32, #tpu.memory_space<vmem>>) dst(%dma_wait3A_47 : memref<80x128xf32, #tpu.memory_space<hbm>>)
    %dma_wait3A_52 = arith.constant 2 : i32
    %dma_wait3A_53 = arith.constant 0 : i32
    %dma_wait3A_54 = arith.constant 0 : i32
    %dma_wait3A_55 = tpu.memref_slice %arg6[%dma_wait3A_52, %dma_wait3A_53, %dma_wait3A_54] : memref<4x80x128xf32, #tpu.memory_space<vmem>> -> memref<1x80x128xf32, #tpu.memory_space<vmem>>
    %dma_wait3A_56 = tpu.memref_squeeze %dma_wait3A_55 : memref<1x80x128xf32, #tpu.memory_space<vmem>> -> memref<80x128xf32, #tpu.memory_space<vmem>>
    %dma_wait3A_57 = arith.constant 0 : i32
    %dma_wait3A_58 = tpu.memref_slice %arg4[%mul3A_2, %dma_wait3A_57] : memref<64000x128xf32, #tpu.memory_space<hbm>> -> memref<80x128xf32, #tpu.memory_space<hbm>>
    %dma_wait3A_59 = arith.constant 0 : i32
    %dma_wait3A_60 = tpu.memref_slice %arg4[%mul3A_2, %dma_wait3A_59] : memref<64000x128xf32, #tpu.memory_space<hbm>> -> memref<80x128xf32, #tpu.memory_space<hbm>>
    %dma_wait3A_61 = arith.constant 0 : i32
    %dma_wait3A_62 = arith.constant 0 : i32
    %dma_wait3A_63 = tpu.memref_slice %arg6[%dma_wait3A_52, %dma_wait3A_61, %dma_wait3A_62] : memref<4x80x128xf32, #tpu.memory_space<vmem>> -> memref<1x80x128xf32, #tpu.memory_space<vmem>>
    %dma_wait3A_64 = tpu.memref_squeeze %dma_wait3A_63 : memref<1x80x128xf32, #tpu.memory_space<vmem>> -> memref<80x128xf32, #tpu.memory_space<vmem>>
    tpu.wait_dma2 semaphore(%arg8 : memref<!tpu.dma_semaphore, #tpu.memory_space<semaphore_mem>>) src(%dma_wait3A_64 : memref<80x128xf32, #tpu.memory_space<vmem>>) dst(%dma_wait3A_60 : memref<80x128xf32, #tpu.memory_space<hbm>>)
    %dma_wait3A_65 = arith.constant 3 : i32
    %dma_wait3A_66 = arith.constant 0 : i32
    %dma_wait3A_67 = arith.constant 0 : i32
    %dma_wait3A_68 = tpu.memref_slice %arg6[%dma_wait3A_65, %dma_wait3A_66, %dma_wait3A_67] : memref<4x80x128xf32, #tpu.memory_space<vmem>> -> memref<1x80x128xf32, #tpu.memory_space<vmem>>
    %dma_wait3A_69 = tpu.memref_squeeze %dma_wait3A_68 : memref<1x80x128xf32, #tpu.memory_space<vmem>> -> memref<80x128xf32, #tpu.memory_space<vmem>>
    %dma_wait3A_70 = arith.constant 0 : i32
    %dma_wait3A_71 = tpu.memref_slice %arg4[%mul3A_2, %dma_wait3A_70] : memref<64000x128xf32, #tpu.memory_space<hbm>> -> memref<80x128xf32, #tpu.memory_space<hbm>>
    %dma_wait3A_72 = arith.constant 0 : i32
    %dma_wait3A_73 = tpu.memref_slice %arg4[%mul3A_2, %dma_wait3A_72] : memref<64000x128xf32, #tpu.memory_space<hbm>> -> memref<80x128xf32, #tpu.memory_space<hbm>>
    %dma_wait3A_74 = arith.constant 0 : i32
    %dma_wait3A_75 = arith.constant 0 : i32
    %dma_wait3A_76 = tpu.memref_slice %arg6[%dma_wait3A_65, %dma_wait3A_74, %dma_wait3A_75] : memref<4x80x128xf32, #tpu.memory_space<vmem>> -> memref<1x80x128xf32, #tpu.memory_space<vmem>>
    %dma_wait3A_77 = tpu.memref_squeeze %dma_wait3A_76 : memref<1x80x128xf32, #tpu.memory_space<vmem>> -> memref<80x128xf32, #tpu.memory_space<vmem>>
    tpu.wait_dma2 semaphore(%arg8 : memref<!tpu.dma_semaphore, #tpu.memory_space<semaphore_mem>>) src(%dma_wait3A_77 : memref<80x128xf32, #tpu.memory_space<vmem>>) dst(%dma_wait3A_73 : memref<80x128xf32, #tpu.memory_space<hbm>>)
    return
  }
}

module attributes {stable_mosaic.version = 14 : i64} {
  func.func @_proj_body(%arg0: i32, %arg1: memref<1000x128xf32, #tpu.memory_space<vmem>>, %arg2: memref<1000x4xf32, #tpu.memory_space<vmem>>, %arg3: memref<128x256xf32, #tpu.memory_space<vmem>>, %arg4: memref<256xf32, #tpu.memory_space<vmem>>, %arg5: memref<256x128xf32, #tpu.memory_space<vmem>>, %arg6: memref<128xf32, #tpu.memory_space<vmem>>, %arg7: memref<4x32xf32, #tpu.memory_space<vmem>>, %arg8: memref<1000x128xf32, #tpu.memory_space<vmem>>) attributes {dimension_semantics = [#tpu.dimension_semantics<arbitrary>], iteration_bounds = array<i64: 10>, scalar_prefetch = 0 : i64, scratch_operands = 0 : i64, tpu.core_type = #tpu.core_type<tc>, window_params = [{transform_indices = @transform_0, window_bounds = array<i64: 1000, 128>}, {transform_indices = @transform_1, window_bounds = array<i64: 1000, 4>}, {pipeline_mode = #tpu.pipeline_mode<synchronous>, transform_indices = @transform_2, window_bounds = array<i64: 128, 256>}, {pipeline_mode = #tpu.pipeline_mode<synchronous>, transform_indices = @transform_3, window_bounds = array<i64: 256>}, {pipeline_mode = #tpu.pipeline_mode<synchronous>, transform_indices = @transform_4, window_bounds = array<i64: 256, 128>}, {pipeline_mode = #tpu.pipeline_mode<synchronous>, transform_indices = @transform_5, window_bounds = array<i64: 128>}, {pipeline_mode = #tpu.pipeline_mode<synchronous>, transform_indices = @transform_6, window_bounds = array<i64: 4, 32>}, {transform_indices = @transform_7, window_bounds = array<i64: 1000, 128>}]} {
    %get3A = arith.constant 0 : index
    %get3A_0 = arith.constant 0 : index
    %get3A_1 = vector.load %arg1[%get3A, %get3A_0] : memref<1000x128xf32, #tpu.memory_space<vmem>>, vector<1000x128xf32>
    %get3A_2 = arith.constant 0 : index
    %get3A_3 = arith.constant 0 : index
    %get3A_4 = vector.load %arg3[%get3A_2, %get3A_3] : memref<128x256xf32, #tpu.memory_space<vmem>>, vector<128x256xf32>
    %dot_general3A = arith.constant dense<0.000000e+00> : vector<1000x256xf32>
    %dot_general3A_5 = tpu.matmul %get3A_1, %get3A_4, %dot_general3A {dimension_numbers = #tpu.dot_dimension_numbers<[1], [0], [0], [1], [0, 0, 1, 1], [], []>, transpose_lhs_hint = false} : vector<1000x128xf32>, vector<128x256xf32>, vector<1000x256xf32> -> vector<1000x256xf32>
    %get3A_6 = arith.constant 0 : index
    %get3A_7 = vector.load %arg4[%get3A_6] : memref<256xf32, #tpu.memory_space<vmem>>, vector<256xf32>
    %broadcast_in_dim3A = vector.shape_cast %get3A_7 : vector<256xf32> to vector<1x256xf32>
    %add3A = vector.broadcast %broadcast_in_dim3A : vector<1x256xf32> to vector<1000x256xf32>
    %add3A_8 = arith.addf %dot_general3A_5, %add3A : vector<1000x256xf32>
    %integer_pow3A = arith.mulf %add3A_8, %add3A_8 : vector<1000x256xf32>
    %integer_pow3A_9 = arith.mulf %add3A_8, %integer_pow3A : vector<1000x256xf32>
    %mul3A = arith.constant 4.471500e-02 : f32
    %mul3A_10 = vector.broadcast %mul3A : f32 to vector<1000x256xf32>
    %mul3A_11 = arith.mulf %mul3A_10, %integer_pow3A_9 : vector<1000x256xf32>
    %add3A_12 = arith.addf %add3A_8, %mul3A_11 : vector<1000x256xf32>
    %mul3A_13 = arith.constant 0.797884583 : f32
    %mul3A_14 = vector.broadcast %mul3A_13 : f32 to vector<1000x256xf32>
    %mul3A_15 = arith.mulf %mul3A_14, %add3A_12 : vector<1000x256xf32>
    %tanh3A = math.tanh %mul3A_15 : vector<1000x256xf32>
    %add3A_16 = arith.constant 1.000000e+00 : f32
    %add3A_17 = vector.broadcast %add3A_16 : f32 to vector<1000x256xf32>
    %add3A_18 = arith.addf %add3A_17, %tanh3A : vector<1000x256xf32>
    %mul3A_19 = arith.constant 5.000000e-01 : f32
    %mul3A_20 = vector.broadcast %mul3A_19 : f32 to vector<1000x256xf32>
    %mul3A_21 = arith.mulf %mul3A_20, %add3A_18 : vector<1000x256xf32>
    %mul3A_22 = arith.mulf %add3A_8, %mul3A_21 : vector<1000x256xf32>
    %get3A_23 = arith.constant 0 : index
    %get3A_24 = arith.constant 0 : index
    %get3A_25 = vector.load %arg5[%get3A_23, %get3A_24] : memref<256x128xf32, #tpu.memory_space<vmem>>, vector<256x128xf32>
    %dot_general3A_26 = arith.constant dense<0.000000e+00> : vector<1000x128xf32>
    %dot_general3A_27 = tpu.matmul %mul3A_22, %get3A_25, %dot_general3A_26 {dimension_numbers = #tpu.dot_dimension_numbers<[1], [0], [0], [1], [0, 0, 1, 1], [], []>, transpose_lhs_hint = false} : vector<1000x256xf32>, vector<256x128xf32>, vector<1000x128xf32> -> vector<1000x128xf32>
    %get3A_28 = arith.constant 0 : index
    %get3A_29 = vector.load %arg6[%get3A_28] : memref<128xf32, #tpu.memory_space<vmem>>, vector<128xf32>
    %broadcast_in_dim3A_30 = vector.shape_cast %get3A_29 : vector<128xf32> to vector<1x128xf32>
    %add3A_31 = vector.broadcast %broadcast_in_dim3A_30 : vector<1x128xf32> to vector<1000x128xf32>
    %add3A_32 = arith.addf %dot_general3A_27, %add3A_31 : vector<1000x128xf32>
    %get3A_33 = arith.constant 0 : index
    %get3A_34 = arith.constant 0 : index
    %get3A_35 = vector.load %arg2[%get3A_33, %get3A_34] : memref<1000x4xf32, #tpu.memory_space<vmem>>, vector<1000x4xf32>
    %get3A_36 = arith.constant 0 : index
    %get3A_37 = arith.constant 0 : index
    %get3A_38 = vector.load %arg7[%get3A_36, %get3A_37] : memref<4x32xf32, #tpu.memory_space<vmem>>, vector<4x32xf32>
    %dot_general3A_39 = arith.constant dense<0.000000e+00> : vector<1000x32xf32>
    %dot_general3A_40 = tpu.matmul %get3A_35, %get3A_38, %dot_general3A_39 {dimension_numbers = #tpu.dot_dimension_numbers<[1], [0], [0], [1], [0, 0, 1, 1], [], []>, transpose_lhs_hint = false} : vector<1000x4xf32>, vector<4x32xf32>, vector<1000x32xf32> -> vector<1000x32xf32>
    %convert_element_type3A = arith.truncf %add3A_32 : vector<1000x128xf32> to vector<1000x128xbf16>
    %convert_element_type3A_41 = arith.extf %convert_element_type3A : vector<1000x128xbf16> to vector<1000x128xf32>
    %convert_element_type3A_42 = arith.truncf %dot_general3A_40 : vector<1000x32xf32> to vector<1000x32xbf16>
    %convert_element_type3A_43 = arith.extf %convert_element_type3A_42 : vector<1000x32xbf16> to vector<1000x32xf32>
    %broadcast_in_dim3A_44 = arith.constant 0.000000e+00 : f32
    %broadcast_in_dim3A_45 = vector.broadcast %broadcast_in_dim3A_44 : f32 to vector<1000x96xf32>
    %concatenate3A = tpu.concatenate %convert_element_type3A_43, %broadcast_in_dim3A_45 in 1 : vector<1000x32xf32>, vector<1000x96xf32> -> vector<1000x128xf32>
    %bitcast_convert_type3A = tpu.bitcast %convert_element_type3A_41 : vector<1000x128xf32> -> vector<1000x128xi32>
    %bitcast_convert_type3A_46 = tpu.bitcast %concatenate3A : vector<1000x128xf32> -> vector<1000x128xi32>
    %shift_right_logical3A = arith.constant 16 : i32
    %shift_right_logical3A_47 = vector.broadcast %shift_right_logical3A : i32 to vector<1000x128xi32>
    %shift_right_logical3A_48 = arith.shrui %bitcast_convert_type3A_46, %shift_right_logical3A_47 : vector<1000x128xi32>
    %or3A = arith.ori %bitcast_convert_type3A, %shift_right_logical3A_48 : vector<1000x128xi32>
    %bitcast_convert_type3A_49 = tpu.bitcast %or3A : vector<1000x128xi32> -> vector<1000x128xf32>
    %swap3A = arith.constant 0 : index
    %swap3A_50 = arith.constant 0 : index
    %swap3A_51 = vector.load %arg8[%swap3A, %swap3A_50] : memref<1000x128xf32, #tpu.memory_space<vmem>>, vector<1000x128xf32>
    tpu.vector_store %arg8[%swap3A, %swap3A_50], %bitcast_convert_type3A_49 {strides = array<i32>} : memref<1000x128xf32, #tpu.memory_space<vmem>>, vector<1000x128xf32>,
    return
  }
  func.func @transform_0(%arg0: i32) -> (i32, i32) {
    %c0_i32 = arith.constant 0 : i32
    %c0_i32_0 = arith.constant 0 : i32
    return %arg0, %c0_i32 : i32, i32
  }
  func.func @transform_1(%arg0: i32) -> (i32, i32) {
    %c0_i32 = arith.constant 0 : i32
    %c0_i32_0 = arith.constant 0 : i32
    return %arg0, %c0_i32 : i32, i32
  }
  func.func @transform_2(%arg0: i32) -> (i32, i32) {
    %c0_i32 = arith.constant 0 : i32
    %c0_i32_0 = arith.constant 0 : i32
    %c0_i32_1 = arith.constant 0 : i32
    return %c0_i32, %c0_i32_0 : i32, i32
  }
  func.func @transform_3(%arg0: i32) -> i32 {
    %c0_i32 = arith.constant 0 : i32
    %c0_i32_0 = arith.constant 0 : i32
    return %c0_i32 : i32
  }
  func.func @transform_4(%arg0: i32) -> (i32, i32) {
    %c0_i32 = arith.constant 0 : i32
    %c0_i32_0 = arith.constant 0 : i32
    %c0_i32_1 = arith.constant 0 : i32
    return %c0_i32, %c0_i32_0 : i32, i32
  }
  func.func @transform_5(%arg0: i32) -> i32 {
    %c0_i32 = arith.constant 0 : i32
    %c0_i32_0 = arith.constant 0 : i32
    return %c0_i32 : i32
  }
  func.func @transform_6(%arg0: i32) -> (i32, i32) {
    %c0_i32 = arith.constant 0 : i32
    %c0_i32_0 = arith.constant 0 : i32
    %c0_i32_1 = arith.constant 0 : i32
    return %c0_i32, %c0_i32_0 : i32, i32
  }
  func.func @transform_7(%arg0: i32) -> (i32, i32) {
    %c0_i32 = arith.constant 0 : i32
    %c0_i32_0 = arith.constant 0 : i32
    return %arg0, %c0_i32 : i32, i32
  }
}

module attributes {stable_mosaic.version = 14 : i64} {
  func.func @_edge_body(%arg0: i32, %arg1: memref<12800x128xf32, #tpu.memory_space<vmem>>, %arg2: memref<400x4xf32, #tpu.memory_space<vmem>>, %arg3: memref<4x32xf32, #tpu.memory_space<vmem>>, %arg4: memref<32xf32, #tpu.memory_space<vmem>>, %arg5: memref<32x128xf32, #tpu.memory_space<vmem>>, %arg6: memref<128xf32, #tpu.memory_space<vmem>>, %arg7: memref<400x128xf32, #tpu.memory_space<vmem>>) attributes {dimension_semantics = [#tpu.dimension_semantics<arbitrary>], iteration_bounds = array<i64: 5>, scalar_prefetch = 0 : i64, scratch_operands = 0 : i64, tpu.core_type = #tpu.core_type<tc>, window_params = [{transform_indices = @transform_0, window_bounds = array<i64: 12800, 128>}, {transform_indices = @transform_1, window_bounds = array<i64: 400, 4>}, {pipeline_mode = #tpu.pipeline_mode<synchronous>, transform_indices = @transform_2, window_bounds = array<i64: 4, 32>}, {pipeline_mode = #tpu.pipeline_mode<synchronous>, transform_indices = @transform_3, window_bounds = array<i64: 32>}, {pipeline_mode = #tpu.pipeline_mode<synchronous>, transform_indices = @transform_4, window_bounds = array<i64: 32, 128>}, {pipeline_mode = #tpu.pipeline_mode<synchronous>, transform_indices = @transform_5, window_bounds = array<i64: 128>}, {transform_indices = @transform_6, window_bounds = array<i64: 400, 128>}]} {
    %get3A = arith.constant 0 : index
    %get3A_0 = arith.constant 0 : index
    %get3A_1 = vector.load %arg1[%get3A, %get3A_0] : memref<12800x128xf32, #tpu.memory_space<vmem>>, vector<12800x128xf32>
    %bitcast_convert_type3A = tpu.bitcast %get3A_1 : vector<12800x128xf32> -> vector<12800x128xi32>
    %and3A = arith.constant -65536 : i32
    %and3A_2 = vector.broadcast %and3A : i32 to vector<12800x128xi32>
    %and3A_3 = arith.andi %bitcast_convert_type3A, %and3A_2 : vector<12800x128xi32>
    %bitcast_convert_type3A_4 = tpu.bitcast %and3A_3 : vector<12800x128xi32> -> vector<12800x128xf32>
    %shift_left3A = arith.constant 16 : i32
    %shift_left3A_5 = vector.broadcast %shift_left3A : i32 to vector<12800x128xi32>
    %shift_left3A_6 = arith.shli %bitcast_convert_type3A, %shift_left3A_5 : vector<12800x128xi32>
    %bitcast_convert_type3A_7 = tpu.bitcast %shift_left3A_6 : vector<12800x128xi32> -> vector<12800x128xf32>
    %slice3A = vector.extract_strided_slice %bitcast_convert_type3A_7 {offsets = [0, 0], sizes = [12800, 32], strides = [1, 1]} : vector<12800x128xf32> to vector<12800x32xf32>
    %get3A_8 = arith.constant 0 : index
    %get3A_9 = arith.constant 0 : index
    %get3A_10 = vector.load %arg2[%get3A_8, %get3A_9] : memref<400x4xf32, #tpu.memory_space<vmem>>, vector<400x4xf32>
    %get3A_11 = arith.constant 0 : index
    %get3A_12 = arith.constant 0 : index
    %get3A_13 = vector.load %arg3[%get3A_11, %get3A_12] : memref<4x32xf32, #tpu.memory_space<vmem>>, vector<4x32xf32>
    %dot_general3A = arith.constant dense<0.000000e+00> : vector<400x32xf32>
    %dot_general3A_14 = tpu.matmul %get3A_10, %get3A_13, %dot_general3A {dimension_numbers = #tpu.dot_dimension_numbers<[1], [0], [0], [1], [0, 0, 1, 1], [], []>, transpose_lhs_hint = false} : vector<400x4xf32>, vector<4x32xf32>, vector<400x32xf32> -> vector<400x32xf32>
    %get3A_15 = arith.constant 0 : index
    %get3A_16 = vector.load %arg4[%get3A_15] : memref<32xf32, #tpu.memory_space<vmem>>, vector<32xf32>
    %broadcast_in_dim3A = vector.shape_cast %get3A_16 : vector<32xf32> to vector<1x32xf32>
    %add3A = vector.broadcast %broadcast_in_dim3A : vector<1x32xf32> to vector<400x32xf32>
    %add3A_17 = arith.addf %dot_general3A_14, %add3A : vector<400x32xf32>
    %reshape3A = vector.shape_cast %slice3A : vector<12800x32xf32> to vector<400x32x32xf32>
    %broadcast_in_dim3A_18 = vector.shape_cast %add3A_17 : vector<400x32xf32> to vector<400x1x32xf32>
    %add3A_19 = vector.broadcast %broadcast_in_dim3A_18 : vector<400x1x32xf32> to vector<400x32x32xf32>
    %add3A_20 = arith.addf %reshape3A, %add3A_19 : vector<400x32x32xf32>
    %integer_pow3A = arith.mulf %add3A_20, %add3A_20 : vector<400x32x32xf32>
    %integer_pow3A_21 = arith.mulf %add3A_20, %integer_pow3A : vector<400x32x32xf32>
    %mul3A = arith.constant 4.471500e-02 : f32
    %mul3A_22 = vector.broadcast %mul3A : f32 to vector<400x32x32xf32>
    %mul3A_23 = arith.mulf %mul3A_22, %integer_pow3A_21 : vector<400x32x32xf32>
    %add3A_24 = arith.addf %add3A_20, %mul3A_23 : vector<400x32x32xf32>
    %mul3A_25 = arith.constant 0.797884583 : f32
    %mul3A_26 = vector.broadcast %mul3A_25 : f32 to vector<400x32x32xf32>
    %mul3A_27 = arith.mulf %mul3A_26, %add3A_24 : vector<400x32x32xf32>
    %tanh3A = math.tanh %mul3A_27 : vector<400x32x32xf32>
    %add3A_28 = arith.constant 1.000000e+00 : f32
    %add3A_29 = vector.broadcast %add3A_28 : f32 to vector<400x32x32xf32>
    %add3A_30 = arith.addf %add3A_29, %tanh3A : vector<400x32x32xf32>
    %mul3A_31 = arith.constant 5.000000e-01 : f32
    %mul3A_32 = vector.broadcast %mul3A_31 : f32 to vector<400x32x32xf32>
    %mul3A_33 = arith.mulf %mul3A_32, %add3A_30 : vector<400x32x32xf32>
    %mul3A_34 = arith.mulf %add3A_20, %mul3A_33 : vector<400x32x32xf32>
    %reshape3A_35 = vector.shape_cast %mul3A_34 : vector<400x32x32xf32> to vector<12800x32xf32>
    %get3A_36 = arith.constant 0 : index
    %get3A_37 = arith.constant 0 : index
    %get3A_38 = vector.load %arg5[%get3A_36, %get3A_37] : memref<32x128xf32, #tpu.memory_space<vmem>>, vector<32x128xf32>
    %dot_general3A_39 = arith.constant dense<0.000000e+00> : vector<12800x128xf32>
    %dot_general3A_40 = tpu.matmul %reshape3A_35, %get3A_38, %dot_general3A_39 {dimension_numbers = #tpu.dot_dimension_numbers<[1], [0], [0], [1], [0, 0, 1, 1], [], []>, transpose_lhs_hint = false} : vector<12800x32xf32>, vector<32x128xf32>, vector<12800x128xf32> -> vector<12800x128xf32>
    %get3A_41 = arith.constant 0 : index
    %get3A_42 = vector.load %arg6[%get3A_41] : memref<128xf32, #tpu.memory_space<vmem>>, vector<128xf32>
    %broadcast_in_dim3A_43 = vector.shape_cast %get3A_42 : vector<128xf32> to vector<1x128xf32>
    %add3A_44 = vector.broadcast %broadcast_in_dim3A_43 : vector<1x128xf32> to vector<12800x128xf32>
    %add3A_45 = arith.addf %dot_general3A_40, %add3A_44 : vector<12800x128xf32>
    %mul3A_46 = arith.mulf %add3A_45, %bitcast_convert_type3A_4 : vector<12800x128xf32>
    %reshape3A_47 = vector.shape_cast %mul3A_46 : vector<12800x128xf32> to vector<400x32x128xf32>
    %reduce_sum3A = arith.constant dense<0.000000e+00> : vector<400x128xf32>
    %reduce_sum3A_48 = vector.multi_reduction <add>, %reshape3A_47, %reduce_sum3A [1] : vector<400x32x128xf32> to vector<400x128xf32>
    %mul3A_49 = arith.constant 3.125000e-02 : f32
    %mul3A_50 = vector.broadcast %mul3A_49 : f32 to vector<400x128xf32>
    %mul3A_51 = arith.mulf %reduce_sum3A_48, %mul3A_50 : vector<400x128xf32>
    %swap3A = arith.constant 0 : index
    %swap3A_52 = arith.constant 0 : index
    %swap3A_53 = vector.load %arg7[%swap3A, %swap3A_52] : memref<400x128xf32, #tpu.memory_space<vmem>>, vector<400x128xf32>
    tpu.vector_store %arg7[%swap3A, %swap3A_52], %mul3A_51 {strides = array<i32>} : memref<400x128xf32, #tpu.memory_space<vmem>>, vector<400x128xf32>,
    return
  }
  func.func @transform_0(%arg0: i32) -> (i32, i32) {
    %c0_i32 = arith.constant 0 : i32
    %c0_i32_0 = arith.constant 0 : i32
    return %arg0, %c0_i32 : i32, i32
  }
  func.func @transform_1(%arg0: i32) -> (i32, i32) {
    %c0_i32 = arith.constant 0 : i32
    %c0_i32_0 = arith.constant 0 : i32
    return %arg0, %c0_i32 : i32, i32
  }
  func.func @transform_2(%arg0: i32) -> (i32, i32) {
    %c0_i32 = arith.constant 0 : i32
    %c0_i32_0 = arith.constant 0 : i32
    %c0_i32_1 = arith.constant 0 : i32
    return %c0_i32, %c0_i32_0 : i32, i32
  }
  func.func @transform_3(%arg0: i32) -> i32 {
    %c0_i32 = arith.constant 0 : i32
    %c0_i32_0 = arith.constant 0 : i32
    return %c0_i32 : i32
  }
  func.func @transform_4(%arg0: i32) -> (i32, i32) {
    %c0_i32 = arith.constant 0 : i32
    %c0_i32_0 = arith.constant 0 : i32
    %c0_i32_1 = arith.constant 0 : i32
    return %c0_i32, %c0_i32_0 : i32, i32
  }
  func.func @transform_5(%arg0: i32) -> i32 {
    %c0_i32 = arith.constant 0 : i32
    %c0_i32_0 = arith.constant 0 : i32
    return %c0_i32 : i32
  }
  func.func @transform_6(%arg0: i32) -> (i32, i32) {
    %c0_i32 = arith.constant 0 : i32
    %c0_i32_0 = arith.constant 0 : i32
    return %arg0, %c0_i32 : i32, i32
  }
}

</mosaic_0001>

<sc_bundles>
// kernel: kernel.13.cloned.1.call-start
scs
__scs_entry_jumppad:
0x0: {  	(pc) =	sbr.rel $0x88, $3  }
0x1: {  	(tag) =	ssettag $0x0;
	lr =	simm.s32 $0x1  }
0x2: {  	[smem:$0x3F95] =	sst lr;
	_ =	strace $0xD0000000  }
0x3: {  	_ = 	snop  }
0x4: {  	_ = 	snop  }
0x5: {  	_ = 	snop  }
0x6: {  	_ = 	snop  }
0x7: {  	_ = 	snop  }
__scs_overlays_trampoline_lowered:
0x8: {  	[smem:$0x3FA4] =	sst s0  }
0x9: {  	[smem:$0x3FA5] =	sst s1  }
0xa: {  	[smem:$0x3FA6] =	sst s2  }
0xb: {  	[smem:$0x3FA7] =	sst s3  }
0xc: {  	[smem:$0x3FA8] =	sst s4  }
0xd: {  	[smem:$0x3FA9] =	sst s5  }
0xe: {  	[smem:$0x3FAA] =	sst s6  }
0xf: {  	[smem:$0x3FAB] =	sst s7  }
0x10: {  	[smem:$0x3FAC] =	sst s8  }
0x11: {  	[smem:$0x3FAD] =	sst s9;
	s0 =	simm.s32 @!p0 $0x0  }
0x12: {  	s1 =	sld [smem:$0x3F93];
	s0 =	simm.s32 @p0 $0x1  }
0x13: {  	[smem:$0x3FAE] =	sst s0;
	s0 =	simm.s32 @!p1 $0x0  }
0x14: {  	s2 =	sld [smem:$0x3F92];
	s0 =	simm.s32 @p1 $0x1  }
0x15: {  	[smem:$0x3FAF] =	sst s0;
	s0 =	simm.s32 @!p2 $0x0  }
0x16: {  	s3 =	sld [smem:$0x3FDB];
	s0 =	simm.s32 @p2 $0x1  }
0x17: {  	s4 =	simm.s32 $0x1BF5;
	[smem:$0x3FB1] =	sst s0  }
0x18: {  	s0 =	sld [smem:$0x3F94];
	_ =	swait.ge [sflag:s4], $0x0  }
0x19: {  	s7 =	sld [smem:$0x3F95]  }
0x1a: {  	s8 =	sadd.s32 $0xFFFFE003, lr  }
0x1b: {  	s9 =	sadd.s32 $0xFFFFFEF7, lr;
	s5 =	simm.s32 $0xFFFFFFFF;
	p2 =	slt.u32 s8, $0xFFFFF086  }
0x1c: {  	p1 =	slt.u32 s9, $0xF7A;
	s5 =	simm.s32 @!p2 $0x0  }
0x1d: {  	s5 =	simm.s32 @p1 $0x1;
	p0 =	seq.s32 s7, s2  }
0x1e: {  	s7 =	smul.u32 @!p0 $0xF7A, s2;
	p2 =	seq.s32 @!p0 s5, $0x0  }
0x1f: {  	s9 =	smul.u32 $0xF7A, s1;
	s8 =	simm.s32 @!p0 $0x1BF5;
	p2 =	por !p2, p0  }
0x20: {  	[sflag:s8] =	ssyncset.s32 @!p0 $0xFFFFF086;
	s6 =	sadd.s32 @!p0 s3, s7;
	s7 =	simm.s32 @!p0 $0x108  }
0x21: {  	s3 =	sadd.s32 s3, s9;
	s6 =	sadd.s32 @!p0 $0x88, s6;
	s7 =	simm.s32 @p2 $0x1082  }
0x22: {  	[simem:s7], [sflag:s8] =	dma.local @!p0 [hbm:s6], $0xF7A  }
0x23: {  	s9 =	sor.u32 $0xD0000000, s2;
	s6 =	simm.s32 $0x108;
	_ =	swait.ge @!p0 [sflag:s8], $0x0  }
0x24: {  	s3 =	sadd.s32 $0x88, s3;
	s6 =	simm.s32 @!p1 $0x1082;
	[sflag:s4] =	ssyncset.s32 $0xFFFFF086  }
0x25: {  	[simem:s6], [sflag:s4] =	dma.local [hbm:s3], $0xF7A  }
0x26: {  	[smem:$0x3F95] =	sst s1;
	(tag) =	ssettag s2;
	_ =	strace s9  }
0x27: {  	s1 =	sld [smem:$0x3FA5]  }
0x28: {  	s2 =	sld [smem:$0x3FA6]  }
0x29: {  	s4 =	sld [smem:$0x3FA8]  }
0x2a: {  	p0 =	seq.s32 s5, $0x0;
	s5 =	sld [smem:$0x3FA9]  }
0x2b: {  	s6 =	sld [smem:$0x3FAA]  }
0x2c: {  	s7 =	sld [smem:$0x3FAB]  }
0x2d: {  	s3 =	simm.s32 $0x108;
	s8 =	sld [smem:$0x3FAC]  }
0x2e: {  	s3 =	simm.s32 @!p0 $0x1082;
	s9 =	sld [smem:$0x3FAD]  }
0x2f: {  	lr =	sadd.s32 s0, s3;
	s0 =	sld [smem:$0x3FA4]  }
0x30: {  	s3 =	sld [smem:$0x3FA7]  }
0x31: {  	[smem:$0x3FB0] =	sst s10  }
0x32: {  	s10 =	sld [smem:$0x3FAE];
	_ =	sdelay $0x3  }
0x33: {  	p0 =	seq.s32 s10, $0x1;
	s10 =	sld [smem:$0x3FB0];
	_ =	sdelay $0x3  }
0x34: {  	[smem:$0x3FB0] =	sst s10  }
0x35: {  	s10 =	sld [smem:$0x3FAF];
	_ =	sdelay $0x3  }
0x36: {  	p1 =	seq.s32 s10, $0x1;
	s10 =	sld [smem:$0x3FB0];
	_ =	sdelay $0x3  }
0x37: {  	[smem:$0x3FB0] =	sst s10  }
0x38: {  	s10 =	sld [smem:$0x3FB1]  }
0x39: {  	_ = 	snop;
	(pc) =	sbr.ind lr, $3  }
0x3a: {  	_ = 	snop  }
0x3b: {  	_ = 	snop  }
0x3c: {  	p2 =	seq.s32 s10, $0x1;
	s10 =	sld [smem:$0x3FB0]  }
0x3d: {  	_ =	shalt  }
0x3e: {  	_ =	shalt  }
0x3f: {  	_ =	shalt  }
0x40: {  	_ =	shalt  }
0x41: {  	_ =	shalt  }
0x42: {  	_ =	shalt  }
0x43: {  	_ =	shalt  }
0x44: {  	_ =	shalt  }
0x45: {  	_ =	shalt  }
0x46: {  	_ =	shalt  }
0x47: {  	_ =	shalt  }
0x48: {  	_ =	shalt  }
0x49: {  	_ =	shalt  }
0x4a: {  	_ =	shalt  }
0x4b: {  	_ =	shalt  }
0x4c: {  	_ =	shalt  }
0x4d: {  	_ =	shalt  }
0x4e: {  	_ =	shalt  }
0x4f: {  	_ =	shalt  }
0x50: {  	_ =	shalt  }
0x51: {  	_ =	shalt  }
0x52: {  	_ =	shalt  }
0x53: {  	_ =	shalt  }
0x54: {  	_ =	shalt  }
0x55: {  	_ =	shalt  }
0x56: {  	_ =	shalt  }
0x57: {  	_ =	shalt  }
0x58: {  	_ =	shalt  }
0x59: {  	_ =	shalt  }
0x5a: {  	_ =	shalt  }
0x5b: {  	_ =	shalt  }
0x5c: {  	_ =	shalt  }
0x5d: {  	_ =	shalt  }
0x5e: {  	_ =	shalt  }
0x5f: {  	_ =	shalt  }
0x60: {  	_ =	shalt  }
0x61: {  	_ =	shalt  }
0x62: {  	_ =	shalt  }
0x63: {  	_ =	shalt  }
0x64: {  	_ =	shalt  }
0x65: {  	_ =	shalt  }
0x66: {  	_ =	shalt  }
0x67: {  	_ =	shalt  }
0x68: {  	_ =	shalt  }
0x69: {  	_ =	shalt  }
0x6a: {  	_ =	shalt  }
0x6b: {  	_ =	shalt  }
0x6c: {  	_ =	shalt  }
0x6d: {  	_ =	shalt  }
0x6e: {  	_ =	shalt  }
0x6f: {  	_ =	shalt  }
0x70: {  	_ =	shalt  }
0x71: {  	_ =	shalt  }
0x72: {  	_ =	shalt  }
0x73: {  	_ =	shalt  }
0x74: {  	_ =	shalt  }
0x75: {  	_ =	shalt  }
0x76: {  	_ =	shalt  }
0x77: {  	_ =	shalt  }
0x78: {  	_ =	shalt  }
0x79: {  	_ =	shalt  }
0x7a: {  	_ =	shalt  }
0x7b: {  	_ =	shalt  }
0x7c: {  	_ =	shalt  }
0x7d: {  	_ =	shalt  }
0x7e: {  	_ =	shalt  }
0x7f: {  	_ =	shalt  }
0x80: {  	_ =	shalt  }
0x81: {  	_ =	shalt  }
0x82: {  	_ =	shalt  }
0x83: {  	_ =	shalt  }
0x84: {  	_ =	shalt  }
0x85: {  	_ =	shalt  }
0x86: {  	_ =	shalt  }
0x87: {  	_ =	shalt  }
.Lfunc_end0:
.L_simem_size_0:
called_computation_lowered:
.L_overlay_start_0:
0x88: {  	s2 =	sld [smem:$0x3FD9]  }
0x89: {  	s3 =	sld [smem:$0x3FFE];
	_ =	sdelay $0x1  }
0x8a: {  	s1 =	srdreg.scid  }
0x8b: {  	s0 =	sand.u32 $0x1, s1  }
0x8c: {  	s17 =	sshll.u32 s0, $0xA;
	s2 =	sadd.s32 s3, s2  }
0x8d: {  	s2 =	sadd.s32 s2, s17  }
0x8e: {  	[smem:$0x3FBC] =	sst s2  }
0x8f: {  	_ = 	snop  }
0x90: {  	s18 =	sld [smem:$0x3FD0];
	(tm) =	ssettm $0x1  }
0x91: {  	s19 =	sld [smem:$0x3FFB];
	_ =	sdelay $0x3  }
0x92: {  	_ =	strace s19  }
0x93: {  	s2 =	sld [smem:$0x3FFC];
	_ =	sdelay $0x3  }
0x94: {  	_ =	strace s2  }
0x95: {  	s2 =	sld [smem:$0x3FFD];
	_ =	sdelay $0x3  }
0x96: {  	_ =	strace s2  }
0x97: {  	_ =	strace $0x8FFFFFFF  }
0x98: {  	s20 =	sld [smem:$0x3FDB];
	_ =	sdelay $0x1  }
0x99: {  	s4 =	simm.s32 $_scs_section_size  }
0x9a: {  	s5 =	simm.s32 $_size__tile_overlayer_lowered;
	s6 =	simm.s32 $_tile_overlayer_lowered  }
0x9b: {  	s7 =	simm.s32 $0x1BFF;
	s21 =	sshll.u32 s6, $0x1;
	s4 =	sadd.s32 s4, s20  }
0x9c: {  	s22 =	simm.s32 $0x0;
	s5 =	sshll.u32 s5, $0x1;
	s6 =	sadd.s32 s21, s4  }
0x9d: {  	[timem:s22], [sflag:s7] =	dma.local [hbm:s6], s5  }
0x9e: {  	_ =	swait.ge [sflag:s7], s5  }
0x9f: {  	s5 =	ssub.s32 $0x0, s5;
	[sflag:s7] =	ssyncset.done $0x0  }
0xa0: {  	[sflag:s7] =	ssyncadd.s32 s5;
	_ =	sdelay $0x1  }
0xa1: {  	s23 =	simm.s32 $0x1B8B  }
0xa2: {  	_ =	swait.ge [sflag:s23], $0x1  }
0xa3: {  	[sflag:s23] =	ssyncset.done $0x0  }
0xa4: {  	[sflag:s23] =	ssyncadd.s32 $0xFFFFFFFF  }
0xa5: {  	s5 =	sld [smem:$0x0]  }
0xa6: {  	s6 =	sand.u32 $0xFFFFFFFE, s1  }
0xa7: {  	p0 =	sne.s32 s1, s6  }
0xa8: {  	s6 =	sshll.u32 @p0 s6, $0xE  }
0xa9: {  	s6 =	sadd.s32 @p0 $0x11B8D, s6;
	s7 =	sshll.u32 @p0 s5, $0x11  }
0xaa: {  	s6 =	sor.u32 @p0 s7, s6  }
0xab: {  	[sflag:s6] =	ssyncadd.remote.s32 @p0 $0x1;
	_ =	sdelay $0x1  }
0xac: {  	s6 =	simm.s32 @p0 $0x1B8D  }
0xad: {  	_ =	swait.eq @p0 [sflag:s6], $0x1  }
0xae: {  	[sflag:s6] =	ssyncadd.s32 @p0 $0xFFFFFFFF  }
0xaf: {  	s7 =	sshll.u32 @!p0 s1, $0xE  }
0xb0: {  	s7 =	sor.u32 @!p0 $0x4000, s7;
	s6 =	simm.s32 @!p0 $0x1B8D  }
0xb1: {  	s5 =	sshll.u32 @!p0 s5, $0x11;
	s7 =	sadd.s32 @!p0 $0x11B8D, s7;
	_ =	swait.eq @!p0 [sflag:s6], $0x1  }
0xb2: {  	s5 =	sor.u32 @!p0 s5, s7;
	[sflag:s6] =	ssyncadd.s32 @!p0 $0xFFFFFFFF  }
0xb3: {  	s25 =	simm.s32 $0x1B8E;
	s24 =	sld [smem:$0x3FFE];
	[sflag:s5] =	ssyncadd.remote.s32 @!p0 $0x1  }
0xb4: {  	s26 =	simm.s32 $execute0_lowered;
	[smem:$0x3FD2] =	sst s25  }
0xb5: {  	s6 =	sshll.u32 s26, $0x1;
	_ =	strace $0x8000004F;
	[dreg:$0x1] =	wrdreg $0xFFFFFFFF  }
0xb6: {  	s28 =	simm.s32 $_size_execute0_lowered;
	s4 =	sadd.s32 s4, s6;
	[dreg:$0x0] =	wrdreg $0x0  }
0xb7: {  	s6 =	sshll.u32 s28, $0x1;
	[dreg:$0x2] =	wrdreg s4  }
0xb8: {  	[dreg:$0x3] =	wrdreg s6  }
0xb9: {  	[dreg:$0x4] =	wrdreg $0xC0  }
0xba: {  	_ =	task [dreg:s22], $0x5FFFF  }
0xbb: {  	[dreg:$0x1] =	wrdreg $0xFFFFFFFF  }
0xbc: {  	[dreg:$0x0] =	wrdreg $0x60  }
0xbd: {  	[dreg:$0x2] =	wrdreg s24  }
0xbe: {  	[dreg:$0x3] =	wrdreg s18  }
0xbf: {  	[dreg:$0x4] =	wrdreg $0x9  }
0xc0: {  	_ =	task.clear_ibuf [dreg:s22], $0x5FFFF;
	_ =	strace $0x9000004F  }
0xc1: {  	s29 =	simm.s32 $0x9;
	_ =	strace $0x80000051  }
0xc2: {  	_ =	swait.ge [sflag:s29], $0x1  }
0xc3: {  	[sflag:s29] =	ssyncadd.s32 $0xFFFFFFFF  }
0xc4: {  	_ =	strace $0x90000051  }
0xc5: {  	_ =	sfence  }
0xc6: {  	s30 =	sld [smem:$0x0];
	_ =	sdelay $0x2  }
0xc7: {  	s31 =	sshll.u32 s1, $0xD;
	s1 =	sshrl.u32 s1, $0x2  }
0xc8: {  	s4 =	sand.u32 $0x4000, s31;
	s1 =	sadd.s32 s1, s30  }
0xc9: {  	s0 =	sor.u32 s4, s0;
	s1 =	sshll.u32 s1, $0x11  }
0xca: {  	s0 =	sor.u32 s1, s0  }
0xcb: {  	s0 =	sadd.s32 $0x8F2B, s0  }
0xcc: {  	[sflag:s0] =	ssyncadd.remote.s32 $0x1  }
0xcd: {  	_ =	sfence.sel $0xFFFF  }
0xce: {  	[dreg:$0x0] =	wrdreg $0xFFFFFFFF;
	(pc) =	sbr.abs _section_cstart, $3  }
0xcf: {  	[dreg:$0x1] =	wrdreg $0xFFFFFFFF  }
0xd0: {  	_ =	task.clear_ibuf [dreg:s22], $0x2FFFF;
	_ =	strace $0x9FFFFFFF  }
0xd1: {  	(tm) =	ssettm $0x7FFFFFFF  }
tec
execute0_lowered:
.L_overlay_start_1:
0x0: {  	(tag) =	ssettag $0x1  }
0x1: {  	s4 =	rddreg [dreg:$0x0]  }
0x2: {  	s1 =	srdreg.scid;
	s0 =	stileid.u32  }
0x3: {  	s2 =	rddreg [dreg:$0x1];
	s3 =	simm.s32 $0x0;
	s12 =	simm.s32 $0x3000  }
0x4: {  	s13 =	simm.s32 $0xA0;
	s14 =	simm.s32 $0x5800;
	s15 =	simm.s32 $0x1  }
0x5: {  	s16 =	simm.s32 $0xF0;
	s17 =	simm.s32 $0x8000;
	s18 =	simm.s32 $0x2  }
0x6: {  	s19 =	simm.s32 $0x0;
	s5 =	sand.u32 $0x1, s1;
	s1 =	rddreg [dreg:$0x2]  }
0x7: {  	s6 =	sshll.u32 s0, $0x1;
	[smem:$0x7FF] =	sst s3;
	s10 =	smul.u32 $0xFA00, s0  }
0x8: {  	s11 =	sadd.s32 $0x2FBA00, s4;
	s6 =	sor.u32 s5, s6;
	s30 =	smul.u32 $0x7D00, s5  }
0x9: {  	_ =	strace $0x80000050;
	s8 =	ssub.s32 $0x2, s5;
	s7 =	smul.u32 $0x7D0, s6  }
0xa: {  	s6 =	smul.u32 $0x7D00, s6;
	s9 =	sshrl.u32 s8, $0x1;
	s10 =	sadd.s32 s10, s11  }
0xb: {  	s8 =	ssub.s32 s8, s9;
	s31 =	sadd.s32 s30, s10;
	s9 =	simm.s32 $0x3  }
0xc: {  	s10 =	simm.s32 $0x50;
	s7 =	sshrl.u32 s7, $0x3;
	s5 =	sadd.s32 s11, s6  }
0xd: {  	s6 =	smax.u32 s8, $0x1;
	s8 =	sadd.s32 $0xA00, s31;
	s7 =	sadd.s32 s7, s4  }
0xe: {  	s11 =	simm.s32 $0x800;
	s4 =	sadd.s32 $0x9A00, s7;
	s7 =	sadd.s32 $0x500, s5  }
.LBB2_1:
0xf: {  	[tilespmem:s3], [sflag:$0x3] =	stream.linear.gather [hbm4b:s4+s3], $0x7D0, $0x38;
	[tilespmem:$0xA800] =	vst v63  }
0x10: {  	_ =	swait.ge [sflag:s9], $0x7D0  }
0x11: {  	[sflag:s9] =	ssyncset.done $0x0  }
0x12: {  	[sflag:s9] =	ssyncadd.s32 $0xFFFFF830  }
0x13: {  	[tilespmem:s11], [sflag:$0x1] =	stream.indirect.gather [hbm4b:s2+s10], $0x80, s3, s10, $0xb8;
	[tilespmem:$0xA800] =	vst v63  }
0x14: {  	_ = 	snop  }
0x15: {  	[tilespmem:s12], [sflag:$0x1] =	stream.indirect.gather [hbm4b:s2+s10], $0x80, s10, s10, $0xb8;
	[tilespmem:$0xA800] =	vst v63  }
0x16: {  	_ = 	snop  }
0x17: {  	[tilespmem:s14], [sflag:$0x1] =	stream.indirect.gather [hbm4b:s2+s10], $0x80, s13, s10, $0xb8;
	[tilespmem:$0xA800] =	vst v63  }
0x18: {  	_ =	swait.ge [sflag:s15], $0x2800  }
0x19: {  	[sflag:s15] =	ssyncset.done $0x0  }
0x1a: {  	[sflag:s15] =	ssyncadd.s32 $0xFFFFD800  }
0x1b: {  	[hbm4b:s5+s3] =	stream.linear.scatter [tilespmem:s11], [sflag:$0x2], $0x2800, $0x38;
	[tilespmem:$0xA800] =	vst v63  }
0x1c: {  	s20 =	simm.s32 $0x4;
	p0 =	por $0x0, $0x0  }
0x1d: {  	[tilespmem:s17], [sflag:$0x1] =	stream.indirect.gather [hbm4b:s2+s10], $0x80, s16, s10, $0xb8;
	[tilespmem:$0xA800] =	vst v63  }
0x1e: {  	s21 =	simm.s32 $0x140;
	s23 =	simm.s32 $0x5;
	_ =	swait.ge [sflag:s15], $0x2800  }
0x1f: {  	s25 =	simm.s32 $0x2;
	s20 =	sand.u32 @!p0 $0x3, s20;
	[sflag:s15] =	ssyncset.done $0x0  }
0x20: {  	s24 =	simm.s32 @!p0 $0x2;
	s20 =	smul.u32 @!p0 $0xA000, s20;
	[sflag:s15] =	ssyncadd.s32 $0xFFFFD800  }
0x21: {  	[hbm4b:s7+s3] =	stream.linear.scatter [tilespmem:s12], [sflag:$0x2], $0x2800, $0x38;
	[tilespmem:$0xA800] =	vst v63  }
0x22: {  	s22 =	simm.s32 $0x6;
	s25 =	sand.u32 $0x3, s25;
	_ =	swait.ge @!p0 [sflag:s24], $0x2800  }
0x23: {  	s26 =	smul.u32 $0xA000, s25;
	s20 =	sshrl.u32 @!p0 s20, $0x2;
	[sflag:s24] =	ssyncset.done @!p0 $0x0  }
0x24: {  	s20 =	sadd.s32 @!p0 $0x800, s20;
	[sflag:s24] =	ssyncadd.s32 @!p0 $0xFFFFD800;
	s24 =	simm.s32 @!p0 $0x50  }
0x25: {  	[tilespmem:s20], [sflag:$0x1] =	stream.indirect.gather @!p0 [hbm4b:s2+s24], $0x80, s21, s24, $0xb8;
	[tilespmem:$0xA800] =	vst v63  }
0x26: {  	s25 =	simm.s32 $0x3;
	s21 =	simm.s32 $0x190;
	_ =	swait.ge [sflag:s15], $0x2800  }
0x27: {  	s20 =	sadd.s32 $0x500, s8;
	s24 =	smov.u32 s8;
	[sflag:s15] =	ssyncset.done $0x0  }
.LBB2_2:
0x28: {  	p0 =	sgt.u32 s25, $0x16;
	s26 =	sshrl.u32 s26, $0x2;
	s28 =	smov.u32 s22  }
0x29: {  	s22 =	sadd.s32 $0x1, s22;
	s29 =	smov.u32 s24;
	s24 =	smov.u32 s20  }
0x2a: {  	s23 =	sand.u32 @!p0 $0x3, s23;
	s30 =	simm.s32 @!p0 $0x2;
	s26 =	sadd.s32 $0x800, s26  }
0x2b: {  	p1 =	sne.s32 s22, $0x1B;
	s23 =	smul.u32 @!p0 $0xA000, s23;
	[sflag:s15] =	ssyncadd.s32 $0xFFFFD800  }
0x2c: {  	[hbm4b:s29+s3] =	stream.linear.scatter [tilespmem:s26], [sflag:$0x2], $0x2800, $0x38;
	[tilespmem:$0xA800] =	vst v63  }
0x2d: {  	_ =	swait.ge @!p0 [sflag:s30], $0x2800;
	s26 =	sshrl.u32 @!p0 s23, $0x2;
	s23 =	smov.u32 s28  }
.Ltmp0:
0x2e: {  	[sflag:s30] =	ssyncset.done @!p0 $0x0;
	s26 =	sadd.s32 @!p0 $0x800, s26;
	(pc) =	sbr.rel @p1 .LBB2_2-.Ltmp0, $4  }
0x2f: {  	s25 =	sand.u32 $0x3, s25;
	s28 =	simm.s32 @!p0 $0x50;
	[sflag:s30] =	ssyncadd.s32 @!p0 $0xFFFFD800  }
0x30: {  	[tilespmem:s26], [sflag:$0x1] =	stream.indirect.gather @!p0 [hbm4b:s2+s28], $0x80, s21, s28, $0xb8;
	[tilespmem:$0xA800] =	vst v63  }
0x31: {  	s26 =	smul.u32 $0xA000, s25;
	s21 =	sadd.s32 $0x50, s21;
	_ =	swait.ge [sflag:s15], $0x2800  }
0x32: {  	s20 =	sadd.s32 $0x500, s20;
	s25 =	sadd.s32 $0xFFFFFFFE, s23;
	[sflag:s15] =	ssyncset.done $0x0  }
0x33: {  	p0 =	sgt.u32 s25, $0x16  }
0x34: {  	s22 =	sshrl.u32 s26, $0x2;
	[sflag:s15] =	ssyncadd.s32 $0xFFFFD800;
	s23 =	sand.u32 @!p0 $0x3, s23  }
0x35: {  	s26 =	simm.s32 @!p0 $0x2;
	s22 =	sadd.s32 $0x800, s22;
	s23 =	smul.u32 @!p0 $0xA000, s23  }
0x36: {  	[hbm4b:s24+s3] =	stream.linear.scatter [tilespmem:s22], [sflag:$0x2], $0x2800, $0x38;
	[tilespmem:$0xA800] =	vst v63  }
0x37: {  	s30 =	sand.u32 $0x3, s25;
	_ =	swait.ge @!p0 [sflag:s26], $0x2800  }
0x38: {  	s31 =	smul.u32 $0xA000, s30;
	s22 =	sshrl.u32 @!p0 s23, $0x2;
	[sflag:s26] =	ssyncset.done @!p0 $0x0  }
0x39: {  	s24 =	simm.s32 @!p0 $0x50;
	s22 =	sadd.s32 @!p0 $0x800, s22;
	[sflag:s26] =	ssyncadd.s32 @!p0 $0xFFFFD800  }
0x3a: {  	[tilespmem:s22], [sflag:$0x1] =	stream.indirect.gather @!p0 [hbm4b:s2+s24], $0x80, s21, s24, $0xb8;
	[tilespmem:$0xA800] =	vst v63  }
0x3b: {  	_ =	swait.ge [sflag:s15], $0x2800  }
0x3c: {  	s21 =	sshrl.u32 s31, $0x2;
	[sflag:s15] =	ssyncset.done $0x0  }
0x3d: {  	s21 =	sadd.s32 $0x800, s21;
	[sflag:s15] =	ssyncadd.s32 $0xFFFFD800  }
0x3e: {  	[hbm4b:s20+s3] =	stream.linear.scatter [tilespmem:s21], [sflag:$0x2], $0x2800, $0x38;
	[tilespmem:$0xA800] =	vst v63  }
0x3f: {  	_ =	swait.ge [sflag:s18], $0x2800  }
0x40: {  	[sflag:s18] =	ssyncset.done $0x0  }
0x41: {  	[sflag:s18] =	ssyncadd.s32 $0xFFFFD800  }
0x42: {  	_ =	swait.ge [sflag:s18], $0x2800  }
0x43: {  	[sflag:s18] =	ssyncset.done $0x0  }
0x44: {  	s19 =	sadd.s32 $0x1, s19;
	[sflag:s18] =	ssyncadd.s32 $0xFFFFD800  }
0x45: {  	p0 =	sne.s32 s19, s6;
	_ =	swait.ge [sflag:s18], $0x2800  }
.Ltmp1:
0x46: {  	[sflag:s18] =	ssyncset.done $0x0;
	(pc) =	sbr.rel @p0 .LBB2_1-.Ltmp1, $4  }
0x47: {  	[sflag:s18] =	ssyncadd.s32 $0xFFFFD800  }
0x48: {  	_ =	swait.ge [sflag:s18], $0x2800  }
0x49: {  	[sflag:s18] =	ssyncset.done $0x0  }
0x4a: {  	[sflag:s18] =	ssyncadd.s32 $0xFFFFD800  }
0x4b: {  	_ =	sfence.sel $0x180000  }
0x4c: {  	[bflag:$0x0] =	sbarrier.arrive $0xFFFF  }
0x4d: {  	p0 =	sne.s32 s0, $0x0;
	_ =	strace $0x90000050  }
0x4e: {  	s0 =	sadd.s32 @!p0 $0x100000, s1;
	[bflag:$0x2] =	sbarrier.arrive $0xFFFF  }
0x4f: {  	[sflag:s0] =	ssyncadd.tile.s32 @!p0 $0x1;
	_ =	shalt  }
.Lfunc_end2:
_tile_overlayer_lowered:
.L_overlay_start_2:
0x50: {  	(tag) =	ssettag $0x2  }
0x51: {  	s0 =	rddreg [dreg:$0x0];
	s2 =	stileid.u32  }
0x52: {  	s1 =	rddreg [dreg:$0x1];
	p0 =	sne.s32 s2, $0x0  }
0x53: {  	s3 =	rddreg [dreg:$0x2];
	[bflag:$0x3] =	sbarrier.arrive $0xFFFF;
	s2 =	simm.s32 @!p0 $0x1C03  }
0x54: {  	[timem:s3], [sflag:s2] =	dma.local @!p0 [hbm:s0], s1  }
0x55: {  	s0 =	simm.s32 @!p0 $0x3  }
0x56: {  	_ =	swait.ge @!p0 [sflag:s0], s1  }
0x57: {  	s1 =	ssub.s32 @!p0 $0x0, s1;
	[sflag:s0] =	ssyncset.done @!p0 $0x0  }
0x58: {  	[sflag:s0] =	ssyncadd.s32 @!p0 s1  }
0x59: {  	[bflag:$0x3] =	sbarrier.arrive $0xFFFF  }
0x5a: {  	_ =	shalt  }

// kernel: kernel.16.cloned.1.call-start
scs
__scs_entry_jumppad:
0x0: {  	(pc) =	sbr.rel $0x88, $3  }
0x1: {  	(tag) =	ssettag $0x0;
	lr =	simm.s32 $0x1  }
0x2: {  	[smem:$0x3F95] =	sst lr;
	_ =	strace $0xD0000000  }
0x3: {  	_ = 	snop  }
0x4: {  	_ = 	snop  }
0x5: {  	_ = 	snop  }
0x6: {  	_ = 	snop  }
0x7: {  	_ = 	snop  }
__scs_overlays_trampoline_lowered:
0x8: {  	[smem:$0x3FA4] =	sst s0  }
0x9: {  	[smem:$0x3FA5] =	sst s1  }
0xa: {  	[smem:$0x3FA6] =	sst s2  }
0xb: {  	[smem:$0x3FA7] =	sst s3  }
0xc: {  	[smem:$0x3FA8] =	sst s4  }
0xd: {  	[smem:$0x3FA9] =	sst s5  }
0xe: {  	[smem:$0x3FAA] =	sst s6  }
0xf: {  	[smem:$0x3FAB] =	sst s7  }
0x10: {  	[smem:$0x3FAC] =	sst s8  }
0x11: {  	[smem:$0x3FAD] =	sst s9;
	s0 =	simm.s32 @!p0 $0x0  }
0x12: {  	s1 =	sld [smem:$0x3F93];
	s0 =	simm.s32 @p0 $0x1  }
0x13: {  	[smem:$0x3FAE] =	sst s0;
	s0 =	simm.s32 @!p1 $0x0  }
0x14: {  	s2 =	sld [smem:$0x3F92];
	s0 =	simm.s32 @p1 $0x1  }
0x15: {  	[smem:$0x3FAF] =	sst s0;
	s0 =	simm.s32 @!p2 $0x0  }
0x16: {  	s3 =	sld [smem:$0x3FDB];
	s0 =	simm.s32 @p2 $0x1  }
0x17: {  	s4 =	simm.s32 $0x1BF5;
	[smem:$0x3FB1] =	sst s0  }
0x18: {  	s0 =	sld [smem:$0x3F94];
	_ =	swait.ge [sflag:s4], $0x0  }
0x19: {  	s7 =	sld [smem:$0x3F95]  }
0x1a: {  	s8 =	sadd.s32 $0xFFFFE003, lr  }
0x1b: {  	s9 =	sadd.s32 $0xFFFFFEF7, lr;
	s5 =	simm.s32 $0xFFFFFFFF;
	p2 =	slt.u32 s8, $0xFFFFF086  }
0x1c: {  	p1 =	slt.u32 s9, $0xF7A;
	s5 =	simm.s32 @!p2 $0x0  }
0x1d: {  	s5 =	simm.s32 @p1 $0x1;
	p0 =	seq.s32 s7, s2  }
0x1e: {  	s7 =	smul.u32 @!p0 $0xF7A, s2;
	p2 =	seq.s32 @!p0 s5, $0x0  }
0x1f: {  	s9 =	smul.u32 $0xF7A, s1;
	s8 =	simm.s32 @!p0 $0x1BF5;
	p2 =	por !p2, p0  }
0x20: {  	[sflag:s8] =	ssyncset.s32 @!p0 $0xFFFFF086;
	s6 =	sadd.s32 @!p0 s3, s7;
	s7 =	simm.s32 @!p0 $0x108  }
0x21: {  	s3 =	sadd.s32 s3, s9;
	s6 =	sadd.s32 @!p0 $0x88, s6;
	s7 =	simm.s32 @p2 $0x1082  }
0x22: {  	[simem:s7], [sflag:s8] =	dma.local @!p0 [hbm:s6], $0xF7A  }
0x23: {  	s9 =	sor.u32 $0xD0000000, s2;
	s6 =	simm.s32 $0x108;
	_ =	swait.ge @!p0 [sflag:s8], $0x0  }
0x24: {  	s3 =	sadd.s32 $0x88, s3;
	s6 =	simm.s32 @!p1 $0x1082;
	[sflag:s4] =	ssyncset.s32 $0xFFFFF086  }
0x25: {  	[simem:s6], [sflag:s4] =	dma.local [hbm:s3], $0xF7A  }
0x26: {  	[smem:$0x3F95] =	sst s1;
	(tag) =	ssettag s2;
	_ =	strace s9  }
0x27: {  	s1 =	sld [smem:$0x3FA5]  }
0x28: {  	s2 =	sld [smem:$0x3FA6]  }
0x29: {  	s4 =	sld [smem:$0x3FA8]  }
0x2a: {  	p0 =	seq.s32 s5, $0x0;
	s5 =	sld [smem:$0x3FA9]  }
0x2b: {  	s6 =	sld [smem:$0x3FAA]  }
0x2c: {  	s7 =	sld [smem:$0x3FAB]  }
0x2d: {  	s3 =	simm.s32 $0x108;
	s8 =	sld [smem:$0x3FAC]  }
0x2e: {  	s3 =	simm.s32 @!p0 $0x1082;
	s9 =	sld [smem:$0x3FAD]  }
0x2f: {  	lr =	sadd.s32 s0, s3;
	s0 =	sld [smem:$0x3FA4]  }
0x30: {  	s3 =	sld [smem:$0x3FA7]  }
0x31: {  	[smem:$0x3FB0] =	sst s10  }
0x32: {  	s10 =	sld [smem:$0x3FAE];
	_ =	sdelay $0x3  }
0x33: {  	p0 =	seq.s32 s10, $0x1;
	s10 =	sld [smem:$0x3FB0];
	_ =	sdelay $0x3  }
0x34: {  	[smem:$0x3FB0] =	sst s10  }
0x35: {  	s10 =	sld [smem:$0x3FAF];
	_ =	sdelay $0x3  }
0x36: {  	p1 =	seq.s32 s10, $0x1;
	s10 =	sld [smem:$0x3FB0];
	_ =	sdelay $0x3  }
0x37: {  	[smem:$0x3FB0] =	sst s10  }
0x38: {  	s10 =	sld [smem:$0x3FB1]  }
0x39: {  	_ = 	snop;
	(pc) =	sbr.ind lr, $3  }
0x3a: {  	_ = 	snop  }
0x3b: {  	_ = 	snop  }
0x3c: {  	p2 =	seq.s32 s10, $0x1;
	s10 =	sld [smem:$0x3FB0]  }
0x3d: {  	_ =	shalt  }
0x3e: {  	_ =	shalt  }
0x3f: {  	_ =	shalt  }
0x40: {  	_ =	shalt  }
0x41: {  	_ =	shalt  }
0x42: {  	_ =	shalt  }
0x43: {  	_ =	shalt  }
0x44: {  	_ =	shalt  }
0x45: {  	_ =	shalt  }
0x46: {  	_ =	shalt  }
0x47: {  	_ =	shalt  }
0x48: {  	_ =	shalt  }
0x49: {  	_ =	shalt  }
0x4a: {  	_ =	shalt  }
0x4b: {  	_ =	shalt  }
0x4c: {  	_ =	shalt  }
0x4d: {  	_ =	shalt  }
0x4e: {  	_ =	shalt  }
0x4f: {  	_ =	shalt  }
0x50: {  	_ =	shalt  }
0x51: {  	_ =	shalt  }
0x52: {  	_ =	shalt  }
0x53: {  	_ =	shalt  }
0x54: {  	_ =	shalt  }
0x55: {  	_ =	shalt  }
0x56: {  	_ =	shalt  }
0x57: {  	_ =	shalt  }
0x58: {  	_ =	shalt  }
0x59: {  	_ =	shalt  }
0x5a: {  	_ =	shalt  }
0x5b: {  	_ =	shalt  }
0x5c: {  	_ =	shalt  }
0x5d: {  	_ =	shalt  }
0x5e: {  	_ =	shalt  }
0x5f: {  	_ =	shalt  }
0x60: {  	_ =	shalt  }
0x61: {  	_ =	shalt  }
0x62: {  	_ =	shalt  }
0x63: {  	_ =	shalt  }
0x64: {  	_ =	shalt  }
0x65: {  	_ =	shalt  }
0x66: {  	_ =	shalt  }
0x67: {  	_ =	shalt  }
0x68: {  	_ =	shalt  }
0x69: {  	_ =	shalt  }
0x6a: {  	_ =	shalt  }
0x6b: {  	_ =	shalt  }
0x6c: {  	_ =	shalt  }
0x6d: {  	_ =	shalt  }
0x6e: {  	_ =	shalt  }
0x6f: {  	_ =	shalt  }
0x70: {  	_ =	shalt  }
0x71: {  	_ =	shalt  }
0x72: {  	_ =	shalt  }
0x73: {  	_ =	shalt  }
0x74: {  	_ =	shalt  }
0x75: {  	_ =	shalt  }
0x76: {  	_ =	shalt  }
0x77: {  	_ =	shalt  }
0x78: {  	_ =	shalt  }
0x79: {  	_ =	shalt  }
0x7a: {  	_ =	shalt  }
0x7b: {  	_ =	shalt  }
0x7c: {  	_ =	shalt  }
0x7d: {  	_ =	shalt  }
0x7e: {  	_ =	shalt  }
0x7f: {  	_ =	shalt  }
0x80: {  	_ =	shalt  }
0x81: {  	_ =	shalt  }
0x82: {  	_ =	shalt  }
0x83: {  	_ =	shalt  }
0x84: {  	_ =	shalt  }
0x85: {  	_ =	shalt  }
0x86: {  	_ =	shalt  }
0x87: {  	_ =	shalt  }
.Lfunc_end0:
.L_simem_size_0:
called_computation.1_lowered:
.L_overlay_start_0:
0x88: {  	s2 =	sld [smem:$0x3FD9]  }
0x89: {  	s3 =	sld [smem:$0x3FFE];
	_ =	sdelay $0x1  }
0x8a: {  	s1 =	srdreg.scid  }
0x8b: {  	s0 =	sand.u32 $0x1, s1  }
0x8c: {  	s17 =	sshll.u32 s0, $0xA;
	s2 =	sadd.s32 s3, s2  }
0x8d: {  	s2 =	sadd.s32 s2, s17  }
0x8e: {  	[smem:$0x3FBC] =	sst s2  }
0x8f: {  	_ = 	snop  }
0x90: {  	s18 =	sld [smem:$0x3FD0];
	(tm) =	ssettm $0x1  }
0x91: {  	s19 =	sld [smem:$0x3FFB];
	_ =	sdelay $0x3  }
0x92: {  	_ =	strace s19  }
0x93: {  	s2 =	sld [smem:$0x3FFC];
	_ =	sdelay $0x3  }
0x94: {  	_ =	strace s2  }
0x95: {  	s2 =	sld [smem:$0x3FFD];
	_ =	sdelay $0x3  }
0x96: {  	_ =	strace s2  }
0x97: {  	_ =	strace $0x8FFFFFFF  }
0x98: {  	s20 =	sld [smem:$0x3FDB];
	_ =	sdelay $0x1  }
0x99: {  	s4 =	simm.s32 $_scs_section_size  }
0x9a: {  	s5 =	simm.s32 $_size__tile_overlayer_lowered;
	s6 =	simm.s32 $_tile_overlayer_lowered  }
0x9b: {  	s7 =	simm.s32 $0x1BFF;
	s21 =	sshll.u32 s6, $0x1;
	s4 =	sadd.s32 s4, s20  }
0x9c: {  	s22 =	simm.s32 $0x0;
	s5 =	sshll.u32 s5, $0x1;
	s6 =	sadd.s32 s21, s4  }
0x9d: {  	[timem:s22], [sflag:s7] =	dma.local [hbm:s6], s5  }
0x9e: {  	_ =	swait.ge [sflag:s7], s5  }
0x9f: {  	s5 =	ssub.s32 $0x0, s5;
	[sflag:s7] =	ssyncset.done $0x0  }
0xa0: {  	[sflag:s7] =	ssyncadd.s32 s5;
	_ =	sdelay $0x1  }
0xa1: {  	s23 =	simm.s32 $0x1B8B  }
0xa2: {  	_ =	swait.ge [sflag:s23], $0x1  }
0xa3: {  	[sflag:s23] =	ssyncset.done $0x0  }
0xa4: {  	[sflag:s23] =	ssyncadd.s32 $0xFFFFFFFF  }
0xa5: {  	s5 =	sld [smem:$0x0]  }
0xa6: {  	s6 =	sand.u32 $0xFFFFFFFE, s1  }
0xa7: {  	p0 =	sne.s32 s1, s6  }
0xa8: {  	s6 =	sshll.u32 @p0 s6, $0xE  }
0xa9: {  	s6 =	sadd.s32 @p0 $0x11B8D, s6;
	s7 =	sshll.u32 @p0 s5, $0x11  }
0xaa: {  	s6 =	sor.u32 @p0 s7, s6  }
0xab: {  	[sflag:s6] =	ssyncadd.remote.s32 @p0 $0x1;
	_ =	sdelay $0x1  }
0xac: {  	s6 =	simm.s32 @p0 $0x1B8D  }
0xad: {  	_ =	swait.eq @p0 [sflag:s6], $0x1  }
0xae: {  	[sflag:s6] =	ssyncadd.s32 @p0 $0xFFFFFFFF  }
0xaf: {  	s7 =	sshll.u32 @!p0 s1, $0xE  }
0xb0: {  	s7 =	sor.u32 @!p0 $0x4000, s7;
	s6 =	simm.s32 @!p0 $0x1B8D  }
0xb1: {  	s5 =	sshll.u32 @!p0 s5, $0x11;
	s7 =	sadd.s32 @!p0 $0x11B8D, s7;
	_ =	swait.eq @!p0 [sflag:s6], $0x1  }
0xb2: {  	s5 =	sor.u32 @!p0 s5, s7;
	[sflag:s6] =	ssyncadd.s32 @!p0 $0xFFFFFFFF  }
0xb3: {  	s25 =	simm.s32 $0x1B8E;
	s24 =	sld [smem:$0x3FFE];
	[sflag:s5] =	ssyncadd.remote.s32 @!p0 $0x1  }
0xb4: {  	s26 =	simm.s32 $execute0_lowered;
	[smem:$0x3FD2] =	sst s25  }
0xb5: {  	s6 =	sshll.u32 s26, $0x1;
	_ =	strace $0x8000004C;
	[dreg:$0x1] =	wrdreg $0xFFFFFFFF  }
0xb6: {  	s28 =	simm.s32 $_size_execute0_lowered;
	s4 =	sadd.s32 s4, s6;
	[dreg:$0x0] =	wrdreg $0x0  }
0xb7: {  	s6 =	sshll.u32 s28, $0x1;
	[dreg:$0x2] =	wrdreg s4  }
0xb8: {  	[dreg:$0x3] =	wrdreg s6  }
0xb9: {  	[dreg:$0x4] =	wrdreg $0xC0  }
0xba: {  	_ =	task [dreg:s22], $0x5FFFF  }
0xbb: {  	[dreg:$0x1] =	wrdreg $0xFFFFFFFF  }
0xbc: {  	[dreg:$0x0] =	wrdreg $0x60  }
0xbd: {  	[dreg:$0x2] =	wrdreg s24  }
0xbe: {  	[dreg:$0x3] =	wrdreg s18  }
0xbf: {  	[dreg:$0x4] =	wrdreg $0xA  }
0xc0: {  	_ =	task.clear_ibuf [dreg:s22], $0x5FFFF;
	_ =	strace $0x9000004C  }
0xc1: {  	s29 =	simm.s32 $0xA;
	_ =	strace $0x8000004E  }
0xc2: {  	_ =	swait.ge [sflag:s29], $0x1  }
0xc3: {  	[sflag:s29] =	ssyncadd.s32 $0xFFFFFFFF  }
0xc4: {  	_ =	strace $0x9000004E  }
0xc5: {  	_ =	sfence  }
0xc6: {  	s30 =	sld [smem:$0x0];
	_ =	sdelay $0x2  }
0xc7: {  	s31 =	sshll.u32 s1, $0xD;
	s1 =	sshrl.u32 s1, $0x2  }
0xc8: {  	s4 =	sand.u32 $0x4000, s31;
	s1 =	sadd.s32 s1, s30  }
0xc9: {  	s0 =	sor.u32 s4, s0;
	s1 =	sshll.u32 s1, $0x11  }
0xca: {  	s0 =	sor.u32 s1, s0  }
0xcb: {  	s0 =	sadd.s32 $0x8F2B, s0  }
0xcc: {  	[sflag:s0] =	ssyncadd.remote.s32 $0x1  }
0xcd: {  	_ =	sfence.sel $0xFFFF  }
0xce: {  	[dreg:$0x0] =	wrdreg $0xFFFFFFFF;
	(pc) =	sbr.abs _section_cstart, $3  }
0xcf: {  	[dreg:$0x1] =	wrdreg $0xFFFFFFFF  }
0xd0: {  	_ =	task.clear_ibuf [dreg:s22], $0x2FFFF;
	_ =	strace $0x9FFFFFFF  }
0xd1: {  	(tm) =	ssettm $0x7FFFFFFF  }
tec
execute0_lowered:
.L_overlay_start_1:
0x0: {  	(tag) =	ssettag $0x1  }
0x1: {  	s4 =	rddreg [dreg:$0x0]  }
0x2: {  	s1 =	srdreg.scid;
	s0 =	stileid.u32  }
0x3: {  	s2 =	rddreg [dreg:$0x1];
	s3 =	simm.s32 $0x0;
	s12 =	simm.s32 $0x3000  }
0x4: {  	s13 =	simm.s32 $0xA0;
	s14 =	simm.s32 $0x5800;
	s15 =	simm.s32 $0x1  }
0x5: {  	s16 =	simm.s32 $0xF0;
	s17 =	simm.s32 $0x8000;
	s18 =	simm.s32 $0x2  }
0x6: {  	s19 =	simm.s32 $0x0;
	s5 =	sand.u32 $0x1, s1;
	s1 =	rddreg [dreg:$0x2]  }
0x7: {  	s6 =	sshll.u32 s0, $0x1;
	[smem:$0x7FF] =	sst s3;
	s10 =	smul.u32 $0xFA00, s0  }
0x8: {  	s11 =	sadd.s32 $0x201A00, s4;
	s6 =	sor.u32 s5, s6;
	s30 =	smul.u32 $0x7D00, s5  }
0x9: {  	_ =	strace $0x8000004D;
	s8 =	ssub.s32 $0x2, s5;
	s7 =	smul.u32 $0x7D0, s6  }
0xa: {  	s6 =	smul.u32 $0x7D00, s6;
	s9 =	sshrl.u32 s8, $0x1;
	s10 =	sadd.s32 s10, s11  }
0xb: {  	s8 =	ssub.s32 s8, s9;
	s31 =	sadd.s32 s30, s10;
	s9 =	simm.s32 $0x3  }
0xc: {  	s10 =	simm.s32 $0x50;
	s7 =	sshrl.u32 s7, $0x3;
	s5 =	sadd.s32 s11, s6  }
0xd: {  	s6 =	smax.u32 s8, $0x1;
	s8 =	sadd.s32 $0xA00, s31;
	s7 =	sadd.s32 s7, s4  }
0xe: {  	s11 =	simm.s32 $0x800;
	s4 =	sadd.s32 $0x7A00, s7;
	s7 =	sadd.s32 $0x500, s5  }
.LBB2_1:
0xf: {  	[tilespmem:s3], [sflag:$0x3] =	stream.linear.gather [hbm4b:s4+s3], $0x7D0, $0x38;
	[tilespmem:$0xA800] =	vst v63  }
0x10: {  	_ =	swait.ge [sflag:s9], $0x7D0  }
0x11: {  	[sflag:s9] =	ssyncset.done $0x0  }
0x12: {  	[sflag:s9] =	ssyncadd.s32 $0xFFFFF830  }
0x13: {  	[tilespmem:s11], [sflag:$0x1] =	stream.indirect.gather [hbm4b:s2+s10], $0x80, s3, s10, $0xb8;
	[tilespmem:$0xA800] =	vst v63  }
0x14: {  	_ = 	snop  }
0x15: {  	[tilespmem:s12], [sflag:$0x1] =	stream.indirect.gather [hbm4b:s2+s10], $0x80, s10, s10, $0xb8;
	[tilespmem:$0xA800] =	vst v63  }
0x16: {  	_ = 	snop  }
0x17: {  	[tilespmem:s14], [sflag:$0x1] =	stream.indirect.gather [hbm4b:s2+s10], $0x80, s13, s10, $0xb8;
	[tilespmem:$0xA800] =	vst v63  }
0x18: {  	_ =	swait.ge [sflag:s15], $0x2800  }
0x19: {  	[sflag:s15] =	ssyncset.done $0x0  }
0x1a: {  	[sflag:s15] =	ssyncadd.s32 $0xFFFFD800  }
0x1b: {  	[hbm4b:s5+s3] =	stream.linear.scatter [tilespmem:s11], [sflag:$0x2], $0x2800, $0x38;
	[tilespmem:$0xA800] =	vst v63  }
0x1c: {  	s20 =	simm.s32 $0x4;
	p0 =	por $0x0, $0x0  }
0x1d: {  	[tilespmem:s17], [sflag:$0x1] =	stream.indirect.gather [hbm4b:s2+s10], $0x80, s16, s10, $0xb8;
	[tilespmem:$0xA800] =	vst v63  }
0x1e: {  	s21 =	simm.s32 $0x140;
	s23 =	simm.s32 $0x5;
	_ =	swait.ge [sflag:s15], $0x2800  }
0x1f: {  	s25 =	simm.s32 $0x2;
	s20 =	sand.u32 @!p0 $0x3, s20;
	[sflag:s15] =	ssyncset.done $0x0  }
0x20: {  	s24 =	simm.s32 @!p0 $0x2;
	s20 =	smul.u32 @!p0 $0xA000, s20;
	[sflag:s15] =	ssyncadd.s32 $0xFFFFD800  }
0x21: {  	[hbm4b:s7+s3] =	stream.linear.scatter [tilespmem:s12], [sflag:$0x2], $0x2800, $0x38;
	[tilespmem:$0xA800] =	vst v63  }
0x22: {  	s22 =	simm.s32 $0x6;
	s25 =	sand.u32 $0x3, s25;
	_ =	swait.ge @!p0 [sflag:s24], $0x2800  }
0x23: {  	s26 =	smul.u32 $0xA000, s25;
	s20 =	sshrl.u32 @!p0 s20, $0x2;
	[sflag:s24] =	ssyncset.done @!p0 $0x0  }
0x24: {  	s20 =	sadd.s32 @!p0 $0x800, s20;
	[sflag:s24] =	ssyncadd.s32 @!p0 $0xFFFFD800;
	s24 =	simm.s32 @!p0 $0x50  }
0x25: {  	[tilespmem:s20], [sflag:$0x1] =	stream.indirect.gather @!p0 [hbm4b:s2+s24], $0x80, s21, s24, $0xb8;
	[tilespmem:$0xA800] =	vst v63  }
0x26: {  	s25 =	simm.s32 $0x3;
	s21 =	simm.s32 $0x190;
	_ =	swait.ge [sflag:s15], $0x2800  }
0x27: {  	s20 =	sadd.s32 $0x500, s8;
	s24 =	smov.u32 s8;
	[sflag:s15] =	ssyncset.done $0x0  }
.LBB2_2:
0x28: {  	p0 =	sgt.u32 s25, $0x16;
	s26 =	sshrl.u32 s26, $0x2;
	s28 =	smov.u32 s22  }
0x29: {  	s22 =	sadd.s32 $0x1, s22;
	s29 =	smov.u32 s24;
	s24 =	smov.u32 s20  }
0x2a: {  	s23 =	sand.u32 @!p0 $0x3, s23;
	s30 =	simm.s32 @!p0 $0x2;
	s26 =	sadd.s32 $0x800, s26  }
0x2b: {  	p1 =	sne.s32 s22, $0x1B;
	s23 =	smul.u32 @!p0 $0xA000, s23;
	[sflag:s15] =	ssyncadd.s32 $0xFFFFD800  }
0x2c: {  	[hbm4b:s29+s3] =	stream.linear.scatter [tilespmem:s26], [sflag:$0x2], $0x2800, $0x38;
	[tilespmem:$0xA800] =	vst v63  }
0x2d: {  	_ =	swait.ge @!p0 [sflag:s30], $0x2800;
	s26 =	sshrl.u32 @!p0 s23, $0x2;
	s23 =	smov.u32 s28  }
.Ltmp0:
0x2e: {  	[sflag:s30] =	ssyncset.done @!p0 $0x0;
	s26 =	sadd.s32 @!p0 $0x800, s26;
	(pc) =	sbr.rel @p1 .LBB2_2-.Ltmp0, $4  }
0x2f: {  	s25 =	sand.u32 $0x3, s25;
	s28 =	simm.s32 @!p0 $0x50;
	[sflag:s30] =	ssyncadd.s32 @!p0 $0xFFFFD800  }
0x30: {  	[tilespmem:s26], [sflag:$0x1] =	stream.indirect.gather @!p0 [hbm4b:s2+s28], $0x80, s21, s28, $0xb8;
	[tilespmem:$0xA800] =	vst v63  }
0x31: {  	s26 =	smul.u32 $0xA000, s25;
	s21 =	sadd.s32 $0x50, s21;
	_ =	swait.ge [sflag:s15], $0x2800  }
0x32: {  	s20 =	sadd.s32 $0x500, s20;
	s25 =	sadd.s32 $0xFFFFFFFE, s23;
	[sflag:s15] =	ssyncset.done $0x0  }
0x33: {  	p0 =	sgt.u32 s25, $0x16  }
0x34: {  	s22 =	sshrl.u32 s26, $0x2;
	[sflag:s15] =	ssyncadd.s32 $0xFFFFD800;
	s23 =	sand.u32 @!p0 $0x3, s23  }
0x35: {  	s26 =	simm.s32 @!p0 $0x2;
	s22 =	sadd.s32 $0x800, s22;
	s23 =	smul.u32 @!p0 $0xA000, s23  }
0x36: {  	[hbm4b:s24+s3] =	stream.linear.scatter [tilespmem:s22], [sflag:$0x2], $0x2800, $0x38;
	[tilespmem:$0xA800] =	vst v63  }
0x37: {  	s30 =	sand.u32 $0x3, s25;
	_ =	swait.ge @!p0 [sflag:s26], $0x2800  }
0x38: {  	s31 =	smul.u32 $0xA000, s30;
	s22 =	sshrl.u32 @!p0 s23, $0x2;
	[sflag:s26] =	ssyncset.done @!p0 $0x0  }
0x39: {  	s24 =	simm.s32 @!p0 $0x50;
	s22 =	sadd.s32 @!p0 $0x800, s22;
	[sflag:s26] =	ssyncadd.s32 @!p0 $0xFFFFD800  }
0x3a: {  	[tilespmem:s22], [sflag:$0x1] =	stream.indirect.gather @!p0 [hbm4b:s2+s24], $0x80, s21, s24, $0xb8;
	[tilespmem:$0xA800] =	vst v63  }
0x3b: {  	_ =	swait.ge [sflag:s15], $0x2800  }
0x3c: {  	s21 =	sshrl.u32 s31, $0x2;
	[sflag:s15] =	ssyncset.done $0x0  }
0x3d: {  	s21 =	sadd.s32 $0x800, s21;
	[sflag:s15] =	ssyncadd.s32 $0xFFFFD800  }
0x3e: {  	[hbm4b:s20+s3] =	stream.linear.scatter [tilespmem:s21], [sflag:$0x2], $0x2800, $0x38;
	[tilespmem:$0xA800] =	vst v63  }
0x3f: {  	_ =	swait.ge [sflag:s18], $0x2800  }
0x40: {  	[sflag:s18] =	ssyncset.done $0x0  }
0x41: {  	[sflag:s18] =	ssyncadd.s32 $0xFFFFD800  }
0x42: {  	_ =	swait.ge [sflag:s18], $0x2800  }
0x43: {  	[sflag:s18] =	ssyncset.done $0x0  }
0x44: {  	s19 =	sadd.s32 $0x1, s19;
	[sflag:s18] =	ssyncadd.s32 $0xFFFFD800  }
0x45: {  	p0 =	sne.s32 s19, s6;
	_ =	swait.ge [sflag:s18], $0x2800  }
.Ltmp1:
0x46: {  	[sflag:s18] =	ssyncset.done $0x0;
	(pc) =	sbr.rel @p0 .LBB2_1-.Ltmp1, $4  }
0x47: {  	[sflag:s18] =	ssyncadd.s32 $0xFFFFD800  }
0x48: {  	_ =	swait.ge [sflag:s18], $0x2800  }
0x49: {  	[sflag:s18] =	ssyncset.done $0x0  }
0x4a: {  	[sflag:s18] =	ssyncadd.s32 $0xFFFFD800  }
0x4b: {  	_ =	sfence.sel $0x180000  }
0x4c: {  	[bflag:$0x0] =	sbarrier.arrive $0xFFFF  }
0x4d: {  	p0 =	sne.s32 s0, $0x0;
	_ =	strace $0x9000004D  }
0x4e: {  	s0 =	sadd.s32 @!p0 $0x100000, s1;
	[bflag:$0x2] =	sbarrier.arrive $0xFFFF  }
0x4f: {  	[sflag:s0] =	ssyncadd.tile.s32 @!p0 $0x1;
	_ =	shalt  }
.Lfunc_end2:
_tile_overlayer_lowered:
.L_overlay_start_2:
0x50: {  	(tag) =	ssettag $0x2  }
0x51: {  	s0 =	rddreg [dreg:$0x0];
	s2 =	stileid.u32  }
0x52: {  	s1 =	rddreg [dreg:$0x1];
	p0 =	sne.s32 s2, $0x0  }
0x53: {  	s3 =	rddreg [dreg:$0x2];
	[bflag:$0x3] =	sbarrier.arrive $0xFFFF;
	s2 =	simm.s32 @!p0 $0x1C03  }
0x54: {  	[timem:s3], [sflag:s2] =	dma.local @!p0 [hbm:s0], s1  }
0x55: {  	s0 =	simm.s32 @!p0 $0x3  }
0x56: {  	_ =	swait.ge @!p0 [sflag:s0], s1  }
0x57: {  	s1 =	ssub.s32 @!p0 $0x0, s1;
	[sflag:s0] =	ssyncset.done @!p0 $0x0  }
0x58: {  	[sflag:s0] =	ssyncadd.s32 @!p0 s1  }
0x59: {  	[bflag:$0x3] =	sbarrier.arrive $0xFFFF  }
0x5a: {  	_ =	shalt  }

// kernel: kernel.19.cloned.1.call-start
scs
__scs_entry_jumppad:
0x0: {  	(pc) =	sbr.rel $0x88, $3  }
0x1: {  	(tag) =	ssettag $0x0;
	lr =	simm.s32 $0x1  }
0x2: {  	[smem:$0x3F95] =	sst lr;
	_ =	strace $0xD0000000  }
0x3: {  	_ = 	snop  }
0x4: {  	_ = 	snop  }
0x5: {  	_ = 	snop  }
0x6: {  	_ = 	snop  }
0x7: {  	_ = 	snop  }
__scs_overlays_trampoline_lowered:
0x8: {  	[smem:$0x3FA4] =	sst s0  }
0x9: {  	[smem:$0x3FA5] =	sst s1  }
0xa: {  	[smem:$0x3FA6] =	sst s2  }
0xb: {  	[smem:$0x3FA7] =	sst s3  }
0xc: {  	[smem:$0x3FA8] =	sst s4  }
0xd: {  	[smem:$0x3FA9] =	sst s5  }
0xe: {  	[smem:$0x3FAA] =	sst s6  }
0xf: {  	[smem:$0x3FAB] =	sst s7  }
0x10: {  	[smem:$0x3FAC] =	sst s8  }
0x11: {  	[smem:$0x3FAD] =	sst s9;
	s0 =	simm.s32 @!p0 $0x0  }
0x12: {  	s1 =	sld [smem:$0x3F93];
	s0 =	simm.s32 @p0 $0x1  }
0x13: {  	[smem:$0x3FAE] =	sst s0;
	s0 =	simm.s32 @!p1 $0x0  }
0x14: {  	s2 =	sld [smem:$0x3F92];
	s0 =	simm.s32 @p1 $0x1  }
0x15: {  	[smem:$0x3FAF] =	sst s0;
	s0 =	simm.s32 @!p2 $0x0  }
0x16: {  	s3 =	sld [smem:$0x3FDB];
	s0 =	simm.s32 @p2 $0x1  }
0x17: {  	s4 =	simm.s32 $0x1BF5;
	[smem:$0x3FB1] =	sst s0  }
0x18: {  	s0 =	sld [smem:$0x3F94];
	_ =	swait.ge [sflag:s4], $0x0  }
0x19: {  	s7 =	sld [smem:$0x3F95]  }
0x1a: {  	s8 =	sadd.s32 $0xFFFFE003, lr  }
0x1b: {  	s9 =	sadd.s32 $0xFFFFFEF7, lr;
	s5 =	simm.s32 $0xFFFFFFFF;
	p2 =	slt.u32 s8, $0xFFFFF086  }
0x1c: {  	p1 =	slt.u32 s9, $0xF7A;
	s5 =	simm.s32 @!p2 $0x0  }
0x1d: {  	s5 =	simm.s32 @p1 $0x1;
	p0 =	seq.s32 s7, s2  }
0x1e: {  	s7 =	smul.u32 @!p0 $0xF7A, s2;
	p2 =	seq.s32 @!p0 s5, $0x0  }
0x1f: {  	s9 =	smul.u32 $0xF7A, s1;
	s8 =	simm.s32 @!p0 $0x1BF5;
	p2 =	por !p2, p0  }
0x20: {  	[sflag:s8] =	ssyncset.s32 @!p0 $0xFFFFF086;
	s6 =	sadd.s32 @!p0 s3, s7;
	s7 =	simm.s32 @!p0 $0x108  }
0x21: {  	s3 =	sadd.s32 s3, s9;
	s6 =	sadd.s32 @!p0 $0x88, s6;
	s7 =	simm.s32 @p2 $0x1082  }
0x22: {  	[simem:s7], [sflag:s8] =	dma.local @!p0 [hbm:s6], $0xF7A  }
0x23: {  	s9 =	sor.u32 $0xD0000000, s2;
	s6 =	simm.s32 $0x108;
	_ =	swait.ge @!p0 [sflag:s8], $0x0  }
0x24: {  	s3 =	sadd.s32 $0x88, s3;
	s6 =	simm.s32 @!p1 $0x1082;
	[sflag:s4] =	ssyncset.s32 $0xFFFFF086  }
0x25: {  	[simem:s6], [sflag:s4] =	dma.local [hbm:s3], $0xF7A  }
0x26: {  	[smem:$0x3F95] =	sst s1;
	(tag) =	ssettag s2;
	_ =	strace s9  }
0x27: {  	s1 =	sld [smem:$0x3FA5]  }
0x28: {  	s2 =	sld [smem:$0x3FA6]  }
0x29: {  	s4 =	sld [smem:$0x3FA8]  }
0x2a: {  	p0 =	seq.s32 s5, $0x0;
	s5 =	sld [smem:$0x3FA9]  }
0x2b: {  	s6 =	sld [smem:$0x3FAA]  }
0x2c: {  	s7 =	sld [smem:$0x3FAB]  }
0x2d: {  	s3 =	simm.s32 $0x108;
	s8 =	sld [smem:$0x3FAC]  }
0x2e: {  	s3 =	simm.s32 @!p0 $0x1082;
	s9 =	sld [smem:$0x3FAD]  }
0x2f: {  	lr =	sadd.s32 s0, s3;
	s0 =	sld [smem:$0x3FA4]  }
0x30: {  	s3 =	sld [smem:$0x3FA7]  }
0x31: {  	[smem:$0x3FB0] =	sst s10  }
0x32: {  	s10 =	sld [smem:$0x3FAE];
	_ =	sdelay $0x3  }
0x33: {  	p0 =	seq.s32 s10, $0x1;
	s10 =	sld [smem:$0x3FB0];
	_ =	sdelay $0x3  }
0x34: {  	[smem:$0x3FB0] =	sst s10  }
0x35: {  	s10 =	sld [smem:$0x3FAF];
	_ =	sdelay $0x3  }
0x36: {  	p1 =	seq.s32 s10, $0x1;
	s10 =	sld [smem:$0x3FB0];
	_ =	sdelay $0x3  }
0x37: {  	[smem:$0x3FB0] =	sst s10  }
0x38: {  	s10 =	sld [smem:$0x3FB1]  }
0x39: {  	_ = 	snop;
	(pc) =	sbr.ind lr, $3  }
0x3a: {  	_ = 	snop  }
0x3b: {  	_ = 	snop  }
0x3c: {  	p2 =	seq.s32 s10, $0x1;
	s10 =	sld [smem:$0x3FB0]  }
0x3d: {  	_ =	shalt  }
0x3e: {  	_ =	shalt  }
0x3f: {  	_ =	shalt  }
0x40: {  	_ =	shalt  }
0x41: {  	_ =	shalt  }
0x42: {  	_ =	shalt  }
0x43: {  	_ =	shalt  }
0x44: {  	_ =	shalt  }
0x45: {  	_ =	shalt  }
0x46: {  	_ =	shalt  }
0x47: {  	_ =	shalt  }
0x48: {  	_ =	shalt  }
0x49: {  	_ =	shalt  }
0x4a: {  	_ =	shalt  }
0x4b: {  	_ =	shalt  }
0x4c: {  	_ =	shalt  }
0x4d: {  	_ =	shalt  }
0x4e: {  	_ =	shalt  }
0x4f: {  	_ =	shalt  }
0x50: {  	_ =	shalt  }
0x51: {  	_ =	shalt  }
0x52: {  	_ =	shalt  }
0x53: {  	_ =	shalt  }
0x54: {  	_ =	shalt  }
0x55: {  	_ =	shalt  }
0x56: {  	_ =	shalt  }
0x57: {  	_ =	shalt  }
0x58: {  	_ =	shalt  }
0x59: {  	_ =	shalt  }
0x5a: {  	_ =	shalt  }
0x5b: {  	_ =	shalt  }
0x5c: {  	_ =	shalt  }
0x5d: {  	_ =	shalt  }
0x5e: {  	_ =	shalt  }
0x5f: {  	_ =	shalt  }
0x60: {  	_ =	shalt  }
0x61: {  	_ =	shalt  }
0x62: {  	_ =	shalt  }
0x63: {  	_ =	shalt  }
0x64: {  	_ =	shalt  }
0x65: {  	_ =	shalt  }
0x66: {  	_ =	shalt  }
0x67: {  	_ =	shalt  }
0x68: {  	_ =	shalt  }
0x69: {  	_ =	shalt  }
0x6a: {  	_ =	shalt  }
0x6b: {  	_ =	shalt  }
0x6c: {  	_ =	shalt  }
0x6d: {  	_ =	shalt  }
0x6e: {  	_ =	shalt  }
0x6f: {  	_ =	shalt  }
0x70: {  	_ =	shalt  }
0x71: {  	_ =	shalt  }
0x72: {  	_ =	shalt  }
0x73: {  	_ =	shalt  }
0x74: {  	_ =	shalt  }
0x75: {  	_ =	shalt  }
0x76: {  	_ =	shalt  }
0x77: {  	_ =	shalt  }
0x78: {  	_ =	shalt  }
0x79: {  	_ =	shalt  }
0x7a: {  	_ =	shalt  }
0x7b: {  	_ =	shalt  }
0x7c: {  	_ =	shalt  }
0x7d: {  	_ =	shalt  }
0x7e: {  	_ =	shalt  }
0x7f: {  	_ =	shalt  }
0x80: {  	_ =	shalt  }
0x81: {  	_ =	shalt  }
0x82: {  	_ =	shalt  }
0x83: {  	_ =	shalt  }
0x84: {  	_ =	shalt  }
0x85: {  	_ =	shalt  }
0x86: {  	_ =	shalt  }
0x87: {  	_ =	shalt  }
.Lfunc_end0:
.L_simem_size_0:
called_computation.2_lowered:
.L_overlay_start_0:
0x88: {  	s2 =	sld [smem:$0x3FD9]  }
0x89: {  	s3 =	sld [smem:$0x3FFE];
	_ =	sdelay $0x1  }
0x8a: {  	s1 =	srdreg.scid  }
0x8b: {  	s0 =	sand.u32 $0x1, s1  }
0x8c: {  	s17 =	sshll.u32 s0, $0xA;
	s2 =	sadd.s32 s3, s2  }
0x8d: {  	s2 =	sadd.s32 s2, s17  }
0x8e: {  	[smem:$0x3FBC] =	sst s2  }
0x8f: {  	_ = 	snop  }
0x90: {  	s18 =	sld [smem:$0x3FD0];
	(tm) =	ssettm $0x1  }
0x91: {  	s19 =	sld [smem:$0x3FFB];
	_ =	sdelay $0x3  }
0x92: {  	_ =	strace s19  }
0x93: {  	s2 =	sld [smem:$0x3FFC];
	_ =	sdelay $0x3  }
0x94: {  	_ =	strace s2  }
0x95: {  	s2 =	sld [smem:$0x3FFD];
	_ =	sdelay $0x3  }
0x96: {  	_ =	strace s2  }
0x97: {  	_ =	strace $0x8FFFFFFF  }
0x98: {  	s20 =	sld [smem:$0x3FDB];
	_ =	sdelay $0x1  }
0x99: {  	s4 =	simm.s32 $_scs_section_size  }
0x9a: {  	s5 =	simm.s32 $_size__tile_overlayer_lowered;
	s6 =	simm.s32 $_tile_overlayer_lowered  }
0x9b: {  	s7 =	simm.s32 $0x1BFF;
	s21 =	sshll.u32 s6, $0x1;
	s4 =	sadd.s32 s4, s20  }
0x9c: {  	s22 =	simm.s32 $0x0;
	s5 =	sshll.u32 s5, $0x1;
	s6 =	sadd.s32 s21, s4  }
0x9d: {  	[timem:s22], [sflag:s7] =	dma.local [hbm:s6], s5  }
0x9e: {  	_ =	swait.ge [sflag:s7], s5  }
0x9f: {  	s5 =	ssub.s32 $0x0, s5;
	[sflag:s7] =	ssyncset.done $0x0  }
0xa0: {  	[sflag:s7] =	ssyncadd.s32 s5;
	_ =	sdelay $0x1  }
0xa1: {  	s23 =	simm.s32 $0x1B8B  }
0xa2: {  	_ =	swait.ge [sflag:s23], $0x1  }
0xa3: {  	[sflag:s23] =	ssyncset.done $0x0  }
0xa4: {  	[sflag:s23] =	ssyncadd.s32 $0xFFFFFFFF  }
0xa5: {  	s5 =	sld [smem:$0x0]  }
0xa6: {  	s6 =	sand.u32 $0xFFFFFFFE, s1  }
0xa7: {  	p0 =	sne.s32 s1, s6  }
0xa8: {  	s6 =	sshll.u32 @p0 s6, $0xE  }
0xa9: {  	s6 =	sadd.s32 @p0 $0x11B8D, s6;
	s7 =	sshll.u32 @p0 s5, $0x11  }
0xaa: {  	s6 =	sor.u32 @p0 s7, s6  }
0xab: {  	[sflag:s6] =	ssyncadd.remote.s32 @p0 $0x1;
	_ =	sdelay $0x1  }
0xac: {  	s6 =	simm.s32 @p0 $0x1B8D  }
0xad: {  	_ =	swait.eq @p0 [sflag:s6], $0x1  }
0xae: {  	[sflag:s6] =	ssyncadd.s32 @p0 $0xFFFFFFFF  }
0xaf: {  	s7 =	sshll.u32 @!p0 s1, $0xE  }
0xb0: {  	s7 =	sor.u32 @!p0 $0x4000, s7;
	s6 =	simm.s32 @!p0 $0x1B8D  }
0xb1: {  	s5 =	sshll.u32 @!p0 s5, $0x11;
	s7 =	sadd.s32 @!p0 $0x11B8D, s7;
	_ =	swait.eq @!p0 [sflag:s6], $0x1  }
0xb2: {  	s5 =	sor.u32 @!p0 s5, s7;
	[sflag:s6] =	ssyncadd.s32 @!p0 $0xFFFFFFFF  }
0xb3: {  	s25 =	simm.s32 $0x1B8E;
	s24 =	sld [smem:$0x3FFE];
	[sflag:s5] =	ssyncadd.remote.s32 @!p0 $0x1  }
0xb4: {  	s26 =	simm.s32 $execute0_lowered;
	[smem:$0x3FD2] =	sst s25  }
0xb5: {  	s6 =	sshll.u32 s26, $0x1;
	_ =	strace $0x80000049;
	[dreg:$0x1] =	wrdreg $0xFFFFFFFF  }
0xb6: {  	s28 =	simm.s32 $_size_execute0_lowered;
	s4 =	sadd.s32 s4, s6;
	[dreg:$0x0] =	wrdreg $0x0  }
0xb7: {  	s6 =	sshll.u32 s28, $0x1;
	[dreg:$0x2] =	wrdreg s4  }
0xb8: {  	[dreg:$0x3] =	wrdreg s6  }
0xb9: {  	[dreg:$0x4] =	wrdreg $0xC0  }
0xba: {  	_ =	task [dreg:s22], $0x5FFFF  }
0xbb: {  	[dreg:$0x1] =	wrdreg $0xFFFFFFFF  }
0xbc: {  	[dreg:$0x0] =	wrdreg $0x60  }
0xbd: {  	[dreg:$0x2] =	wrdreg s24  }
0xbe: {  	[dreg:$0x3] =	wrdreg s18  }
0xbf: {  	[dreg:$0x4] =	wrdreg $0xB  }
0xc0: {  	_ =	task.clear_ibuf [dreg:s22], $0x5FFFF;
	_ =	strace $0x90000049  }
0xc1: {  	s29 =	simm.s32 $0xB;
	_ =	strace $0x8000004B  }
0xc2: {  	_ =	swait.ge [sflag:s29], $0x1  }
0xc3: {  	[sflag:s29] =	ssyncadd.s32 $0xFFFFFFFF  }
0xc4: {  	_ =	strace $0x9000004B  }
0xc5: {  	_ =	sfence  }
0xc6: {  	s30 =	sld [smem:$0x0];
	_ =	sdelay $0x2  }
0xc7: {  	s31 =	sshll.u32 s1, $0xD;
	s1 =	sshrl.u32 s1, $0x2  }
0xc8: {  	s4 =	sand.u32 $0x4000, s31;
	s1 =	sadd.s32 s1, s30  }
0xc9: {  	s0 =	sor.u32 s4, s0;
	s1 =	sshll.u32 s1, $0x11  }
0xca: {  	s0 =	sor.u32 s1, s0  }
0xcb: {  	s0 =	sadd.s32 $0x8F2B, s0  }
0xcc: {  	[sflag:s0] =	ssyncadd.remote.s32 $0x1  }
0xcd: {  	_ =	sfence.sel $0xFFFF  }
0xce: {  	[dreg:$0x0] =	wrdreg $0xFFFFFFFF;
	(pc) =	sbr.abs _section_cstart, $3  }
0xcf: {  	[dreg:$0x1] =	wrdreg $0xFFFFFFFF  }
0xd0: {  	_ =	task.clear_ibuf [dreg:s22], $0x2FFFF;
	_ =	strace $0x9FFFFFFF  }
0xd1: {  	(tm) =	ssettm $0x7FFFFFFF  }
tec
execute0_lowered:
.L_overlay_start_1:
0x0: {  	(tag) =	ssettag $0x1  }
0x1: {  	s4 =	rddreg [dreg:$0x0]  }
0x2: {  	s1 =	srdreg.scid;
	s0 =	stileid.u32  }
0x3: {  	s2 =	rddreg [dreg:$0x1];
	s3 =	simm.s32 $0x0;
	s12 =	simm.s32 $0x3000  }
0x4: {  	s13 =	simm.s32 $0xA0;
	s14 =	simm.s32 $0x5800;
	s15 =	simm.s32 $0x1  }
0x5: {  	s16 =	simm.s32 $0xF0;
	s17 =	simm.s32 $0x8000;
	s18 =	simm.s32 $0x2  }
0x6: {  	s19 =	simm.s32 $0x0;
	s5 =	sand.u32 $0x1, s1;
	s1 =	rddreg [dreg:$0x2]  }
0x7: {  	s6 =	sshll.u32 s0, $0x1;
	[smem:$0x7FF] =	sst s3;
	s10 =	smul.u32 $0xFA00, s0  }
0x8: {  	s11 =	sadd.s32 $0x107A00, s4;
	s6 =	sor.u32 s5, s6;
	s30 =	smul.u32 $0x7D00, s5  }
0x9: {  	_ =	strace $0x8000004A;
	s8 =	ssub.s32 $0x2, s5;
	s7 =	smul.u32 $0x7D0, s6  }
0xa: {  	s6 =	smul.u32 $0x7D00, s6;
	s9 =	sshrl.u32 s8, $0x1;
	s10 =	sadd.s32 s10, s11  }
0xb: {  	s8 =	ssub.s32 s8, s9;
	s31 =	sadd.s32 s30, s10;
	s9 =	simm.s32 $0x3  }
0xc: {  	s10 =	simm.s32 $0x50;
	s7 =	sshrl.u32 s7, $0x3;
	s5 =	sadd.s32 s11, s6  }
0xd: {  	s6 =	smax.u32 s8, $0x1;
	s8 =	sadd.s32 $0xA00, s31;
	s7 =	sadd.s32 s7, s4  }
0xe: {  	s11 =	simm.s32 $0x800;
	s4 =	sadd.s32 $0x5A00, s7;
	s7 =	sadd.s32 $0x500, s5  }
.LBB2_1:
0xf: {  	[tilespmem:s3], [sflag:$0x3] =	stream.linear.gather [hbm4b:s4+s3], $0x7D0, $0x38;
	[tilespmem:$0xA800] =	vst v63  }
0x10: {  	_ =	swait.ge [sflag:s9], $0x7D0  }
0x11: {  	[sflag:s9] =	ssyncset.done $0x0  }
0x12: {  	[sflag:s9] =	ssyncadd.s32 $0xFFFFF830  }
0x13: {  	[tilespmem:s11], [sflag:$0x1] =	stream.indirect.gather [hbm4b:s2+s10], $0x80, s3, s10, $0xb8;
	[tilespmem:$0xA800] =	vst v63  }
0x14: {  	_ = 	snop  }
0x15: {  	[tilespmem:s12], [sflag:$0x1] =	stream.indirect.gather [hbm4b:s2+s10], $0x80, s10, s10, $0xb8;
	[tilespmem:$0xA800] =	vst v63  }
0x16: {  	_ = 	snop  }
0x17: {  	[tilespmem:s14], [sflag:$0x1] =	stream.indirect.gather [hbm4b:s2+s10], $0x80, s13, s10, $0xb8;
	[tilespmem:$0xA800] =	vst v63  }
0x18: {  	_ =	swait.ge [sflag:s15], $0x2800  }
0x19: {  	[sflag:s15] =	ssyncset.done $0x0  }
0x1a: {  	[sflag:s15] =	ssyncadd.s32 $0xFFFFD800  }
0x1b: {  	[hbm4b:s5+s3] =	stream.linear.scatter [tilespmem:s11], [sflag:$0x2], $0x2800, $0x38;
	[tilespmem:$0xA800] =	vst v63  }
0x1c: {  	s20 =	simm.s32 $0x4;
	p0 =	por $0x0, $0x0  }
0x1d: {  	[tilespmem:s17], [sflag:$0x1] =	stream.indirect.gather [hbm4b:s2+s10], $0x80, s16, s10, $0xb8;
	[tilespmem:$0xA800] =	vst v63  }
0x1e: {  	s21 =	simm.s32 $0x140;
	s23 =	simm.s32 $0x5;
	_ =	swait.ge [sflag:s15], $0x2800  }
0x1f: {  	s25 =	simm.s32 $0x2;
	s20 =	sand.u32 @!p0 $0x3, s20;
	[sflag:s15] =	ssyncset.done $0x0  }
0x20: {  	s24 =	simm.s32 @!p0 $0x2;
	s20 =	smul.u32 @!p0 $0xA000, s20;
	[sflag:s15] =	ssyncadd.s32 $0xFFFFD800  }
0x21: {  	[hbm4b:s7+s3] =	stream.linear.scatter [tilespmem:s12], [sflag:$0x2], $0x2800, $0x38;
	[tilespmem:$0xA800] =	vst v63  }
0x22: {  	s22 =	simm.s32 $0x6;
	s25 =	sand.u32 $0x3, s25;
	_ =	swait.ge @!p0 [sflag:s24], $0x2800  }
0x23: {  	s26 =	smul.u32 $0xA000, s25;
	s20 =	sshrl.u32 @!p0 s20, $0x2;
	[sflag:s24] =	ssyncset.done @!p0 $0x0  }
0x24: {  	s20 =	sadd.s32 @!p0 $0x800, s20;
	[sflag:s24] =	ssyncadd.s32 @!p0 $0xFFFFD800;
	s24 =	simm.s32 @!p0 $0x50  }
0x25: {  	[tilespmem:s20], [sflag:$0x1] =	stream.indirect.gather @!p0 [hbm4b:s2+s24], $0x80, s21, s24, $0xb8;
	[tilespmem:$0xA800] =	vst v63  }
0x26: {  	s25 =	simm.s32 $0x3;
	s21 =	simm.s32 $0x190;
	_ =	swait.ge [sflag:s15], $0x2800  }
0x27: {  	s20 =	sadd.s32 $0x500, s8;
	s24 =	smov.u32 s8;
	[sflag:s15] =	ssyncset.done $0x0  }
.LBB2_2:
0x28: {  	p0 =	sgt.u32 s25, $0x16;
	s26 =	sshrl.u32 s26, $0x2;
	s28 =	smov.u32 s22  }
0x29: {  	s22 =	sadd.s32 $0x1, s22;
	s29 =	smov.u32 s24;
	s24 =	smov.u32 s20  }
0x2a: {  	s23 =	sand.u32 @!p0 $0x3, s23;
	s30 =	simm.s32 @!p0 $0x2;
	s26 =	sadd.s32 $0x800, s26  }
0x2b: {  	p1 =	sne.s32 s22, $0x1B;
	s23 =	smul.u32 @!p0 $0xA000, s23;
	[sflag:s15] =	ssyncadd.s32 $0xFFFFD800  }
0x2c: {  	[hbm4b:s29+s3] =	stream.linear.scatter [tilespmem:s26], [sflag:$0x2], $0x2800, $0x38;
	[tilespmem:$0xA800] =	vst v63  }
0x2d: {  	_ =	swait.ge @!p0 [sflag:s30], $0x2800;
	s26 =	sshrl.u32 @!p0 s23, $0x2;
	s23 =	smov.u32 s28  }
.Ltmp0:
0x2e: {  	[sflag:s30] =	ssyncset.done @!p0 $0x0;
	s26 =	sadd.s32 @!p0 $0x800, s26;
	(pc) =	sbr.rel @p1 .LBB2_2-.Ltmp0, $4  }
0x2f: {  	s25 =	sand.u32 $0x3, s25;
	s28 =	simm.s32 @!p0 $0x50;
	[sflag:s30] =	ssyncadd.s32 @!p0 $0xFFFFD800  }
0x30: {  	[tilespmem:s26], [sflag:$0x1] =	stream.indirect.gather @!p0 [hbm4b:s2+s28], $0x80, s21, s28, $0xb8;
	[tilespmem:$0xA800] =	vst v63  }
0x31: {  	s26 =	smul.u32 $0xA000, s25;
	s21 =	sadd.s32 $0x50, s21;
	_ =	swait.ge [sflag:s15], $0x2800  }
0x32: {  	s20 =	sadd.s32 $0x500, s20;
	s25 =	sadd.s32 $0xFFFFFFFE, s23;
	[sflag:s15] =	ssyncset.done $0x0  }
0x33: {  	p0 =	sgt.u32 s25, $0x16  }
0x34: {  	s22 =	sshrl.u32 s26, $0x2;
	[sflag:s15] =	ssyncadd.s32 $0xFFFFD800;
	s23 =	sand.u32 @!p0 $0x3, s23  }
0x35: {  	s26 =	simm.s32 @!p0 $0x2;
	s22 =	sadd.s32 $0x800, s22;
	s23 =	smul.u32 @!p0 $0xA000, s23  }
0x36: {  	[hbm4b:s24+s3] =	stream.linear.scatter [tilespmem:s22], [sflag:$0x2], $0x2800, $0x38;
	[tilespmem:$0xA800] =	vst v63  }
0x37: {  	s30 =	sand.u32 $0x3, s25;
	_ =	swait.ge @!p0 [sflag:s26], $0x2800  }
0x38: {  	s31 =	smul.u32 $0xA000, s30;
	s22 =	sshrl.u32 @!p0 s23, $0x2;
	[sflag:s26] =	ssyncset.done @!p0 $0x0  }
0x39: {  	s24 =	simm.s32 @!p0 $0x50;
	s22 =	sadd.s32 @!p0 $0x800, s22;
	[sflag:s26] =	ssyncadd.s32 @!p0 $0xFFFFD800  }
0x3a: {  	[tilespmem:s22], [sflag:$0x1] =	stream.indirect.gather @!p0 [hbm4b:s2+s24], $0x80, s21, s24, $0xb8;
	[tilespmem:$0xA800] =	vst v63  }
0x3b: {  	_ =	swait.ge [sflag:s15], $0x2800  }
0x3c: {  	s21 =	sshrl.u32 s31, $0x2;
	[sflag:s15] =	ssyncset.done $0x0  }
0x3d: {  	s21 =	sadd.s32 $0x800, s21;
	[sflag:s15] =	ssyncadd.s32 $0xFFFFD800  }
0x3e: {  	[hbm4b:s20+s3] =	stream.linear.scatter [tilespmem:s21], [sflag:$0x2], $0x2800, $0x38;
	[tilespmem:$0xA800] =	vst v63  }
0x3f: {  	_ =	swait.ge [sflag:s18], $0x2800  }
0x40: {  	[sflag:s18] =	ssyncset.done $0x0  }
0x41: {  	[sflag:s18] =	ssyncadd.s32 $0xFFFFD800  }
0x42: {  	_ =	swait.ge [sflag:s18], $0x2800  }
0x43: {  	[sflag:s18] =	ssyncset.done $0x0  }
0x44: {  	s19 =	sadd.s32 $0x1, s19;
	[sflag:s18] =	ssyncadd.s32 $0xFFFFD800  }
0x45: {  	p0 =	sne.s32 s19, s6;
	_ =	swait.ge [sflag:s18], $0x2800  }
.Ltmp1:
0x46: {  	[sflag:s18] =	ssyncset.done $0x0;
	(pc) =	sbr.rel @p0 .LBB2_1-.Ltmp1, $4  }
0x47: {  	[sflag:s18] =	ssyncadd.s32 $0xFFFFD800  }
0x48: {  	_ =	swait.ge [sflag:s18], $0x2800  }
0x49: {  	[sflag:s18] =	ssyncset.done $0x0  }
0x4a: {  	[sflag:s18] =	ssyncadd.s32 $0xFFFFD800  }
0x4b: {  	_ =	sfence.sel $0x180000  }
0x4c: {  	[bflag:$0x0] =	sbarrier.arrive $0xFFFF  }
0x4d: {  	p0 =	sne.s32 s0, $0x0;
	_ =	strace $0x9000004A  }
0x4e: {  	s0 =	sadd.s32 @!p0 $0x100000, s1;
	[bflag:$0x2] =	sbarrier.arrive $0xFFFF  }
0x4f: {  	[sflag:s0] =	ssyncadd.tile.s32 @!p0 $0x1;
	_ =	shalt  }
.Lfunc_end2:
_tile_overlayer_lowered:
.L_overlay_start_2:
0x50: {  	(tag) =	ssettag $0x2  }
0x51: {  	s0 =	rddreg [dreg:$0x0];
	s2 =	stileid.u32  }
0x52: {  	s1 =	rddreg [dreg:$0x1];
	p0 =	sne.s32 s2, $0x0  }
0x53: {  	s3 =	rddreg [dreg:$0x2];
	[bflag:$0x3] =	sbarrier.arrive $0xFFFF;
	s2 =	simm.s32 @!p0 $0x1C03  }
0x54: {  	[timem:s3], [sflag:s2] =	dma.local @!p0 [hbm:s0], s1  }
0x55: {  	s0 =	simm.s32 @!p0 $0x3  }
0x56: {  	_ =	swait.ge @!p0 [sflag:s0], s1  }
0x57: {  	s1 =	ssub.s32 @!p0 $0x0, s1;
	[sflag:s0] =	ssyncset.done @!p0 $0x0  }
0x58: {  	[sflag:s0] =	ssyncadd.s32 @!p0 s1  }
0x59: {  	[bflag:$0x3] =	sbarrier.arrive $0xFFFF  }
0x5a: {  	_ =	shalt  }

// kernel: kernel.22.cloned.1.call-start
scs
__scs_entry_jumppad:
0x0: {  	(pc) =	sbr.rel $0x88, $3  }
0x1: {  	(tag) =	ssettag $0x0;
	lr =	simm.s32 $0x1  }
0x2: {  	[smem:$0x3F95] =	sst lr;
	_ =	strace $0xD0000000  }
0x3: {  	_ = 	snop  }
0x4: {  	_ = 	snop  }
0x5: {  	_ = 	snop  }
0x6: {  	_ = 	snop  }
0x7: {  	_ = 	snop  }
__scs_overlays_trampoline_lowered:
0x8: {  	[smem:$0x3FA4] =	sst s0  }
0x9: {  	[smem:$0x3FA5] =	sst s1  }
0xa: {  	[smem:$0x3FA6] =	sst s2  }
0xb: {  	[smem:$0x3FA7] =	sst s3  }
0xc: {  	[smem:$0x3FA8] =	sst s4  }
0xd: {  	[smem:$0x3FA9] =	sst s5  }
0xe: {  	[smem:$0x3FAA] =	sst s6  }
0xf: {  	[smem:$0x3FAB] =	sst s7  }
0x10: {  	[smem:$0x3FAC] =	sst s8  }
0x11: {  	[smem:$0x3FAD] =	sst s9;
	s0 =	simm.s32 @!p0 $0x0  }
0x12: {  	s1 =	sld [smem:$0x3F93];
	s0 =	simm.s32 @p0 $0x1  }
0x13: {  	[smem:$0x3FAE] =	sst s0;
	s0 =	simm.s32 @!p1 $0x0  }
0x14: {  	s2 =	sld [smem:$0x3F92];
	s0 =	simm.s32 @p1 $0x1  }
0x15: {  	[smem:$0x3FAF] =	sst s0;
	s0 =	simm.s32 @!p2 $0x0  }
0x16: {  	s3 =	sld [smem:$0x3FDB];
	s0 =	simm.s32 @p2 $0x1  }
0x17: {  	s4 =	simm.s32 $0x1BF5;
	[smem:$0x3FB1] =	sst s0  }
0x18: {  	s0 =	sld [smem:$0x3F94];
	_ =	swait.ge [sflag:s4], $0x0  }
0x19: {  	s7 =	sld [smem:$0x3F95]  }
0x1a: {  	s8 =	sadd.s32 $0xFFFFE003, lr  }
0x1b: {  	s9 =	sadd.s32 $0xFFFFFEF7, lr;
	s5 =	simm.s32 $0xFFFFFFFF;
	p2 =	slt.u32 s8, $0xFFFFF086  }
0x1c: {  	p1 =	slt.u32 s9, $0xF7A;
	s5 =	simm.s32 @!p2 $0x0  }
0x1d: {  	s5 =	simm.s32 @p1 $0x1;
	p0 =	seq.s32 s7, s2  }
0x1e: {  	s7 =	smul.u32 @!p0 $0xF7A, s2;
	p2 =	seq.s32 @!p0 s5, $0x0  }
0x1f: {  	s9 =	smul.u32 $0xF7A, s1;
	s8 =	simm.s32 @!p0 $0x1BF5;
	p2 =	por !p2, p0  }
0x20: {  	[sflag:s8] =	ssyncset.s32 @!p0 $0xFFFFF086;
	s6 =	sadd.s32 @!p0 s3, s7;
	s7 =	simm.s32 @!p0 $0x108  }
0x21: {  	s3 =	sadd.s32 s3, s9;
	s6 =	sadd.s32 @!p0 $0x88, s6;
	s7 =	simm.s32 @p2 $0x1082  }
0x22: {  	[simem:s7], [sflag:s8] =	dma.local @!p0 [hbm:s6], $0xF7A  }
0x23: {  	s9 =	sor.u32 $0xD0000000, s2;
	s6 =	simm.s32 $0x108;
	_ =	swait.ge @!p0 [sflag:s8], $0x0  }
0x24: {  	s3 =	sadd.s32 $0x88, s3;
	s6 =	simm.s32 @!p1 $0x1082;
	[sflag:s4] =	ssyncset.s32 $0xFFFFF086  }
0x25: {  	[simem:s6], [sflag:s4] =	dma.local [hbm:s3], $0xF7A  }
0x26: {  	[smem:$0x3F95] =	sst s1;
	(tag) =	ssettag s2;
	_ =	strace s9  }
0x27: {  	s1 =	sld [smem:$0x3FA5]  }
0x28: {  	s2 =	sld [smem:$0x3FA6]  }
0x29: {  	s4 =	sld [smem:$0x3FA8]  }
0x2a: {  	p0 =	seq.s32 s5, $0x0;
	s5 =	sld [smem:$0x3FA9]  }
0x2b: {  	s6 =	sld [smem:$0x3FAA]  }
0x2c: {  	s7 =	sld [smem:$0x3FAB]  }
0x2d: {  	s3 =	simm.s32 $0x108;
	s8 =	sld [smem:$0x3FAC]  }
0x2e: {  	s3 =	simm.s32 @!p0 $0x1082;
	s9 =	sld [smem:$0x3FAD]  }
0x2f: {  	lr =	sadd.s32 s0, s3;
	s0 =	sld [smem:$0x3FA4]  }
0x30: {  	s3 =	sld [smem:$0x3FA7]  }
0x31: {  	[smem:$0x3FB0] =	sst s10  }
0x32: {  	s10 =	sld [smem:$0x3FAE];
	_ =	sdelay $0x3  }
0x33: {  	p0 =	seq.s32 s10, $0x1;
	s10 =	sld [smem:$0x3FB0];
	_ =	sdelay $0x3  }
0x34: {  	[smem:$0x3FB0] =	sst s10  }
0x35: {  	s10 =	sld [smem:$0x3FAF];
	_ =	sdelay $0x3  }
0x36: {  	p1 =	seq.s32 s10, $0x1;
	s10 =	sld [smem:$0x3FB0];
	_ =	sdelay $0x3  }
0x37: {  	[smem:$0x3FB0] =	sst s10  }
0x38: {  	s10 =	sld [smem:$0x3FB1]  }
0x39: {  	_ = 	snop;
	(pc) =	sbr.ind lr, $3  }
0x3a: {  	_ = 	snop  }
0x3b: {  	_ = 	snop  }
0x3c: {  	p2 =	seq.s32 s10, $0x1;
	s10 =	sld [smem:$0x3FB0]  }
0x3d: {  	_ =	shalt  }
0x3e: {  	_ =	shalt  }
0x3f: {  	_ =	shalt  }
0x40: {  	_ =	shalt  }
0x41: {  	_ =	shalt  }
0x42: {  	_ =	shalt  }
0x43: {  	_ =	shalt  }
0x44: {  	_ =	shalt  }
0x45: {  	_ =	shalt  }
0x46: {  	_ =	shalt  }
0x47: {  	_ =	shalt  }
0x48: {  	_ =	shalt  }
0x49: {  	_ =	shalt  }
0x4a: {  	_ =	shalt  }
0x4b: {  	_ =	shalt  }
0x4c: {  	_ =	shalt  }
0x4d: {  	_ =	shalt  }
0x4e: {  	_ =	shalt  }
0x4f: {  	_ =	shalt  }
0x50: {  	_ =	shalt  }
0x51: {  	_ =	shalt  }
0x52: {  	_ =	shalt  }
0x53: {  	_ =	shalt  }
0x54: {  	_ =	shalt  }
0x55: {  	_ =	shalt  }
0x56: {  	_ =	shalt  }
0x57: {  	_ =	shalt  }
0x58: {  	_ =	shalt  }
0x59: {  	_ =	shalt  }
0x5a: {  	_ =	shalt  }
0x5b: {  	_ =	shalt  }
0x5c: {  	_ =	shalt  }
0x5d: {  	_ =	shalt  }
0x5e: {  	_ =	shalt  }
0x5f: {  	_ =	shalt  }
0x60: {  	_ =	shalt  }
0x61: {  	_ =	shalt  }
0x62: {  	_ =	shalt  }
0x63: {  	_ =	shalt  }
0x64: {  	_ =	shalt  }
0x65: {  	_ =	shalt  }
0x66: {  	_ =	shalt  }
0x67: {  	_ =	shalt  }
0x68: {  	_ =	shalt  }
0x69: {  	_ =	shalt  }
0x6a: {  	_ =	shalt  }
0x6b: {  	_ =	shalt  }
0x6c: {  	_ =	shalt  }
0x6d: {  	_ =	shalt  }
0x6e: {  	_ =	shalt  }
0x6f: {  	_ =	shalt  }
0x70: {  	_ =	shalt  }
0x71: {  	_ =	shalt  }
0x72: {  	_ =	shalt  }
0x73: {  	_ =	shalt  }
0x74: {  	_ =	shalt  }
0x75: {  	_ =	shalt  }
0x76: {  	_ =	shalt  }
0x77: {  	_ =	shalt  }
0x78: {  	_ =	shalt  }
0x79: {  	_ =	shalt  }
0x7a: {  	_ =	shalt  }
0x7b: {  	_ =	shalt  }
0x7c: {  	_ =	shalt  }
0x7d: {  	_ =	shalt  }
0x7e: {  	_ =	shalt  }
0x7f: {  	_ =	shalt  }
0x80: {  	_ =	shalt  }
0x81: {  	_ =	shalt  }
0x82: {  	_ =	shalt  }
0x83: {  	_ =	shalt  }
0x84: {  	_ =	shalt  }
0x85: {  	_ =	shalt  }
0x86: {  	_ =	shalt  }
0x87: {  	_ =	shalt  }
.Lfunc_end0:
.L_simem_size_0:
called_computation.3_lowered:
.L_overlay_start_0:
0x88: {  	s2 =	sld [smem:$0x3FD9]  }
0x89: {  	s3 =	sld [smem:$0x3FFE];
	_ =	sdelay $0x1  }
0x8a: {  	s1 =	srdreg.scid  }
0x8b: {  	s0 =	sand.u32 $0x1, s1  }
0x8c: {  	s17 =	sshll.u32 s0, $0xA;
	s2 =	sadd.s32 s3, s2  }
0x8d: {  	s2 =	sadd.s32 s2, s17  }
0x8e: {  	[smem:$0x3FBC] =	sst s2  }
0x8f: {  	_ = 	snop  }
0x90: {  	s2 =	sld [smem:$0x3FD0];
	(tm) =	ssettm $0x1  }
0x91: {  	s18 =	sld [smem:$0x3FFB];
	_ =	sdelay $0x3  }
0x92: {  	_ =	strace s18  }
0x93: {  	s3 =	sld [smem:$0x3FFC];
	_ =	sdelay $0x3  }
0x94: {  	_ =	strace s3  }
0x95: {  	s3 =	sld [smem:$0x3FFD];
	_ =	sdelay $0x3  }
0x96: {  	_ =	strace s3  }
0x97: {  	_ =	strace $0x8FFFFFFF  }
0x98: {  	s19 =	sld [smem:$0x3FDB];
	_ =	sdelay $0x1  }
0x99: {  	s4 =	simm.s32 $_scs_section_size  }
0x9a: {  	s5 =	simm.s32 $_size__tile_overlayer_lowered;
	s6 =	simm.s32 $_tile_overlayer_lowered  }
0x9b: {  	s22 =	simm.s32 $0x1BFF;
	s21 =	sshll.u32 s6, $0x1;
	s3 =	sadd.s32 s4, s19  }
0x9c: {  	s7 =	simm.s32 $0x0;
	s20 =	sshll.u32 s5, $0x1;
	s5 =	sadd.s32 s21, s3  }
0x9d: {  	[timem:s7], [sflag:s22] =	dma.local [hbm:s5], s20  }
0x9e: {  	_ =	swait.ge [sflag:s22], s20  }
0x9f: {  	s4 =	ssub.s32 $0x0, s20;
	[sflag:s22] =	ssyncset.done $0x0  }
0xa0: {  	[sflag:s22] =	ssyncadd.s32 s4;
	_ =	sdelay $0x1  }
0xa1: {  	s23 =	simm.s32 $0x1B8B  }
0xa2: {  	_ =	swait.ge [sflag:s23], $0x1  }
0xa3: {  	[sflag:s23] =	ssyncset.done $0x0  }
0xa4: {  	s25 =	simm.s32 $0x1B8E;
	s24 =	sld [smem:$0x3FFE];
	[sflag:s23] =	ssyncadd.s32 $0xFFFFFFFF  }
0xa5: {  	s26 =	simm.s32 $execute0_lowered;
	[smem:$0x3FD2] =	sst s25  }
0xa6: {  	s5 =	sshll.u32 s26, $0x1;
	_ =	strace $0x80000046;
	[dreg:$0x1] =	wrdreg $0xFFFFFFFF  }
0xa7: {  	s28 =	simm.s32 $_size_execute0_lowered;
	s3 =	sadd.s32 s3, s5;
	[dreg:$0x0] =	wrdreg $0x0  }
0xa8: {  	s5 =	sshll.u32 s28, $0x1;
	[dreg:$0x2] =	wrdreg s3  }
0xa9: {  	[dreg:$0x3] =	wrdreg s5  }
0xaa: {  	[dreg:$0x4] =	wrdreg $0xC0  }
0xab: {  	_ =	task [dreg:s7], $0x5FFFF  }
0xac: {  	[dreg:$0x1] =	wrdreg $0xFFFFFFFF  }
0xad: {  	[dreg:$0x0] =	wrdreg $0x60  }
0xae: {  	[dreg:$0x2] =	wrdreg s24  }
0xaf: {  	[dreg:$0x3] =	wrdreg s2  }
0xb0: {  	[dreg:$0x4] =	wrdreg $0xC  }
0xb1: {  	_ =	task.clear_ibuf [dreg:s7], $0x5FFFF;
	_ =	strace $0x90000046  }
0xb2: {  	s29 =	simm.s32 $0xC;
	_ =	strace $0x80000048  }
0xb3: {  	_ =	swait.ge [sflag:s29], $0x1  }
0xb4: {  	[sflag:s29] =	ssyncadd.s32 $0xFFFFFFFF  }
0xb5: {  	_ =	strace $0x90000048  }
0xb6: {  	_ =	sfence  }
0xb7: {  	s30 =	sld [smem:$0x0];
	_ =	sdelay $0x2  }
0xb8: {  	s31 =	sshll.u32 s1, $0xD;
	s1 =	sshrl.u32 s1, $0x2  }
0xb9: {  	s3 =	sand.u32 $0x4000, s31;
	s1 =	sadd.s32 s1, s30  }
0xba: {  	s0 =	sor.u32 s3, s0;
	s1 =	sshll.u32 s1, $0x11  }
0xbb: {  	s0 =	sor.u32 s1, s0  }
0xbc: {  	s0 =	sadd.s32 $0x8F2B, s0  }
0xbd: {  	[sflag:s0] =	ssyncadd.remote.s32 $0x1  }
0xbe: {  	_ =	sfence.sel $0xFFFF  }
0xbf: {  	[dreg:$0x0] =	wrdreg $0xFFFFFFFF;
	(pc) =	sbr.abs _section_cstart, $3  }
0xc0: {  	[dreg:$0x1] =	wrdreg $0xFFFFFFFF  }
0xc1: {  	_ =	task.clear_ibuf [dreg:s7], $0x2FFFF;
	_ =	strace $0x9FFFFFFF  }
0xc2: {  	(tm) =	ssettm $0x7FFFFFFF  }
0xc3: {  	_ =	shalt  }
tec
execute0_lowered:
.L_overlay_start_1:
0x0: {  	(tag) =	ssettag $0x1  }
0x1: {  	s4 =	rddreg [dreg:$0x0]  }
0x2: {  	s1 =	srdreg.scid;
	s0 =	stileid.u32  }
0x3: {  	s2 =	rddreg [dreg:$0x1];
	s3 =	simm.s32 $0x0;
	s12 =	simm.s32 $0x3000  }
0x4: {  	s13 =	simm.s32 $0xA0;
	s14 =	simm.s32 $0x5800;
	s15 =	simm.s32 $0x1  }
0x5: {  	s16 =	simm.s32 $0xF0;
	s17 =	simm.s32 $0x8000;
	s18 =	simm.s32 $0x2  }
0x6: {  	s19 =	simm.s32 $0x0;
	s5 =	sand.u32 $0x1, s1;
	s1 =	rddreg [dreg:$0x2]  }
0x7: {  	s6 =	sshll.u32 s0, $0x1;
	[smem:$0x7FF] =	sst s3;
	s10 =	smul.u32 $0xFA00, s0  }
0x8: {  	s11 =	sadd.s32 $0xDA00, s4;
	s6 =	sor.u32 s5, s6;
	s30 =	smul.u32 $0x7D00, s5  }
0x9: {  	_ =	strace $0x80000047;
	s8 =	ssub.s32 $0x2, s5;
	s7 =	smul.u32 $0x7D0, s6  }
0xa: {  	s6 =	smul.u32 $0x7D00, s6;
	s9 =	sshrl.u32 s8, $0x1;
	s10 =	sadd.s32 s10, s11  }
0xb: {  	s8 =	ssub.s32 s8, s9;
	s31 =	sadd.s32 s30, s10;
	s9 =	simm.s32 $0x3  }
0xc: {  	s10 =	simm.s32 $0x50;
	s7 =	sshrl.u32 s7, $0x3;
	s5 =	sadd.s32 s11, s6  }
0xd: {  	s6 =	smax.u32 s8, $0x1;
	s8 =	sadd.s32 $0xA00, s31;
	s7 =	sadd.s32 s7, s4  }
0xe: {  	s11 =	simm.s32 $0x800;
	s4 =	sadd.s32 $0x3A00, s7;
	s7 =	sadd.s32 $0x500, s5  }
.LBB2_1:
0xf: {  	[tilespmem:s3], [sflag:$0x3] =	stream.linear.gather [hbm4b:s4+s3], $0x7D0, $0x38;
	[tilespmem:$0xA800] =	vst v63  }
0x10: {  	_ =	swait.ge [sflag:s9], $0x7D0  }
0x11: {  	[sflag:s9] =	ssyncset.done $0x0  }
0x12: {  	[sflag:s9] =	ssyncadd.s32 $0xFFFFF830  }
0x13: {  	[tilespmem:s11], [sflag:$0x1] =	stream.indirect.gather [hbm4b:s2+s10], $0x80, s3, s10, $0xb8;
	[tilespmem:$0xA800] =	vst v63  }
0x14: {  	_ = 	snop  }
0x15: {  	[tilespmem:s12], [sflag:$0x1] =	stream.indirect.gather [hbm4b:s2+s10], $0x80, s10, s10, $0xb8;
	[tilespmem:$0xA800] =	vst v63  }
0x16: {  	_ = 	snop  }
0x17: {  	[tilespmem:s14], [sflag:$0x1] =	stream.indirect.gather [hbm4b:s2+s10], $0x80, s13, s10, $0xb8;
	[tilespmem:$0xA800] =	vst v63  }
0x18: {  	_ =	swait.ge [sflag:s15], $0x2800  }
0x19: {  	[sflag:s15] =	ssyncset.done $0x0  }
0x1a: {  	[sflag:s15] =	ssyncadd.s32 $0xFFFFD800  }
0x1b: {  	[hbm4b:s5+s3] =	stream.linear.scatter [tilespmem:s11], [sflag:$0x2], $0x2800, $0x38;
	[tilespmem:$0xA800] =	vst v63  }
0x1c: {  	s20 =	simm.s32 $0x4;
	p0 =	por $0x0, $0x0  }
0x1d: {  	[tilespmem:s17], [sflag:$0x1] =	stream.indirect.gather [hbm4b:s2+s10], $0x80, s16, s10, $0xb8;
	[tilespmem:$0xA800] =	vst v63  }
0x1e: {  	s21 =	simm.s32 $0x140;
	s23 =	simm.s32 $0x5;
	_ =	swait.ge [sflag:s15], $0x2800  }
0x1f: {  	s25 =	simm.s32 $0x2;
	s20 =	sand.u32 @!p0 $0x3, s20;
	[sflag:s15] =	ssyncset.done $0x0  }
0x20: {  	s24 =	simm.s32 @!p0 $0x2;
	s20 =	smul.u32 @!p0 $0xA000, s20;
	[sflag:s15] =	ssyncadd.s32 $0xFFFFD800  }
0x21: {  	[hbm4b:s7+s3] =	stream.linear.scatter [tilespmem:s12], [sflag:$0x2], $0x2800, $0x38;
	[tilespmem:$0xA800] =	vst v63  }
0x22: {  	s22 =	simm.s32 $0x6;
	s25 =	sand.u32 $0x3, s25;
	_ =	swait.ge @!p0 [sflag:s24], $0x2800  }
0x23: {  	s26 =	smul.u32 $0xA000, s25;
	s20 =	sshrl.u32 @!p0 s20, $0x2;
	[sflag:s24] =	ssyncset.done @!p0 $0x0  }
0x24: {  	s20 =	sadd.s32 @!p0 $0x800, s20;
	[sflag:s24] =	ssyncadd.s32 @!p0 $0xFFFFD800;
	s24 =	simm.s32 @!p0 $0x50  }
0x25: {  	[tilespmem:s20], [sflag:$0x1] =	stream.indirect.gather @!p0 [hbm4b:s2+s24], $0x80, s21, s24, $0xb8;
	[tilespmem:$0xA800] =	vst v63  }
0x26: {  	s25 =	simm.s32 $0x3;
	s21 =	simm.s32 $0x190;
	_ =	swait.ge [sflag:s15], $0x2800  }
0x27: {  	s20 =	sadd.s32 $0x500, s8;
	s24 =	smov.u32 s8;
	[sflag:s15] =	ssyncset.done $0x0  }
.LBB2_2:
0x28: {  	p0 =	sgt.u32 s25, $0x16;
	s26 =	sshrl.u32 s26, $0x2;
	s28 =	smov.u32 s22  }
0x29: {  	s22 =	sadd.s32 $0x1, s22;
	s29 =	smov.u32 s24;
	s24 =	smov.u32 s20  }
0x2a: {  	s23 =	sand.u32 @!p0 $0x3, s23;
	s30 =	simm.s32 @!p0 $0x2;
	s26 =	sadd.s32 $0x800, s26  }
0x2b: {  	p1 =	sne.s32 s22, $0x1B;
	s23 =	smul.u32 @!p0 $0xA000, s23;
	[sflag:s15] =	ssyncadd.s32 $0xFFFFD800  }
0x2c: {  	[hbm4b:s29+s3] =	stream.linear.scatter [tilespmem:s26], [sflag:$0x2], $0x2800, $0x38;
	[tilespmem:$0xA800] =	vst v63  }
0x2d: {  	_ =	swait.ge @!p0 [sflag:s30], $0x2800;
	s26 =	sshrl.u32 @!p0 s23, $0x2;
	s23 =	smov.u32 s28  }
.Ltmp0:
0x2e: {  	[sflag:s30] =	ssyncset.done @!p0 $0x0;
	s26 =	sadd.s32 @!p0 $0x800, s26;
	(pc) =	sbr.rel @p1 .LBB2_2-.Ltmp0, $4  }
0x2f: {  	s25 =	sand.u32 $0x3, s25;
	s28 =	simm.s32 @!p0 $0x50;
	[sflag:s30] =	ssyncadd.s32 @!p0 $0xFFFFD800  }
0x30: {  	[tilespmem:s26], [sflag:$0x1] =	stream.indirect.gather @!p0 [hbm4b:s2+s28], $0x80, s21, s28, $0xb8;
	[tilespmem:$0xA800] =	vst v63  }
0x31: {  	s26 =	smul.u32 $0xA000, s25;
	s21 =	sadd.s32 $0x50, s21;
	_ =	swait.ge [sflag:s15], $0x2800  }
0x32: {  	s20 =	sadd.s32 $0x500, s20;
	s25 =	sadd.s32 $0xFFFFFFFE, s23;
	[sflag:s15] =	ssyncset.done $0x0  }
0x33: {  	p0 =	sgt.u32 s25, $0x16  }
0x34: {  	s22 =	sshrl.u32 s26, $0x2;
	[sflag:s15] =	ssyncadd.s32 $0xFFFFD800;
	s23 =	sand.u32 @!p0 $0x3, s23  }
0x35: {  	s26 =	simm.s32 @!p0 $0x2;
	s22 =	sadd.s32 $0x800, s22;
	s23 =	smul.u32 @!p0 $0xA000, s23  }
0x36: {  	[hbm4b:s24+s3] =	stream.linear.scatter [tilespmem:s22], [sflag:$0x2], $0x2800, $0x38;
	[tilespmem:$0xA800] =	vst v63  }
0x37: {  	s30 =	sand.u32 $0x3, s25;
	_ =	swait.ge @!p0 [sflag:s26], $0x2800  }
0x38: {  	s31 =	smul.u32 $0xA000, s30;
	s22 =	sshrl.u32 @!p0 s23, $0x2;
	[sflag:s26] =	ssyncset.done @!p0 $0x0  }
0x39: {  	s24 =	simm.s32 @!p0 $0x50;
	s22 =	sadd.s32 @!p0 $0x800, s22;
	[sflag:s26] =	ssyncadd.s32 @!p0 $0xFFFFD800  }
0x3a: {  	[tilespmem:s22], [sflag:$0x1] =	stream.indirect.gather @!p0 [hbm4b:s2+s24], $0x80, s21, s24, $0xb8;
	[tilespmem:$0xA800] =	vst v63  }
0x3b: {  	_ =	swait.ge [sflag:s15], $0x2800  }
0x3c: {  	s21 =	sshrl.u32 s31, $0x2;
	[sflag:s15] =	ssyncset.done $0x0  }
0x3d: {  	s21 =	sadd.s32 $0x800, s21;
	[sflag:s15] =	ssyncadd.s32 $0xFFFFD800  }
0x3e: {  	[hbm4b:s20+s3] =	stream.linear.scatter [tilespmem:s21], [sflag:$0x2], $0x2800, $0x38;
	[tilespmem:$0xA800] =	vst v63  }
0x3f: {  	_ =	swait.ge [sflag:s18], $0x2800  }
0x40: {  	[sflag:s18] =	ssyncset.done $0x0  }
0x41: {  	[sflag:s18] =	ssyncadd.s32 $0xFFFFD800  }
0x42: {  	_ =	swait.ge [sflag:s18], $0x2800  }
0x43: {  	[sflag:s18] =	ssyncset.done $0x0  }
0x44: {  	s19 =	sadd.s32 $0x1, s19;
	[sflag:s18] =	ssyncadd.s32 $0xFFFFD800  }
0x45: {  	p0 =	sne.s32 s19, s6;
	_ =	swait.ge [sflag:s18], $0x2800  }
.Ltmp1:
0x46: {  	[sflag:s18] =	ssyncset.done $0x0;
	(pc) =	sbr.rel @p0 .LBB2_1-.Ltmp1, $4  }
0x47: {  	[sflag:s18] =	ssyncadd.s32 $0xFFFFD800  }
0x48: {  	_ =	swait.ge [sflag:s18], $0x2800  }
0x49: {  	[sflag:s18] =	ssyncset.done $0x0  }
0x4a: {  	[sflag:s18] =	ssyncadd.s32 $0xFFFFD800  }
0x4b: {  	_ =	sfence.sel $0x180000  }
0x4c: {  	[bflag:$0x0] =	sbarrier.arrive $0xFFFF  }
0x4d: {  	p0 =	sne.s32 s0, $0x0;
	_ =	strace $0x90000047  }
0x4e: {  	s0 =	sadd.s32 @!p0 $0x100000, s1;
	[bflag:$0x2] =	sbarrier.arrive $0xFFFF  }
0x4f: {  	[sflag:s0] =	ssyncadd.tile.s32 @!p0 $0x1;
	_ =	shalt  }
.Lfunc_end2:
_tile_overlayer_lowered:
.L_overlay_start_2:
0x50: {  	(tag) =	ssettag $0x2  }
0x51: {  	s0 =	rddreg [dreg:$0x0];
	s2 =	stileid.u32  }
0x52: {  	s1 =	rddreg [dreg:$0x1];
	p0 =	sne.s32 s2, $0x0  }
0x53: {  	s3 =	rddreg [dreg:$0x2];
	[bflag:$0x3] =	sbarrier.arrive $0xFFFF;
	s2 =	simm.s32 @!p0 $0x1C03  }
0x54: {  	[timem:s3], [sflag:s2] =	dma.local @!p0 [hbm:s0], s1  }
0x55: {  	s0 =	simm.s32 @!p0 $0x3  }
0x56: {  	_ =	swait.ge @!p0 [sflag:s0], s1  }
0x57: {  	s1 =	ssub.s32 @!p0 $0x0, s1;
	[sflag:s0] =	ssyncset.done @!p0 $0x0  }
0x58: {  	[sflag:s0] =	ssyncadd.s32 @!p0 s1  }
0x59: {  	[bflag:$0x3] =	sbarrier.arrive $0xFFFF  }
0x5a: {  	_ =	shalt  }

// kernel: kernel.25.cloned.1.call-start
scs
__scs_entry_jumppad:
0x0: {  	(pc) =	sbr.rel $0x88, $3  }
0x1: {  	(tag) =	ssettag $0x0;
	lr =	simm.s32 $0x1  }
0x2: {  	[smem:$0x3F95] =	sst lr;
	_ =	strace $0xD0000000  }
0x3: {  	_ = 	snop  }
0x4: {  	_ = 	snop  }
0x5: {  	_ = 	snop  }
0x6: {  	_ = 	snop  }
0x7: {  	_ = 	snop  }
__scs_overlays_trampoline_lowered:
0x8: {  	[smem:$0x3FA4] =	sst s0  }
0x9: {  	[smem:$0x3FA5] =	sst s1  }
0xa: {  	[smem:$0x3FA6] =	sst s2  }
0xb: {  	[smem:$0x3FA7] =	sst s3  }
0xc: {  	[smem:$0x3FA8] =	sst s4  }
0xd: {  	[smem:$0x3FA9] =	sst s5  }
0xe: {  	[smem:$0x3FAA] =	sst s6  }
0xf: {  	[smem:$0x3FAB] =	sst s7  }
0x10: {  	[smem:$0x3FAC] =	sst s8  }
0x11: {  	[smem:$0x3FAD] =	sst s9;
	s0 =	simm.s32 @!p0 $0x0  }
0x12: {  	s1 =	sld [smem:$0x3F93];
	s0 =	simm.s32 @p0 $0x1  }
0x13: {  	[smem:$0x3FAE] =	sst s0;
	s0 =	simm.s32 @!p1 $0x0  }
0x14: {  	s2 =	sld [smem:$0x3F92];
	s0 =	simm.s32 @p1 $0x1  }
0x15: {  	[smem:$0x3FAF] =	sst s0;
	s0 =	simm.s32 @!p2 $0x0  }
0x16: {  	s3 =	sld [smem:$0x3FDB];
	s0 =	simm.s32 @p2 $0x1  }
0x17: {  	s4 =	simm.s32 $0x1BF5;
	[smem:$0x3FB1] =	sst s0  }
0x18: {  	s0 =	sld [smem:$0x3F94];
	_ =	swait.ge [sflag:s4], $0x0  }
0x19: {  	s7 =	sld [smem:$0x3F95]  }
0x1a: {  	s8 =	sadd.s32 $0xFFFFE003, lr  }
0x1b: {  	s9 =	sadd.s32 $0xFFFFFEF7, lr;
	s5 =	simm.s32 $0xFFFFFFFF;
	p2 =	slt.u32 s8, $0xFFFFF086  }
0x1c: {  	p1 =	slt.u32 s9, $0xF7A;
	s5 =	simm.s32 @!p2 $0x0  }
0x1d: {  	s5 =	simm.s32 @p1 $0x1;
	p0 =	seq.s32 s7, s2  }
0x1e: {  	s7 =	smul.u32 @!p0 $0xF7A, s2;
	p2 =	seq.s32 @!p0 s5, $0x0  }
0x1f: {  	s9 =	smul.u32 $0xF7A, s1;
	s8 =	simm.s32 @!p0 $0x1BF5;
	p2 =	por !p2, p0  }
0x20: {  	[sflag:s8] =	ssyncset.s32 @!p0 $0xFFFFF086;
	s6 =	sadd.s32 @!p0 s3, s7;
	s7 =	simm.s32 @!p0 $0x108  }
0x21: {  	s3 =	sadd.s32 s3, s9;
	s6 =	sadd.s32 @!p0 $0x88, s6;
	s7 =	simm.s32 @p2 $0x1082  }
0x22: {  	[simem:s7], [sflag:s8] =	dma.local @!p0 [hbm:s6], $0xF7A  }
0x23: {  	s9 =	sor.u32 $0xD0000000, s2;
	s6 =	simm.s32 $0x108;
	_ =	swait.ge @!p0 [sflag:s8], $0x0  }
0x24: {  	s3 =	sadd.s32 $0x88, s3;
	s6 =	simm.s32 @!p1 $0x1082;
	[sflag:s4] =	ssyncset.s32 $0xFFFFF086  }
0x25: {  	[simem:s6], [sflag:s4] =	dma.local [hbm:s3], $0xF7A  }
0x26: {  	[smem:$0x3F95] =	sst s1;
	(tag) =	ssettag s2;
	_ =	strace s9  }
0x27: {  	s1 =	sld [smem:$0x3FA5]  }
0x28: {  	s2 =	sld [smem:$0x3FA6]  }
0x29: {  	s4 =	sld [smem:$0x3FA8]  }
0x2a: {  	p0 =	seq.s32 s5, $0x0;
	s5 =	sld [smem:$0x3FA9]  }
0x2b: {  	s6 =	sld [smem:$0x3FAA]  }
0x2c: {  	s7 =	sld [smem:$0x3FAB]  }
0x2d: {  	s3 =	simm.s32 $0x108;
	s8 =	sld [smem:$0x3FAC]  }
0x2e: {  	s3 =	simm.s32 @!p0 $0x1082;
	s9 =	sld [smem:$0x3FAD]  }
0x2f: {  	lr =	sadd.s32 s0, s3;
	s0 =	sld [smem:$0x3FA4]  }
0x30: {  	s3 =	sld [smem:$0x3FA7]  }
0x31: {  	[smem:$0x3FB0] =	sst s10  }
0x32: {  	s10 =	sld [smem:$0x3FAE];
	_ =	sdelay $0x3  }
0x33: {  	p0 =	seq.s32 s10, $0x1;
	s10 =	sld [smem:$0x3FB0];
	_ =	sdelay $0x3  }
0x34: {  	[smem:$0x3FB0] =	sst s10  }
0x35: {  	s10 =	sld [smem:$0x3FAF];
	_ =	sdelay $0x3  }
0x36: {  	p1 =	seq.s32 s10, $0x1;
	s10 =	sld [smem:$0x3FB0];
	_ =	sdelay $0x3  }
0x37: {  	[smem:$0x3FB0] =	sst s10  }
0x38: {  	s10 =	sld [smem:$0x3FB1]  }
0x39: {  	_ = 	snop;
	(pc) =	sbr.ind lr, $3  }
0x3a: {  	_ = 	snop  }
0x3b: {  	_ = 	snop  }
0x3c: {  	p2 =	seq.s32 s10, $0x1;
	s10 =	sld [smem:$0x3FB0]  }
0x3d: {  	_ =	shalt  }
0x3e: {  	_ =	shalt  }
0x3f: {  	_ =	shalt  }
0x40: {  	_ =	shalt  }
0x41: {  	_ =	shalt  }
0x42: {  	_ =	shalt  }
0x43: {  	_ =	shalt  }
0x44: {  	_ =	shalt  }
0x45: {  	_ =	shalt  }
0x46: {  	_ =	shalt  }
0x47: {  	_ =	shalt  }
0x48: {  	_ =	shalt  }
0x49: {  	_ =	shalt  }
0x4a: {  	_ =	shalt  }
0x4b: {  	_ =	shalt  }
0x4c: {  	_ =	shalt  }
0x4d: {  	_ =	shalt  }
0x4e: {  	_ =	shalt  }
0x4f: {  	_ =	shalt  }
0x50: {  	_ =	shalt  }
0x51: {  	_ =	shalt  }
0x52: {  	_ =	shalt  }
0x53: {  	_ =	shalt  }
0x54: {  	_ =	shalt  }
0x55: {  	_ =	shalt  }
0x56: {  	_ =	shalt  }
0x57: {  	_ =	shalt  }
0x58: {  	_ =	shalt  }
0x59: {  	_ =	shalt  }
0x5a: {  	_ =	shalt  }
0x5b: {  	_ =	shalt  }
0x5c: {  	_ =	shalt  }
0x5d: {  	_ =	shalt  }
0x5e: {  	_ =	shalt  }
0x5f: {  	_ =	shalt  }
0x60: {  	_ =	shalt  }
0x61: {  	_ =	shalt  }
0x62: {  	_ =	shalt  }
0x63: {  	_ =	shalt  }
0x64: {  	_ =	shalt  }
0x65: {  	_ =	shalt  }
0x66: {  	_ =	shalt  }
0x67: {  	_ =	shalt  }
0x68: {  	_ =	shalt  }
0x69: {  	_ =	shalt  }
0x6a: {  	_ =	shalt  }
0x6b: {  	_ =	shalt  }
0x6c: {  	_ =	shalt  }
0x6d: {  	_ =	shalt  }
0x6e: {  	_ =	shalt  }
0x6f: {  	_ =	shalt  }
0x70: {  	_ =	shalt  }
0x71: {  	_ =	shalt  }
0x72: {  	_ =	shalt  }
0x73: {  	_ =	shalt  }
0x74: {  	_ =	shalt  }
0x75: {  	_ =	shalt  }
0x76: {  	_ =	shalt  }
0x77: {  	_ =	shalt  }
0x78: {  	_ =	shalt  }
0x79: {  	_ =	shalt  }
0x7a: {  	_ =	shalt  }
0x7b: {  	_ =	shalt  }
0x7c: {  	_ =	shalt  }
0x7d: {  	_ =	shalt  }
0x7e: {  	_ =	shalt  }
0x7f: {  	_ =	shalt  }
0x80: {  	_ =	shalt  }
0x81: {  	_ =	shalt  }
0x82: {  	_ =	shalt  }
0x83: {  	_ =	shalt  }
0x84: {  	_ =	shalt  }
0x85: {  	_ =	shalt  }
0x86: {  	_ =	shalt  }
0x87: {  	_ =	shalt  }
.Lfunc_end0:
.L_simem_size_0:
called_computation.4_lowered:
.L_overlay_start_0:
0x88: {  	s2 =	sld [smem:$0x3FD9]  }
0x89: {  	s3 =	sld [smem:$0x3FFE];
	_ =	sdelay $0x1  }
0x8a: {  	s1 =	srdreg.scid  }
0x8b: {  	s0 =	sand.u32 $0x1, s1  }
0x8c: {  	s17 =	sshll.u32 s0, $0xA;
	s2 =	sadd.s32 s3, s2  }
0x8d: {  	s2 =	sadd.s32 s2, s17  }
0x8e: {  	[smem:$0x3FBC] =	sst s2  }
0x8f: {  	_ = 	snop  }
0x90: {  	s18 =	sld [smem:$0x3FD0];
	(tm) =	ssettm $0x1  }
0x91: {  	s19 =	sld [smem:$0x3FFB];
	_ =	sdelay $0x3  }
0x92: {  	_ =	strace s19  }
0x93: {  	s2 =	sld [smem:$0x3FFC];
	_ =	sdelay $0x3  }
0x94: {  	_ =	strace s2  }
0x95: {  	s2 =	sld [smem:$0x3FFD];
	_ =	sdelay $0x3  }
0x96: {  	_ =	strace s2  }
0x97: {  	_ =	strace $0x8FFFFFFF  }
0x98: {  	s20 =	sld [smem:$0x3FDB];
	_ =	sdelay $0x1  }
0x99: {  	s4 =	simm.s32 $_scs_section_size  }
0x9a: {  	s5 =	simm.s32 $_size__tile_overlayer_lowered;
	s6 =	simm.s32 $_tile_overlayer_lowered  }
0x9b: {  	s7 =	simm.s32 $0x1BFF;
	s21 =	sshll.u32 s6, $0x1;
	s4 =	sadd.s32 s4, s20  }
0x9c: {  	s22 =	simm.s32 $0x0;
	s5 =	sshll.u32 s5, $0x1;
	s6 =	sadd.s32 s21, s4  }
0x9d: {  	[timem:s22], [sflag:s7] =	dma.local [hbm:s6], s5  }
0x9e: {  	_ =	swait.ge [sflag:s7], s5  }
0x9f: {  	s5 =	ssub.s32 $0x0, s5;
	[sflag:s7] =	ssyncset.done $0x0  }
0xa0: {  	[sflag:s7] =	ssyncadd.s32 s5;
	_ =	sdelay $0x1  }
0xa1: {  	s23 =	simm.s32 $0x1B8B  }
0xa2: {  	_ =	swait.ge [sflag:s23], $0x1  }
0xa3: {  	[sflag:s23] =	ssyncset.done $0x0  }
0xa4: {  	[sflag:s23] =	ssyncadd.s32 $0xFFFFFFFF  }
0xa5: {  	s5 =	sld [smem:$0x0]  }
0xa6: {  	s6 =	sand.u32 $0xFFFFFFFE, s1  }
0xa7: {  	p0 =	sne.s32 s1, s6  }
0xa8: {  	s6 =	sshll.u32 @p0 s6, $0xE  }
0xa9: {  	s6 =	sadd.s32 @p0 $0x11B8D, s6;
	s7 =	sshll.u32 @p0 s5, $0x11  }
0xaa: {  	s6 =	sor.u32 @p0 s7, s6  }
0xab: {  	[sflag:s6] =	ssyncadd.remote.s32 @p0 $0x1;
	_ =	sdelay $0x1  }
0xac: {  	s6 =	simm.s32 @p0 $0x1B8D  }
0xad: {  	_ =	swait.eq @p0 [sflag:s6], $0x1  }
0xae: {  	[sflag:s6] =	ssyncadd.s32 @p0 $0xFFFFFFFF  }
0xaf: {  	s7 =	sshll.u32 @!p0 s1, $0xE  }
0xb0: {  	s7 =	sor.u32 @!p0 $0x4000, s7;
	s6 =	simm.s32 @!p0 $0x1B8D  }
0xb1: {  	s5 =	sshll.u32 @!p0 s5, $0x11;
	s7 =	sadd.s32 @!p0 $0x11B8D, s7;
	_ =	swait.eq @!p0 [sflag:s6], $0x1  }
0xb2: {  	s5 =	sor.u32 @!p0 s5, s7;
	[sflag:s6] =	ssyncadd.s32 @!p0 $0xFFFFFFFF  }
0xb3: {  	s25 =	simm.s32 $0x1B8E;
	s24 =	sld [smem:$0x3FFE];
	[sflag:s5] =	ssyncadd.remote.s32 @!p0 $0x1  }
0xb4: {  	s26 =	simm.s32 $execute0_lowered;
	[smem:$0x3FD2] =	sst s25  }
0xb5: {  	s6 =	sshll.u32 s26, $0x1;
	_ =	strace $0x80000052;
	[dreg:$0x1] =	wrdreg $0xFFFFFFFF  }
0xb6: {  	s28 =	simm.s32 $_size_execute0_lowered;
	s4 =	sadd.s32 s4, s6;
	[dreg:$0x0] =	wrdreg $0x0  }
0xb7: {  	s6 =	sshll.u32 s28, $0x1;
	[dreg:$0x2] =	wrdreg s4  }
0xb8: {  	[dreg:$0x3] =	wrdreg s6  }
0xb9: {  	[dreg:$0x4] =	wrdreg $0xC0  }
0xba: {  	_ =	task [dreg:s22], $0x5FFFF  }
0xbb: {  	[dreg:$0x1] =	wrdreg $0xFFFFFFFF  }
0xbc: {  	[dreg:$0x0] =	wrdreg $0x60  }
0xbd: {  	[dreg:$0x2] =	wrdreg s24  }
0xbe: {  	[dreg:$0x3] =	wrdreg s18  }
0xbf: {  	[dreg:$0x4] =	wrdreg $0xD  }
0xc0: {  	_ =	task.clear_ibuf [dreg:s22], $0x5FFFF;
	_ =	strace $0x90000052  }
0xc1: {  	s29 =	simm.s32 $0xD;
	_ =	strace $0x80000054  }
0xc2: {  	_ =	swait.ge [sflag:s29], $0x1  }
0xc3: {  	[sflag:s29] =	ssyncadd.s32 $0xFFFFFFFF  }
0xc4: {  	_ =	strace $0x90000054  }
0xc5: {  	_ =	sfence  }
0xc6: {  	s30 =	sld [smem:$0x0];
	_ =	sdelay $0x2  }
0xc7: {  	s31 =	sshll.u32 s1, $0xD;
	s1 =	sshrl.u32 s1, $0x2  }
0xc8: {  	s4 =	sand.u32 $0x4000, s31;
	s1 =	sadd.s32 s1, s30  }
0xc9: {  	s0 =	sor.u32 s4, s0;
	s1 =	sshll.u32 s1, $0x11  }
0xca: {  	s0 =	sor.u32 s1, s0  }
0xcb: {  	s0 =	sadd.s32 $0x8F2B, s0  }
0xcc: {  	[sflag:s0] =	ssyncadd.remote.s32 $0x1  }
0xcd: {  	_ =	sfence.sel $0xFFFF  }
0xce: {  	[dreg:$0x0] =	wrdreg $0xFFFFFFFF;
	(pc) =	sbr.abs _section_cstart, $3  }
0xcf: {  	[dreg:$0x1] =	wrdreg $0xFFFFFFFF  }
0xd0: {  	_ =	task.clear_ibuf [dreg:s22], $0x2FFFF;
	_ =	strace $0x9FFFFFFF  }
0xd1: {  	(tm) =	ssettm $0x7FFFFFFF  }
tec
execute0_lowered:
.L_overlay_start_1:
0x0: {  	(tag) =	ssettag $0x1  }
0x1: {  	s4 =	rddreg [dreg:$0x0]  }
0x2: {  	s1 =	srdreg.scid;
	s0 =	stileid.u32  }
0x3: {  	s2 =	rddreg [dreg:$0x1];
	s3 =	simm.s32 $0x0;
	s12 =	simm.s32 $0x3000  }
0x4: {  	s13 =	simm.s32 $0xA0;
	s14 =	simm.s32 $0x5800;
	s15 =	simm.s32 $0x1  }
0x5: {  	s16 =	simm.s32 $0xF0;
	s17 =	simm.s32 $0x8000;
	s18 =	simm.s32 $0x2  }
0x6: {  	s19 =	simm.s32 $0x0;
	s5 =	sand.u32 $0x1, s1;
	s1 =	rddreg [dreg:$0x2]  }
0x7: {  	s6 =	sshll.u32 s0, $0x1;
	[smem:$0x7FF] =	sst s3;
	s10 =	smul.u32 $0xFA00, s0  }
0x8: {  	s11 =	sadd.s32 $0x3F5A00, s4;
	s6 =	sor.u32 s5, s6;
	s30 =	smul.u32 $0x7D00, s5  }
0x9: {  	_ =	strace $0x80000053;
	s8 =	ssub.s32 $0x2, s5;
	s7 =	smul.u32 $0x7D0, s6  }
0xa: {  	s6 =	smul.u32 $0x7D00, s6;
	s9 =	sshrl.u32 s8, $0x1;
	s10 =	sadd.s32 s10, s11  }
0xb: {  	s8 =	ssub.s32 s8, s9;
	s31 =	sadd.s32 s30, s10;
	s9 =	simm.s32 $0x3  }
0xc: {  	s10 =	simm.s32 $0x50;
	s7 =	sshrl.u32 s7, $0x3;
	s5 =	sadd.s32 s11, s6  }
0xd: {  	s6 =	smax.u32 s8, $0x1;
	s8 =	sadd.s32 $0xA00, s31;
	s7 =	sadd.s32 s7, s4  }
0xe: {  	s11 =	simm.s32 $0x800;
	s4 =	sadd.s32 $0xBA00, s7;
	s7 =	sadd.s32 $0x500, s5  }
.LBB2_1:
0xf: {  	[tilespmem:s3], [sflag:$0x3] =	stream.linear.gather [hbm4b:s4+s3], $0x7D0, $0x38;
	[tilespmem:$0xA800] =	vst v63  }
0x10: {  	_ =	swait.ge [sflag:s9], $0x7D0  }
0x11: {  	[sflag:s9] =	ssyncset.done $0x0  }
0x12: {  	[sflag:s9] =	ssyncadd.s32 $0xFFFFF830  }
0x13: {  	[tilespmem:s11], [sflag:$0x1] =	stream.indirect.gather [hbm4b:s2+s10], $0x80, s3, s10, $0xb8;
	[tilespmem:$0xA800] =	vst v63  }
0x14: {  	_ = 	snop  }
0x15: {  	[tilespmem:s12], [sflag:$0x1] =	stream.indirect.gather [hbm4b:s2+s10], $0x80, s10, s10, $0xb8;
	[tilespmem:$0xA800] =	vst v63  }
0x16: {  	_ = 	snop  }
0x17: {  	[tilespmem:s14], [sflag:$0x1] =	stream.indirect.gather [hbm4b:s2+s10], $0x80, s13, s10, $0xb8;
	[tilespmem:$0xA800] =	vst v63  }
0x18: {  	_ =	swait.ge [sflag:s15], $0x2800  }
0x19: {  	[sflag:s15] =	ssyncset.done $0x0  }
0x1a: {  	[sflag:s15] =	ssyncadd.s32 $0xFFFFD800  }
0x1b: {  	[hbm4b:s5+s3] =	stream.linear.scatter [tilespmem:s11], [sflag:$0x2], $0x2800, $0x38;
	[tilespmem:$0xA800] =	vst v63  }
0x1c: {  	s20 =	simm.s32 $0x4;
	p0 =	por $0x0, $0x0  }
0x1d: {  	[tilespmem:s17], [sflag:$0x1] =	stream.indirect.gather [hbm4b:s2+s10], $0x80, s16, s10, $0xb8;
	[tilespmem:$0xA800] =	vst v63  }
0x1e: {  	s21 =	simm.s32 $0x140;
	s23 =	simm.s32 $0x5;
	_ =	swait.ge [sflag:s15], $0x2800  }
0x1f: {  	s25 =	simm.s32 $0x2;
	s20 =	sand.u32 @!p0 $0x3, s20;
	[sflag:s15] =	ssyncset.done $0x0  }
0x20: {  	s24 =	simm.s32 @!p0 $0x2;
	s20 =	smul.u32 @!p0 $0xA000, s20;
	[sflag:s15] =	ssyncadd.s32 $0xFFFFD800  }
0x21: {  	[hbm4b:s7+s3] =	stream.linear.scatter [tilespmem:s12], [sflag:$0x2], $0x2800, $0x38;
	[tilespmem:$0xA800] =	vst v63  }
0x22: {  	s22 =	simm.s32 $0x6;
	s25 =	sand.u32 $0x3, s25;
	_ =	swait.ge @!p0 [sflag:s24], $0x2800  }
0x23: {  	s26 =	smul.u32 $0xA000, s25;
	s20 =	sshrl.u32 @!p0 s20, $0x2;
	[sflag:s24] =	ssyncset.done @!p0 $0x0  }
0x24: {  	s20 =	sadd.s32 @!p0 $0x800, s20;
	[sflag:s24] =	ssyncadd.s32 @!p0 $0xFFFFD800;
	s24 =	simm.s32 @!p0 $0x50  }
0x25: {  	[tilespmem:s20], [sflag:$0x1] =	stream.indirect.gather @!p0 [hbm4b:s2+s24], $0x80, s21, s24, $0xb8;
	[tilespmem:$0xA800] =	vst v63  }
0x26: {  	s25 =	simm.s32 $0x3;
	s21 =	simm.s32 $0x190;
	_ =	swait.ge [sflag:s15], $0x2800  }
0x27: {  	s20 =	sadd.s32 $0x500, s8;
	s24 =	smov.u32 s8;
	[sflag:s15] =	ssyncset.done $0x0  }
.LBB2_2:
0x28: {  	p0 =	sgt.u32 s25, $0x16;
	s26 =	sshrl.u32 s26, $0x2;
	s28 =	smov.u32 s22  }
0x29: {  	s22 =	sadd.s32 $0x1, s22;
	s29 =	smov.u32 s24;
	s24 =	smov.u32 s20  }
0x2a: {  	s23 =	sand.u32 @!p0 $0x3, s23;
	s30 =	simm.s32 @!p0 $0x2;
	s26 =	sadd.s32 $0x800, s26  }
0x2b: {  	p1 =	sne.s32 s22, $0x1B;
	s23 =	smul.u32 @!p0 $0xA000, s23;
	[sflag:s15] =	ssyncadd.s32 $0xFFFFD800  }
0x2c: {  	[hbm4b:s29+s3] =	stream.linear.scatter [tilespmem:s26], [sflag:$0x2], $0x2800, $0x38;
	[tilespmem:$0xA800] =	vst v63  }
0x2d: {  	_ =	swait.ge @!p0 [sflag:s30], $0x2800;
	s26 =	sshrl.u32 @!p0 s23, $0x2;
	s23 =	smov.u32 s28  }
.Ltmp0:
0x2e: {  	[sflag:s30] =	ssyncset.done @!p0 $0x0;
	s26 =	sadd.s32 @!p0 $0x800, s26;
	(pc) =	sbr.rel @p1 .LBB2_2-.Ltmp0, $4  }
0x2f: {  	s25 =	sand.u32 $0x3, s25;
	s28 =	simm.s32 @!p0 $0x50;
	[sflag:s30] =	ssyncadd.s32 @!p0 $0xFFFFD800  }
0x30: {  	[tilespmem:s26], [sflag:$0x1] =	stream.indirect.gather @!p0 [hbm4b:s2+s28], $0x80, s21, s28, $0xb8;
	[tilespmem:$0xA800] =	vst v63  }
0x31: {  	s26 =	smul.u32 $0xA000, s25;
	s21 =	sadd.s32 $0x50, s21;
	_ =	swait.ge [sflag:s15], $0x2800  }
0x32: {  	s20 =	sadd.s32 $0x500, s20;
	s25 =	sadd.s32 $0xFFFFFFFE, s23;
	[sflag:s15] =	ssyncset.done $0x0  }
0x33: {  	p0 =	sgt.u32 s25, $0x16  }
0x34: {  	s22 =	sshrl.u32 s26, $0x2;
	[sflag:s15] =	ssyncadd.s32 $0xFFFFD800;
	s23 =	sand.u32 @!p0 $0x3, s23  }
0x35: {  	s26 =	simm.s32 @!p0 $0x2;
	s22 =	sadd.s32 $0x800, s22;
	s23 =	smul.u32 @!p0 $0xA000, s23  }
0x36: {  	[hbm4b:s24+s3] =	stream.linear.scatter [tilespmem:s22], [sflag:$0x2], $0x2800, $0x38;
	[tilespmem:$0xA800] =	vst v63  }
0x37: {  	s30 =	sand.u32 $0x3, s25;
	_ =	swait.ge @!p0 [sflag:s26], $0x2800  }
0x38: {  	s31 =	smul.u32 $0xA000, s30;
	s22 =	sshrl.u32 @!p0 s23, $0x2;
	[sflag:s26] =	ssyncset.done @!p0 $0x0  }
0x39: {  	s24 =	simm.s32 @!p0 $0x50;
	s22 =	sadd.s32 @!p0 $0x800, s22;
	[sflag:s26] =	ssyncadd.s32 @!p0 $0xFFFFD800  }
0x3a: {  	[tilespmem:s22], [sflag:$0x1] =	stream.indirect.gather @!p0 [hbm4b:s2+s24], $0x80, s21, s24, $0xb8;
	[tilespmem:$0xA800] =	vst v63  }
0x3b: {  	_ =	swait.ge [sflag:s15], $0x2800  }
0x3c: {  	s21 =	sshrl.u32 s31, $0x2;
	[sflag:s15] =	ssyncset.done $0x0  }
0x3d: {  	s21 =	sadd.s32 $0x800, s21;
	[sflag:s15] =	ssyncadd.s32 $0xFFFFD800  }
0x3e: {  	[hbm4b:s20+s3] =	stream.linear.scatter [tilespmem:s21], [sflag:$0x2], $0x2800, $0x38;
	[tilespmem:$0xA800] =	vst v63  }
0x3f: {  	_ =	swait.ge [sflag:s18], $0x2800  }
0x40: {  	[sflag:s18] =	ssyncset.done $0x0  }
0x41: {  	[sflag:s18] =	ssyncadd.s32 $0xFFFFD800  }
0x42: {  	_ =	swait.ge [sflag:s18], $0x2800  }
0x43: {  	[sflag:s18] =	ssyncset.done $0x0  }
0x44: {  	s19 =	sadd.s32 $0x1, s19;
	[sflag:s18] =	ssyncadd.s32 $0xFFFFD800  }
0x45: {  	p0 =	sne.s32 s19, s6;
	_ =	swait.ge [sflag:s18], $0x2800  }
.Ltmp1:
0x46: {  	[sflag:s18] =	ssyncset.done $0x0;
	(pc) =	sbr.rel @p0 .LBB2_1-.Ltmp1, $4  }
0x47: {  	[sflag:s18] =	ssyncadd.s32 $0xFFFFD800  }
0x48: {  	_ =	swait.ge [sflag:s18], $0x2800  }
0x49: {  	[sflag:s18] =	ssyncset.done $0x0  }
0x4a: {  	[sflag:s18] =	ssyncadd.s32 $0xFFFFD800  }
0x4b: {  	_ =	sfence.sel $0x180000  }
0x4c: {  	[bflag:$0x0] =	sbarrier.arrive $0xFFFF  }
0x4d: {  	p0 =	sne.s32 s0, $0x0;
	_ =	strace $0x90000053  }
0x4e: {  	s0 =	sadd.s32 @!p0 $0x100000, s1;
	[bflag:$0x2] =	sbarrier.arrive $0xFFFF  }
0x4f: {  	[sflag:s0] =	ssyncadd.tile.s32 @!p0 $0x1;
	_ =	shalt  }
.Lfunc_end2:
_tile_overlayer_lowered:
.L_overlay_start_2:
0x50: {  	(tag) =	ssettag $0x2  }
0x51: {  	s0 =	rddreg [dreg:$0x0];
	s2 =	stileid.u32  }
0x52: {  	s1 =	rddreg [dreg:$0x1];
	p0 =	sne.s32 s2, $0x0  }
0x53: {  	s3 =	rddreg [dreg:$0x2];
	[bflag:$0x3] =	sbarrier.arrive $0xFFFF;
	s2 =	simm.s32 @!p0 $0x1C03  }
0x54: {  	[timem:s3], [sflag:s2] =	dma.local @!p0 [hbm:s0], s1  }
0x55: {  	s0 =	simm.s32 @!p0 $0x3  }
0x56: {  	_ =	swait.ge @!p0 [sflag:s0], s1  }
0x57: {  	s1 =	ssub.s32 @!p0 $0x0, s1;
	[sflag:s0] =	ssyncset.done @!p0 $0x0  }
0x58: {  	[sflag:s0] =	ssyncadd.s32 @!p0 s1  }
0x59: {  	[bflag:$0x3] =	sbarrier.arrive $0xFFFF  }
0x5a: {  	_ =	shalt  }

</sc_bundles>
